<compile_context>
chip_gen: v7x
topology: tpu7x:2x2x1
jax: 0.10.2.dev20260603
libtpu: 0.0.44.dev20260713+nightly
codegen_flags: <defaults>
</compile_context>

<pallas_src>
import functools

import jax
import jax.numpy as jnp
from jax import lax
from jax.experimental import pallas as pl
from jax.experimental.pallas import tpu as pltpu
from jax.experimental.pallas import tpu_sc as plsc

D = 128
B = 16384
L = 16

_info = plsc.get_sparse_core_info()
_NC, _NS = _info.num_cores, _info.num_subcores
NW = _NC * _NS
ROWS_PER_W = B // NW
TOT_ROWS = 2 * ROWS_PER_W
CHUNK = 64
NITER = TOT_ROWS // CHUNK
GROUPS = CHUNK // L
NBUF = 6
RBLK = 8


def _make_kernel():
    mesh = plsc.VectorSubcoreMesh(core_axis_name="c", subcore_axis_name="s")

    @functools.partial(
        pl.kernel,
        mesh=mesh,
        compiler_params=pltpu.CompilerParams(needs_layout_passes=False),
        out_type=(
            jax.ShapeDtypeStruct((B,), jnp.float32),
            jax.ShapeDtypeStruct((B,), jnp.float32),
        ),
        scratch_types=[
            pltpu.VMEM((TOT_ROWS,), jnp.int32),
            pltpu.VMEM((TOT_ROWS,), jnp.int32),
            pltpu.VMEM((TOT_ROWS,), jnp.int32),
            pltpu.VMEM((NBUF, CHUNK, D), jnp.float32),
            pltpu.VMEM((NBUF, CHUNK, D), jnp.float32),
            pltpu.VMEM((TOT_ROWS,), jnp.float32),
            pltpu.VMEM_SHARED((1000, D), jnp.float32),
            pltpu.SemaphoreType.DMA((NBUF,)),
            pltpu.SemaphoreType.DMA((NBUF,)),
            pltpu.SemaphoreType.DMA((NBUF,)),
        ],
    )
    def trans_e(pos_h, pos_t, pos_r, neg_h, neg_t, neg_r, ent_emb, rel_emb,
                pos_out, neg_out,
                idxh_v, idxt_v, idxr_v, h_v, t_v, out_v, rel_sh,
                sems_h, sems_t, sems_r):
        wid = lax.axis_index("s") * _NC + lax.axis_index("c")
        base = wid * ROWS_PER_W
        lane_ids = lax.iota(jnp.int32, L)

        idx_copies = [
            pltpu.async_copy(src.at[pl.ds(base, ROWS_PER_W)],
                             dst.at[pl.ds(half, ROWS_PER_W)], sems_h.at[0])
            for src, dst, half in (
                (pos_h, idxh_v, 0), (neg_h, idxh_v, ROWS_PER_W),
                (pos_t, idxt_v, 0), (neg_t, idxt_v, ROWS_PER_W),
                (pos_r, idxr_v, 0), (neg_r, idxr_v, ROWS_PER_W),
            )
        ]
        for cp in idx_copies:
            cp.wait()

        def fire_ht(i, b):
            off = i * CHUNK
            pltpu.async_copy(
                ent_emb.at[idxh_v.at[pl.ds(off, CHUNK)]], h_v.at[b],
                sems_h.at[b])
            pltpu.async_copy(
                ent_emb.at[idxt_v.at[pl.ds(off, CHUNK)]], t_v.at[b],
                sems_t.at[b])

        def fire_radd(i, b):
            off = i * CHUNK
            pltpu.async_copy(
                rel_sh.at[idxr_v.at[pl.ds(off, CHUNK)]], h_v.at[b],
                sems_r.at[b], add=True)

        def wait_h(b):
            pltpu.make_async_copy(
                ent_emb.at[pl.ds(0, CHUNK)], h_v.at[b], sems_h.at[b]).wait()

        def wait_t(b):
            pltpu.make_async_copy(
                ent_emb.at[pl.ds(0, CHUNK)], t_v.at[b], sems_t.at[b]).wait()

        def wait_r(b):
            pltpu.make_async_copy(
                ent_emb.at[pl.ds(0, CHUNK)], h_v.at[b], sems_r.at[b]).wait()

        for b in range(NBUF):
            fire_ht(b, b)

        @pl.when(lax.axis_index("s") == 0)
        def _stage_rel():
            pltpu.sync_copy(rel_emb, rel_sh)

        plsc.subcore_barrier()
        wait_h(0)
        fire_radd(0, 0)

        def iter_body(i, _):
            b = lax.rem(i, NBUF)
            b1 = lax.rem(i + 1, NBUF)

            @pl.when(i + 1 < NITER)
            def _radd_next():
                wait_h(b1)
                fire_radd(i + 1, b1)

            wait_t(b)
            wait_r(b)

            @plsc.parallel_loop(0, GROUPS, unroll=1)
            def group_body(g):
                def block_body(k, total, g=g):
                    for kk in range(RBLK):
                        rr = k * RBLK + kk
                        acc = jnp.zeros((L,), jnp.float32)
                        for j in range(D // L):
                            hr = h_v[b, g * L + rr, pl.ds(j * L, L)]
                            t = t_v[b, g * L + rr, pl.ds(j * L, L)]
                            acc = acc + jnp.abs(hr - t)
                        total = jnp.where(
                            lane_ids == rr, jnp.sum(acc), total)
                    return total

                total = lax.fori_loop(
                    0, L // RBLK, block_body, jnp.zeros((L,), jnp.float32))
                out_v[pl.ds(i * CHUNK + g * L, L)] = total

            @pl.when(i + NBUF < NITER)
            def _fire_next():
                fire_ht(i + NBUF, b)
            return 0

        lax.fori_loop(0, NITER, iter_body, 0)

        cp_pos = pltpu.async_copy(out_v.at[pl.ds(0, ROWS_PER_W)],
                                  pos_out.at[pl.ds(base, ROWS_PER_W)],
                                  sems_h.at[0])
        cp_neg = pltpu.async_copy(out_v.at[pl.ds(ROWS_PER_W, ROWS_PER_W)],
                                  neg_out.at[pl.ds(base, ROWS_PER_W)],
                                  sems_t.at[0])
        cp_pos.wait()
        cp_neg.wait()

    return trans_e


_trans_e = _make_kernel()


@jax.jit
def kernel(pos_h, pos_t, pos_r, neg_h, neg_t, neg_r, ent_emb, rel_emb):
    return _trans_e(pos_h, pos_t, pos_r, neg_h, neg_t, neg_r, ent_emb, rel_emb)

# --- scband reference (transcript-rebuilt; emitter-appended) ---
"""Pipeline reference for scband-trans-emodel-10290741641511 (READ-ONLY COPY).

The authoritative reference and input builder live on the scoring server;
editing this copy changes nothing except your own understanding.
"""

import jax, jax.numpy as jnp
import numpy as np

ENTITY_TOTAL = 100000
RELATION_TOTAL = 1000
EMBED_DIM = 128
BATCH = 16384
L1_FLAG = True

def _l2_normalize(x, axis=1, eps=1e-12):
    n = jnp.sqrt(jnp.sum(x * x, axis=axis, keepdims=True))
    return x / jnp.maximum(n, eps)

def setup_inputs(seed: int = 0) -> dict:
    key = jax.random.key(seed)
    k1, k2, k3, k4, k5, k6, k7, k8 = jax.random.split(key, 8)
    # Xavier-uniform init then L2-normalize rows, matching the torch __init__
    lim_e = float(np.sqrt(6.0 / (ENTITY_TOTAL + EMBED_DIM)))
    lim_r = float(np.sqrt(6.0 / (RELATION_TOTAL + EMBED_DIM)))
    ent_emb = jax.random.uniform(k7, (ENTITY_TOTAL, EMBED_DIM), jnp.float32, -lim_e, lim_e)
    rel_emb = jax.random.uniform(k8, (RELATION_TOTAL, EMBED_DIM), jnp.float32, -lim_r, lim_r)
    ent_emb = _l2_normalize(ent_emb, axis=1)
    rel_emb = _l2_normalize(rel_emb, axis=1)
    return {
        "pos_h": jax.random.randint(k1, (BATCH,), 0, ENTITY_TOTAL, dtype=jnp.int32),
        "pos_t": jax.random.randint(k2, (BATCH,), 0, ENTITY_TOTAL, dtype=jnp.int32),
        "pos_r": jax.random.randint(k3, (BATCH,), 0, RELATION_TOTAL, dtype=jnp.int32),
        "neg_h": jax.random.randint(k4, (BATCH,), 0, ENTITY_TOTAL, dtype=jnp.int32),
        "neg_t": jax.random.randint(k5, (BATCH,), 0, ENTITY_TOTAL, dtype=jnp.int32),
        "neg_r": jax.random.randint(k6, (BATCH,), 0, RELATION_TOTAL, dtype=jnp.int32),
        "ent_emb": ent_emb,
        "rel_emb": rel_emb,
    }

def reference(pos_h, pos_t, pos_r, neg_h, neg_t, neg_r, ent_emb, rel_emb):
    # embedding lookups (SparseCore gathers)
    pos_h_e = jnp.take(ent_emb, pos_h, axis=0)
    pos_t_e = jnp.take(ent_emb, pos_t, axis=0)
    pos_r_e = jnp.take(rel_emb, pos_r, axis=0)
    neg_h_e = jnp.take(ent_emb, neg_h, axis=0)
    neg_t_e = jnp.take(ent_emb, neg_t, axis=0)
    neg_r_e = jnp.take(rel_emb, neg_r, axis=0)
    # dropout p=0.0 (eval) -> identity
    if L1_FLAG:
        pos = jnp.sum(jnp.abs(pos_h_e + pos_r_e - pos_t_e), axis=1)
        neg = jnp.sum(jnp.abs(neg_h_e + neg_r_e - neg_t_e), axis=1)
    else:
        pos = jnp.sum((pos_h_e + pos_r_e - pos_t_e) ** 2, axis=1)
        neg = jnp.sum((neg_h_e + neg_r_e - neg_t_e) ** 2, axis=1)
    return (pos, neg)

if __name__ == "__main__":
    import jax
    _d = setup_inputs()
    print(jax.jit(kernel)(*tuple(_d.values())))

</pallas_src>

<mosaic_0001>
#map = affine_map<(d0, d1) -> (0)>
#map1 = affine_map<(d0, d1) -> (0, 0)>
module attributes {stable_mosaic.version = 14 : i64} {
  func.func @trans_e(%arg0: i32, %arg1: i32, %arg2: memref<16384xi32, #tpu.memory_space<hbm>>, %arg3: memref<16384xi32, #tpu.memory_space<hbm>>, %arg4: memref<16384xi32, #tpu.memory_space<hbm>>, %arg5: memref<16384xi32, #tpu.memory_space<hbm>>, %arg6: memref<16384xi32, #tpu.memory_space<hbm>>, %arg7: memref<16384xi32, #tpu.memory_space<hbm>>, %arg8: memref<100000x128xf32, #tpu.memory_space<hbm>>, %arg9: memref<1000x128xf32, #tpu.memory_space<hbm>>, %arg10: memref<16384xf32, #tpu.memory_space<hbm>>, %arg11: memref<16384xf32, #tpu.memory_space<hbm>>, %arg12: memref<1024xi32, #tpu.memory_space<vmem>>, %arg13: memref<1024xi32, #tpu.memory_space<vmem>>, %arg14: memref<1024xi32, #tpu.memory_space<vmem>>, %arg15: memref<6x64x128xf32, #tpu.memory_space<vmem>>, %arg16: memref<6x64x128xf32, #tpu.memory_space<vmem>>, %arg17: memref<1024xf32, #tpu.memory_space<vmem>>, %arg18: memref<1000x128xf32, #tpu.memory_space<vmem_shared>>, %arg19: memref<6x!tpu.dma_semaphore, #tpu.memory_space<semaphore_mem>>, %arg20: memref<6x!tpu.dma_semaphore, #tpu.memory_space<semaphore_mem>>, %arg21: memref<6x!tpu.dma_semaphore, #tpu.memory_space<semaphore_mem>>) attributes {dimension_semantics = [#tpu.dimension_semantics<core_parallel>, #tpu.dimension_semantics<subcore_parallel>], iteration_bounds = array<i64: 2, 16>, scalar_prefetch = 0 : i64, scratch_operands = 10 : i64, tpu.core_type = #tpu.core_type<sc_vector_subcore>, window_params = [{transform_indices = #map}, {transform_indices = #map}, {transform_indices = #map}, {transform_indices = #map}, {transform_indices = #map}, {transform_indices = #map}, {transform_indices = #map1}, {transform_indices = #map1}, {transform_indices = #map}, {transform_indices = #map}]} {
    %mul3A = arith.constant 2 : i32
    %mul3A_0 = arith.muli %arg1, %mul3A : i32
    %add3A = arith.addi %mul3A_0, %arg0 : i32
    %mul3A_1 = arith.constant 512 : i32
    %mul3A_2 = arith.muli %add3A, %mul3A_1 : i32
    %iota3A = tpu.iota {dimensions = array<i32: 0>} : vector<16xi32>
    %dma_start3A = arith.constant 0 : i32
    %dma_start3A_3 = arith.constant 0 : i32
    %dma_start3A_4 = tpu.memref_slice %arg12[%dma_start3A_3] : memref<1024xi32, #tpu.memory_space<vmem>> -> memref<512xi32, #tpu.memory_space<vmem>>
    %dma_start3A_5 = tpu.memref_slice %arg2[%mul3A_2] : memref<16384xi32, #tpu.memory_space<hbm>> -> memref<512xi32, #tpu.memory_space<hbm>>
    %dma_start3A_6 = tpu.memref_slice %arg19[%dma_start3A] : memref<6x!tpu.dma_semaphore, #tpu.memory_space<semaphore_mem>> -> memref<1x!tpu.dma_semaphore, #tpu.memory_space<semaphore_mem>>
    %dma_start3A_7 = tpu.memref_squeeze %dma_start3A_6 : memref<1x!tpu.dma_semaphore, #tpu.memory_space<semaphore_mem>> -> memref<!tpu.dma_semaphore, #tpu.memory_space<semaphore_mem>>
    %dma_start3A_8 = arith.constant 0 : i32
    %dma_start3A_9 = tpu.memref_slice %arg12[%dma_start3A_8] : memref<1024xi32, #tpu.memory_space<vmem>> -> memref<512xi32, #tpu.memory_space<vmem>>
    %dma_start3A_10 = tpu.memref_slice %arg2[%mul3A_2] : memref<16384xi32, #tpu.memory_space<hbm>> -> memref<512xi32, #tpu.memory_space<hbm>>
    tpu.enqueue_dma source(%dma_start3A_10 : memref<512xi32, #tpu.memory_space<hbm>>) target(%dma_start3A_9 : memref<512xi32, #tpu.memory_space<vmem>>) target_semaphore(%dma_start3A_7 : memref<!tpu.dma_semaphore, #tpu.memory_space<semaphore_mem>>)
    %dma_start3A_11 = arith.constant 0 : i32
    %dma_start3A_12 = arith.constant 512 : i32
    %dma_start3A_13 = tpu.memref_slice %arg12[%dma_start3A_12] : memref<1024xi32, #tpu.memory_space<vmem>> -> memref<512xi32, #tpu.memory_space<vmem>>
    %dma_start3A_14 = tpu.memref_slice %arg5[%mul3A_2] : memref<16384xi32, #tpu.memory_space<hbm>> -> memref<512xi32, #tpu.memory_space<hbm>>
    %dma_start3A_15 = tpu.memref_slice %arg19[%dma_start3A_11] : memref<6x!tpu.dma_semaphore, #tpu.memory_space<semaphore_mem>> -> memref<1x!tpu.dma_semaphore, #tpu.memory_space<semaphore_mem>>
    %dma_start3A_16 = tpu.memref_squeeze %dma_start3A_15 : memref<1x!tpu.dma_semaphore, #tpu.memory_space<semaphore_mem>> -> memref<!tpu.dma_semaphore, #tpu.memory_space<semaphore_mem>>
    %dma_start3A_17 = arith.constant 512 : i32
    %dma_start3A_18 = tpu.memref_slice %arg12[%dma_start3A_17] : memref<1024xi32, #tpu.memory_space<vmem>> -> memref<512xi32, #tpu.memory_space<vmem>>
    %dma_start3A_19 = tpu.memref_slice %arg5[%mul3A_2] : memref<16384xi32, #tpu.memory_space<hbm>> -> memref<512xi32, #tpu.memory_space<hbm>>
    tpu.enqueue_dma source(%dma_start3A_19 : memref<512xi32, #tpu.memory_space<hbm>>) target(%dma_start3A_18 : memref<512xi32, #tpu.memory_space<vmem>>) target_semaphore(%dma_start3A_16 : memref<!tpu.dma_semaphore, #tpu.memory_space<semaphore_mem>>)
    %dma_start3A_20 = arith.constant 0 : i32
    %dma_start3A_21 = arith.constant 0 : i32
    %dma_start3A_22 = tpu.memref_slice %arg13[%dma_start3A_21] : memref<1024xi32, #tpu.memory_space<vmem>> -> memref<512xi32, #tpu.memory_space<vmem>>
    %dma_start3A_23 = tpu.memref_slice %arg3[%mul3A_2] : memref<16384xi32, #tpu.memory_space<hbm>> -> memref<512xi32, #tpu.memory_space<hbm>>
    %dma_start3A_24 = tpu.memref_slice %arg19[%dma_start3A_20] : memref<6x!tpu.dma_semaphore, #tpu.memory_space<semaphore_mem>> -> memref<1x!tpu.dma_semaphore, #tpu.memory_space<semaphore_mem>>
    %dma_start3A_25 = tpu.memref_squeeze %dma_start3A_24 : memref<1x!tpu.dma_semaphore, #tpu.memory_space<semaphore_mem>> -> memref<!tpu.dma_semaphore, #tpu.memory_space<semaphore_mem>>
    %dma_start3A_26 = arith.constant 0 : i32
    %dma_start3A_27 = tpu.memref_slice %arg13[%dma_start3A_26] : memref<1024xi32, #tpu.memory_space<vmem>> -> memref<512xi32, #tpu.memory_space<vmem>>
    %dma_start3A_28 = tpu.memref_slice %arg3[%mul3A_2] : memref<16384xi32, #tpu.memory_space<hbm>> -> memref<512xi32, #tpu.memory_space<hbm>>
    tpu.enqueue_dma source(%dma_start3A_28 : memref<512xi32, #tpu.memory_space<hbm>>) target(%dma_start3A_27 : memref<512xi32, #tpu.memory_space<vmem>>) target_semaphore(%dma_start3A_25 : memref<!tpu.dma_semaphore, #tpu.memory_space<semaphore_mem>>)
    %dma_start3A_29 = arith.constant 0 : i32
    %dma_start3A_30 = arith.constant 512 : i32
    %dma_start3A_31 = tpu.memref_slice %arg13[%dma_start3A_30] : memref<1024xi32, #tpu.memory_space<vmem>> -> memref<512xi32, #tpu.memory_space<vmem>>
    %dma_start3A_32 = tpu.memref_slice %arg6[%mul3A_2] : memref<16384xi32, #tpu.memory_space<hbm>> -> memref<512xi32, #tpu.memory_space<hbm>>
    %dma_start3A_33 = tpu.memref_slice %arg19[%dma_start3A_29] : memref<6x!tpu.dma_semaphore, #tpu.memory_space<semaphore_mem>> -> memref<1x!tpu.dma_semaphore, #tpu.memory_space<semaphore_mem>>
    %dma_start3A_34 = tpu.memref_squeeze %dma_start3A_33 : memref<1x!tpu.dma_semaphore, #tpu.memory_space<semaphore_mem>> -> memref<!tpu.dma_semaphore, #tpu.memory_space<semaphore_mem>>
    %dma_start3A_35 = arith.constant 512 : i32
    %dma_start3A_36 = tpu.memref_slice %arg13[%dma_start3A_35] : memref<1024xi32, #tpu.memory_space<vmem>> -> memref<512xi32, #tpu.memory_space<vmem>>
    %dma_start3A_37 = tpu.memref_slice %arg6[%mul3A_2] : memref<16384xi32, #tpu.memory_space<hbm>> -> memref<512xi32, #tpu.memory_space<hbm>>
    tpu.enqueue_dma source(%dma_start3A_37 : memref<512xi32, #tpu.memory_space<hbm>>) target(%dma_start3A_36 : memref<512xi32, #tpu.memory_space<vmem>>) target_semaphore(%dma_start3A_34 : memref<!tpu.dma_semaphore, #tpu.memory_space<semaphore_mem>>)
    %dma_start3A_38 = arith.constant 0 : i32
    %dma_start3A_39 = arith.constant 0 : i32
    %dma_start3A_40 = tpu.memref_slice %arg14[%dma_start3A_39] : memref<1024xi32, #tpu.memory_space<vmem>> -> memref<512xi32, #tpu.memory_space<vmem>>
    %dma_start3A_41 = tpu.memref_slice %arg4[%mul3A_2] : memref<16384xi32, #tpu.memory_space<hbm>> -> memref<512xi32, #tpu.memory_space<hbm>>
    %dma_start3A_42 = tpu.memref_slice %arg19[%dma_start3A_38] : memref<6x!tpu.dma_semaphore, #tpu.memory_space<semaphore_mem>> -> memref<1x!tpu.dma_semaphore, #tpu.memory_space<semaphore_mem>>
    %dma_start3A_43 = tpu.memref_squeeze %dma_start3A_42 : memref<1x!tpu.dma_semaphore, #tpu.memory_space<semaphore_mem>> -> memref<!tpu.dma_semaphore, #tpu.memory_space<semaphore_mem>>
    %dma_start3A_44 = arith.constant 0 : i32
    %dma_start3A_45 = tpu.memref_slice %arg14[%dma_start3A_44] : memref<1024xi32, #tpu.memory_space<vmem>> -> memref<512xi32, #tpu.memory_space<vmem>>
    %dma_start3A_46 = tpu.memref_slice %arg4[%mul3A_2] : memref<16384xi32, #tpu.memory_space<hbm>> -> memref<512xi32, #tpu.memory_space<hbm>>
    tpu.enqueue_dma source(%dma_start3A_46 : memref<512xi32, #tpu.memory_space<hbm>>) target(%dma_start3A_45 : memref<512xi32, #tpu.memory_space<vmem>>) target_semaphore(%dma_start3A_43 : memref<!tpu.dma_semaphore, #tpu.memory_space<semaphore_mem>>)
    %dma_start3A_47 = arith.constant 0 : i32
    %dma_start3A_48 = arith.constant 512 : i32
    %dma_start3A_49 = tpu.memref_slice %arg14[%dma_start3A_48] : memref<1024xi32, #tpu.memory_space<vmem>> -> memref<512xi32, #tpu.memory_space<vmem>>
    %dma_start3A_50 = tpu.memref_slice %arg7[%mul3A_2] : memref<16384xi32, #tpu.memory_space<hbm>> -> memref<512xi32, #tpu.memory_space<hbm>>
    %dma_start3A_51 = tpu.memref_slice %arg19[%dma_start3A_47] : memref<6x!tpu.dma_semaphore, #tpu.memory_space<semaphore_mem>> -> memref<1x!tpu.dma_semaphore, #tpu.memory_space<semaphore_mem>>
    %dma_start3A_52 = tpu.memref_squeeze %dma_start3A_51 : memref<1x!tpu.dma_semaphore, #tpu.memory_space<semaphore_mem>> -> memref<!tpu.dma_semaphore, #tpu.memory_space<semaphore_mem>>
    %dma_start3A_53 = arith.constant 512 : i32
    %dma_start3A_54 = tpu.memref_slice %arg14[%dma_start3A_53] : memref<1024xi32, #tpu.memory_space<vmem>> -> memref<512xi32, #tpu.memory_space<vmem>>
    %dma_start3A_55 = tpu.memref_slice %arg7[%mul3A_2] : memref<16384xi32, #tpu.memory_space<hbm>> -> memref<512xi32, #tpu.memory_space<hbm>>
    tpu.enqueue_dma source(%dma_start3A_55 : memref<512xi32, #tpu.memory_space<hbm>>) target(%dma_start3A_54 : memref<512xi32, #tpu.memory_space<vmem>>) target_semaphore(%dma_start3A_52 : memref<!tpu.dma_semaphore, #tpu.memory_space<semaphore_mem>>)
    %dma_wait3A = arith.constant 0 : i32
    %dma_wait3A_56 = arith.constant 0 : i32
    %dma_wait3A_57 = tpu.memref_slice %arg12[%dma_wait3A_56] : memref<1024xi32, #tpu.memory_space<vmem>> -> memref<512xi32, #tpu.memory_space<vmem>>
    %dma_wait3A_58 = tpu.memref_slice %arg2[%mul3A_2] : memref<16384xi32, #tpu.memory_space<hbm>> -> memref<512xi32, #tpu.memory_space<hbm>>
    %dma_wait3A_59 = tpu.memref_slice %arg19[%dma_wait3A] : memref<6x!tpu.dma_semaphore, #tpu.memory_space<semaphore_mem>> -> memref<1x!tpu.dma_semaphore, #tpu.memory_space<semaphore_mem>>
    %dma_wait3A_60 = tpu.memref_squeeze %dma_wait3A_59 : memref<1x!tpu.dma_semaphore, #tpu.memory_space<semaphore_mem>> -> memref<!tpu.dma_semaphore, #tpu.memory_space<semaphore_mem>>
    %dma_wait3A_61 = arith.constant 0 : i32
    %dma_wait3A_62 = tpu.memref_slice %arg12[%dma_wait3A_61] : memref<1024xi32, #tpu.memory_space<vmem>> -> memref<512xi32, #tpu.memory_space<vmem>>
    %dma_wait3A_63 = tpu.memref_slice %arg2[%mul3A_2] : memref<16384xi32, #tpu.memory_space<hbm>> -> memref<512xi32, #tpu.memory_space<hbm>>
    tpu.wait_dma2 semaphore(%dma_wait3A_60 : memref<!tpu.dma_semaphore, #tpu.memory_space<semaphore_mem>>) src(%dma_wait3A_63 : memref<512xi32, #tpu.memory_space<hbm>>) dst(%dma_wait3A_62 : memref<512xi32, #tpu.memory_space<vmem>>)
    %dma_wait3A_64 = arith.constant 0 : i32
    %dma_wait3A_65 = arith.constant 512 : i32
    %dma_wait3A_66 = tpu.memref_slice %arg12[%dma_wait3A_65] : memref<1024xi32, #tpu.memory_space<vmem>> -> memref<512xi32, #tpu.memory_space<vmem>>
    %dma_wait3A_67 = tpu.memref_slice %arg5[%mul3A_2] : memref<16384xi32, #tpu.memory_space<hbm>> -> memref<512xi32, #tpu.memory_space<hbm>>
    %dma_wait3A_68 = tpu.memref_slice %arg19[%dma_wait3A_64] : memref<6x!tpu.dma_semaphore, #tpu.memory_space<semaphore_mem>> -> memref<1x!tpu.dma_semaphore, #tpu.memory_space<semaphore_mem>>
    %dma_wait3A_69 = tpu.memref_squeeze %dma_wait3A_68 : memref<1x!tpu.dma_semaphore, #tpu.memory_space<semaphore_mem>> -> memref<!tpu.dma_semaphore, #tpu.memory_space<semaphore_mem>>
    %dma_wait3A_70 = arith.constant 512 : i32
    %dma_wait3A_71 = tpu.memref_slice %arg12[%dma_wait3A_70] : memref<1024xi32, #tpu.memory_space<vmem>> -> memref<512xi32, #tpu.memory_space<vmem>>
    %dma_wait3A_72 = tpu.memref_slice %arg5[%mul3A_2] : memref<16384xi32, #tpu.memory_space<hbm>> -> memref<512xi32, #tpu.memory_space<hbm>>
    tpu.wait_dma2 semaphore(%dma_wait3A_69 : memref<!tpu.dma_semaphore, #tpu.memory_space<semaphore_mem>>) src(%dma_wait3A_72 : memref<512xi32, #tpu.memory_space<hbm>>) dst(%dma_wait3A_71 : memref<512xi32, #tpu.memory_space<vmem>>)
    %dma_wait3A_73 = arith.constant 0 : i32
    %dma_wait3A_74 = arith.constant 0 : i32
    %dma_wait3A_75 = tpu.memref_slice %arg13[%dma_wait3A_74] : memref<1024xi32, #tpu.memory_space<vmem>> -> memref<512xi32, #tpu.memory_space<vmem>>
    %dma_wait3A_76 = tpu.memref_slice %arg3[%mul3A_2] : memref<16384xi32, #tpu.memory_space<hbm>> -> memref<512xi32, #tpu.memory_space<hbm>>
    %dma_wait3A_77 = tpu.memref_slice %arg19[%dma_wait3A_73] : memref<6x!tpu.dma_semaphore, #tpu.memory_space<semaphore_mem>> -> memref<1x!tpu.dma_semaphore, #tpu.memory_space<semaphore_mem>>
    %dma_wait3A_78 = tpu.memref_squeeze %dma_wait3A_77 : memref<1x!tpu.dma_semaphore, #tpu.memory_space<semaphore_mem>> -> memref<!tpu.dma_semaphore, #tpu.memory_space<semaphore_mem>>
    %dma_wait3A_79 = arith.constant 0 : i32
    %dma_wait3A_80 = tpu.memref_slice %arg13[%dma_wait3A_79] : memref<1024xi32, #tpu.memory_space<vmem>> -> memref<512xi32, #tpu.memory_space<vmem>>
    %dma_wait3A_81 = tpu.memref_slice %arg3[%mul3A_2] : memref<16384xi32, #tpu.memory_space<hbm>> -> memref<512xi32, #tpu.memory_space<hbm>>
    tpu.wait_dma2 semaphore(%dma_wait3A_78 : memref<!tpu.dma_semaphore, #tpu.memory_space<semaphore_mem>>) src(%dma_wait3A_81 : memref<512xi32, #tpu.memory_space<hbm>>) dst(%dma_wait3A_80 : memref<512xi32, #tpu.memory_space<vmem>>)
    %dma_wait3A_82 = arith.constant 0 : i32
    %dma_wait3A_83 = arith.constant 512 : i32
    %dma_wait3A_84 = tpu.memref_slice %arg13[%dma_wait3A_83] : memref<1024xi32, #tpu.memory_space<vmem>> -> memref<512xi32, #tpu.memory_space<vmem>>
    %dma_wait3A_85 = tpu.memref_slice %arg6[%mul3A_2] : memref<16384xi32, #tpu.memory_space<hbm>> -> memref<512xi32, #tpu.memory_space<hbm>>
    %dma_wait3A_86 = tpu.memref_slice %arg19[%dma_wait3A_82] : memref<6x!tpu.dma_semaphore, #tpu.memory_space<semaphore_mem>> -> memref<1x!tpu.dma_semaphore, #tpu.memory_space<semaphore_mem>>
    %dma_wait3A_87 = tpu.memref_squeeze %dma_wait3A_86 : memref<1x!tpu.dma_semaphore, #tpu.memory_space<semaphore_mem>> -> memref<!tpu.dma_semaphore, #tpu.memory_space<semaphore_mem>>
    %dma_wait3A_88 = arith.constant 512 : i32
    %dma_wait3A_89 = tpu.memref_slice %arg13[%dma_wait3A_88] : memref<1024xi32, #tpu.memory_space<vmem>> -> memref<512xi32, #tpu.memory_space<vmem>>
    %dma_wait3A_90 = tpu.memref_slice %arg6[%mul3A_2] : memref<16384xi32, #tpu.memory_space<hbm>> -> memref<512xi32, #tpu.memory_space<hbm>>
    tpu.wait_dma2 semaphore(%dma_wait3A_87 : memref<!tpu.dma_semaphore, #tpu.memory_space<semaphore_mem>>) src(%dma_wait3A_90 : memref<512xi32, #tpu.memory_space<hbm>>) dst(%dma_wait3A_89 : memref<512xi32, #tpu.memory_space<vmem>>)
    %dma_wait3A_91 = arith.constant 0 : i32
    %dma_wait3A_92 = arith.constant 0 : i32
    %dma_wait3A_93 = tpu.memref_slice %arg14[%dma_wait3A_92] : memref<1024xi32, #tpu.memory_space<vmem>> -> memref<512xi32, #tpu.memory_space<vmem>>
    %dma_wait3A_94 = tpu.memref_slice %arg4[%mul3A_2] : memref<16384xi32, #tpu.memory_space<hbm>> -> memref<512xi32, #tpu.memory_space<hbm>>
    %dma_wait3A_95 = tpu.memref_slice %arg19[%dma_wait3A_91] : memref<6x!tpu.dma_semaphore, #tpu.memory_space<semaphore_mem>> -> memref<1x!tpu.dma_semaphore, #tpu.memory_space<semaphore_mem>>
    %dma_wait3A_96 = tpu.memref_squeeze %dma_wait3A_95 : memref<1x!tpu.dma_semaphore, #tpu.memory_space<semaphore_mem>> -> memref<!tpu.dma_semaphore, #tpu.memory_space<semaphore_mem>>
    %dma_wait3A_97 = arith.constant 0 : i32
    %dma_wait3A_98 = tpu.memref_slice %arg14[%dma_wait3A_97] : memref<1024xi32, #tpu.memory_space<vmem>> -> memref<512xi32, #tpu.memory_space<vmem>>
    %dma_wait3A_99 = tpu.memref_slice %arg4[%mul3A_2] : memref<16384xi32, #tpu.memory_space<hbm>> -> memref<512xi32, #tpu.memory_space<hbm>>
    tpu.wait_dma2 semaphore(%dma_wait3A_96 : memref<!tpu.dma_semaphore, #tpu.memory_space<semaphore_mem>>) src(%dma_wait3A_99 : memref<512xi32, #tpu.memory_space<hbm>>) dst(%dma_wait3A_98 : memref<512xi32, #tpu.memory_space<vmem>>)
    %dma_wait3A_100 = arith.constant 0 : i32
    %dma_wait3A_101 = arith.constant 512 : i32
    %dma_wait3A_102 = tpu.memref_slice %arg14[%dma_wait3A_101] : memref<1024xi32, #tpu.memory_space<vmem>> -> memref<512xi32, #tpu.memory_space<vmem>>
    %dma_wait3A_103 = tpu.memref_slice %arg7[%mul3A_2] : memref<16384xi32, #tpu.memory_space<hbm>> -> memref<512xi32, #tpu.memory_space<hbm>>
    %dma_wait3A_104 = tpu.memref_slice %arg19[%dma_wait3A_100] : memref<6x!tpu.dma_semaphore, #tpu.memory_space<semaphore_mem>> -> memref<1x!tpu.dma_semaphore, #tpu.memory_space<semaphore_mem>>
    %dma_wait3A_105 = tpu.memref_squeeze %dma_wait3A_104 : memref<1x!tpu.dma_semaphore, #tpu.memory_space<semaphore_mem>> -> memref<!tpu.dma_semaphore, #tpu.memory_space<semaphore_mem>>
    %dma_wait3A_106 = arith.constant 512 : i32
    %dma_wait3A_107 = tpu.memref_slice %arg14[%dma_wait3A_106] : memref<1024xi32, #tpu.memory_space<vmem>> -> memref<512xi32, #tpu.memory_space<vmem>>
    %dma_wait3A_108 = tpu.memref_slice %arg7[%mul3A_2] : memref<16384xi32, #tpu.memory_space<hbm>> -> memref<512xi32, #tpu.memory_space<hbm>>
    tpu.wait_dma2 semaphore(%dma_wait3A_105 : memref<!tpu.dma_semaphore, #tpu.memory_space<semaphore_mem>>) src(%dma_wait3A_108 : memref<512xi32, #tpu.memory_space<hbm>>) dst(%dma_wait3A_107 : memref<512xi32, #tpu.memory_space<vmem>>)
    %dma_start3A_109 = arith.constant 0 : i32
    %dma_start3A_110 = arith.constant 0 : i32
    %dma_start3A_111 = arith.constant 0 : i32
    %dma_start3A_112 = arith.constant 0 : i32
    %dma_start3A_113 = tpu.memref_slice %arg15[%dma_start3A_109, %dma_start3A_111, %dma_start3A_112] : memref<6x64x128xf32, #tpu.memory_space<vmem>> -> memref<1x64x128xf32, #tpu.memory_space<vmem>>
    %dma_start3A_114 = tpu.memref_squeeze %dma_start3A_113 : memref<1x64x128xf32, #tpu.memory_space<vmem>> -> memref<64x128xf32, #tpu.memory_space<vmem>>
    %dma_start3A_115 = arith.constant 0 : i32
    %dma_start3A_116 = tpu.memref_slice %arg12[%dma_start3A_115] : memref<1024xi32, #tpu.memory_space<vmem>> -> memref<64xi32, #tpu.memory_space<vmem>>
    %dma_start3A_117 = arith.constant 0 : i32
    %dma_start3A_118 = arith.constant 0 : i32
    %dma_start3A_119 = tpu.memref_slice %arg8[%dma_start3A_117, %dma_start3A_118] : memref<100000x128xf32, #tpu.memory_space<hbm>> -> memref<100000x128xf32, #tpu.memory_space<hbm>>
    %dma_start3A_120 = tpu.memref_slice %arg19[%dma_start3A_110] : memref<6x!tpu.dma_semaphore, #tpu.memory_space<semaphore_mem>> -> memref<1x!tpu.dma_semaphore, #tpu.memory_space<semaphore_mem>>
    %dma_start3A_121 = tpu.memref_squeeze %dma_start3A_120 : memref<1x!tpu.dma_semaphore, #tpu.memory_space<semaphore_mem>> -> memref<!tpu.dma_semaphore, #tpu.memory_space<semaphore_mem>>
    tpu.enqueue_indirect_dma source(%dma_start3A_119 : memref<100000x128xf32, #tpu.memory_space<hbm>>) target(%dma_start3A_114 : memref<64x128xf32, #tpu.memory_space<vmem>>) offsets(%dma_start3A_116 : memref<64xi32, #tpu.memory_space<vmem>>) semaphore(%dma_start3A_121 : memref<!tpu.dma_semaphore, #tpu.memory_space<semaphore_mem>>)
    %dma_start3A_122 = arith.constant 0 : i32
    %dma_start3A_123 = arith.constant 0 : i32
    %dma_start3A_124 = arith.constant 0 : i32
    %dma_start3A_125 = arith.constant 0 : i32
    %dma_start3A_126 = tpu.memref_slice %arg16[%dma_start3A_122, %dma_start3A_124, %dma_start3A_125] : memref<6x64x128xf32, #tpu.memory_space<vmem>> -> memref<1x64x128xf32, #tpu.memory_space<vmem>>
    %dma_start3A_127 = tpu.memref_squeeze %dma_start3A_126 : memref<1x64x128xf32, #tpu.memory_space<vmem>> -> memref<64x128xf32, #tpu.memory_space<vmem>>
    %dma_start3A_128 = arith.constant 0 : i32
    %dma_start3A_129 = tpu.memref_slice %arg13[%dma_start3A_128] : memref<1024xi32, #tpu.memory_space<vmem>> -> memref<64xi32, #tpu.memory_space<vmem>>
    %dma_start3A_130 = arith.constant 0 : i32
    %dma_start3A_131 = arith.constant 0 : i32
    %dma_start3A_132 = tpu.memref_slice %arg8[%dma_start3A_130, %dma_start3A_131] : memref<100000x128xf32, #tpu.memory_space<hbm>> -> memref<100000x128xf32, #tpu.memory_space<hbm>>
    %dma_start3A_133 = tpu.memref_slice %arg20[%dma_start3A_123] : memref<6x!tpu.dma_semaphore, #tpu.memory_space<semaphore_mem>> -> memref<1x!tpu.dma_semaphore, #tpu.memory_space<semaphore_mem>>
    %dma_start3A_134 = tpu.memref_squeeze %dma_start3A_133 : memref<1x!tpu.dma_semaphore, #tpu.memory_space<semaphore_mem>> -> memref<!tpu.dma_semaphore, #tpu.memory_space<semaphore_mem>>
    tpu.enqueue_indirect_dma source(%dma_start3A_132 : memref<100000x128xf32, #tpu.memory_space<hbm>>) target(%dma_start3A_127 : memref<64x128xf32, #tpu.memory_space<vmem>>) offsets(%dma_start3A_129 : memref<64xi32, #tpu.memory_space<vmem>>) semaphore(%dma_start3A_134 : memref<!tpu.dma_semaphore, #tpu.memory_space<semaphore_mem>>)
    %dma_start3A_135 = arith.constant 1 : i32
    %dma_start3A_136 = arith.constant 1 : i32
    %dma_start3A_137 = arith.constant 0 : i32
    %dma_start3A_138 = arith.constant 0 : i32
    %dma_start3A_139 = tpu.memref_slice %arg15[%dma_start3A_135, %dma_start3A_137, %dma_start3A_138] : memref<6x64x128xf32, #tpu.memory_space<vmem>> -> memref<1x64x128xf32, #tpu.memory_space<vmem>>
    %dma_start3A_140 = tpu.memref_squeeze %dma_start3A_139 : memref<1x64x128xf32, #tpu.memory_space<vmem>> -> memref<64x128xf32, #tpu.memory_space<vmem>>
    %dma_start3A_141 = arith.constant 64 : i32
    %dma_start3A_142 = tpu.memref_slice %arg12[%dma_start3A_141] : memref<1024xi32, #tpu.memory_space<vmem>> -> memref<64xi32, #tpu.memory_space<vmem>>
    %dma_start3A_143 = arith.constant 0 : i32
    %dma_start3A_144 = arith.constant 0 : i32
    %dma_start3A_145 = tpu.memref_slice %arg8[%dma_start3A_143, %dma_start3A_144] : memref<100000x128xf32, #tpu.memory_space<hbm>> -> memref<100000x128xf32, #tpu.memory_space<hbm>>
    %dma_start3A_146 = tpu.memref_slice %arg19[%dma_start3A_136] : memref<6x!tpu.dma_semaphore, #tpu.memory_space<semaphore_mem>> -> memref<1x!tpu.dma_semaphore, #tpu.memory_space<semaphore_mem>>
    %dma_start3A_147 = tpu.memref_squeeze %dma_start3A_146 : memref<1x!tpu.dma_semaphore, #tpu.memory_space<semaphore_mem>> -> memref<!tpu.dma_semaphore, #tpu.memory_space<semaphore_mem>>
    tpu.enqueue_indirect_dma source(%dma_start3A_145 : memref<100000x128xf32, #tpu.memory_space<hbm>>) target(%dma_start3A_140 : memref<64x128xf32, #tpu.memory_space<vmem>>) offsets(%dma_start3A_142 : memref<64xi32, #tpu.memory_space<vmem>>) semaphore(%dma_start3A_147 : memref<!tpu.dma_semaphore, #tpu.memory_space<semaphore_mem>>)
    %dma_start3A_148 = arith.constant 1 : i32
    %dma_start3A_149 = arith.constant 1 : i32
    %dma_start3A_150 = arith.constant 0 : i32
    %dma_start3A_151 = arith.constant 0 : i32
    %dma_start3A_152 = tpu.memref_slice %arg16[%dma_start3A_148, %dma_start3A_150, %dma_start3A_151] : memref<6x64x128xf32, #tpu.memory_space<vmem>> -> memref<1x64x128xf32, #tpu.memory_space<vmem>>
    %dma_start3A_153 = tpu.memref_squeeze %dma_start3A_152 : memref<1x64x128xf32, #tpu.memory_space<vmem>> -> memref<64x128xf32, #tpu.memory_space<vmem>>
    %dma_start3A_154 = arith.constant 64 : i32
    %dma_start3A_155 = tpu.memref_slice %arg13[%dma_start3A_154] : memref<1024xi32, #tpu.memory_space<vmem>> -> memref<64xi32, #tpu.memory_space<vmem>>
    %dma_start3A_156 = arith.constant 0 : i32
    %dma_start3A_157 = arith.constant 0 : i32
    %dma_start3A_158 = tpu.memref_slice %arg8[%dma_start3A_156, %dma_start3A_157] : memref<100000x128xf32, #tpu.memory_space<hbm>> -> memref<100000x128xf32, #tpu.memory_space<hbm>>
    %dma_start3A_159 = tpu.memref_slice %arg20[%dma_start3A_149] : memref<6x!tpu.dma_semaphore, #tpu.memory_space<semaphore_mem>> -> memref<1x!tpu.dma_semaphore, #tpu.memory_space<semaphore_mem>>
    %dma_start3A_160 = tpu.memref_squeeze %dma_start3A_159 : memref<1x!tpu.dma_semaphore, #tpu.memory_space<semaphore_mem>> -> memref<!tpu.dma_semaphore, #tpu.memory_space<semaphore_mem>>
    tpu.enqueue_indirect_dma source(%dma_start3A_158 : memref<100000x128xf32, #tpu.memory_space<hbm>>) target(%dma_start3A_153 : memref<64x128xf32, #tpu.memory_space<vmem>>) offsets(%dma_start3A_155 : memref<64xi32, #tpu.memory_space<vmem>>) semaphore(%dma_start3A_160 : memref<!tpu.dma_semaphore, #tpu.memory_space<semaphore_mem>>)
    %dma_start3A_161 = arith.constant 2 : i32
    %dma_start3A_162 = arith.constant 2 : i32
    %dma_start3A_163 = arith.constant 0 : i32
    %dma_start3A_164 = arith.constant 0 : i32
    %dma_start3A_165 = tpu.memref_slice %arg15[%dma_start3A_161, %dma_start3A_163, %dma_start3A_164] : memref<6x64x128xf32, #tpu.memory_space<vmem>> -> memref<1x64x128xf32, #tpu.memory_space<vmem>>
    %dma_start3A_166 = tpu.memref_squeeze %dma_start3A_165 : memref<1x64x128xf32, #tpu.memory_space<vmem>> -> memref<64x128xf32, #tpu.memory_space<vmem>>
    %dma_start3A_167 = arith.constant 128 : i32
    %dma_start3A_168 = tpu.memref_slice %arg12[%dma_start3A_167] : memref<1024xi32, #tpu.memory_space<vmem>> -> memref<64xi32, #tpu.memory_space<vmem>>
    %dma_start3A_169 = arith.constant 0 : i32
    %dma_start3A_170 = arith.constant 0 : i32
    %dma_start3A_171 = tpu.memref_slice %arg8[%dma_start3A_169, %dma_start3A_170] : memref<100000x128xf32, #tpu.memory_space<hbm>> -> memref<100000x128xf32, #tpu.memory_space<hbm>>
    %dma_start3A_172 = tpu.memref_slice %arg19[%dma_start3A_162] : memref<6x!tpu.dma_semaphore, #tpu.memory_space<semaphore_mem>> -> memref<1x!tpu.dma_semaphore, #tpu.memory_space<semaphore_mem>>
    %dma_start3A_173 = tpu.memref_squeeze %dma_start3A_172 : memref<1x!tpu.dma_semaphore, #tpu.memory_space<semaphore_mem>> -> memref<!tpu.dma_semaphore, #tpu.memory_space<semaphore_mem>>
    tpu.enqueue_indirect_dma source(%dma_start3A_171 : memref<100000x128xf32, #tpu.memory_space<hbm>>) target(%dma_start3A_166 : memref<64x128xf32, #tpu.memory_space<vmem>>) offsets(%dma_start3A_168 : memref<64xi32, #tpu.memory_space<vmem>>) semaphore(%dma_start3A_173 : memref<!tpu.dma_semaphore, #tpu.memory_space<semaphore_mem>>)
    %dma_start3A_174 = arith.constant 2 : i32
    %dma_start3A_175 = arith.constant 2 : i32
    %dma_start3A_176 = arith.constant 0 : i32
    %dma_start3A_177 = arith.constant 0 : i32
    %dma_start3A_178 = tpu.memref_slice %arg16[%dma_start3A_174, %dma_start3A_176, %dma_start3A_177] : memref<6x64x128xf32, #tpu.memory_space<vmem>> -> memref<1x64x128xf32, #tpu.memory_space<vmem>>
    %dma_start3A_179 = tpu.memref_squeeze %dma_start3A_178 : memref<1x64x128xf32, #tpu.memory_space<vmem>> -> memref<64x128xf32, #tpu.memory_space<vmem>>
    %dma_start3A_180 = arith.constant 128 : i32
    %dma_start3A_181 = tpu.memref_slice %arg13[%dma_start3A_180] : memref<1024xi32, #tpu.memory_space<vmem>> -> memref<64xi32, #tpu.memory_space<vmem>>
    %dma_start3A_182 = arith.constant 0 : i32
    %dma_start3A_183 = arith.constant 0 : i32
    %dma_start3A_184 = tpu.memref_slice %arg8[%dma_start3A_182, %dma_start3A_183] : memref<100000x128xf32, #tpu.memory_space<hbm>> -> memref<100000x128xf32, #tpu.memory_space<hbm>>
    %dma_start3A_185 = tpu.memref_slice %arg20[%dma_start3A_175] : memref<6x!tpu.dma_semaphore, #tpu.memory_space<semaphore_mem>> -> memref<1x!tpu.dma_semaphore, #tpu.memory_space<semaphore_mem>>
    %dma_start3A_186 = tpu.memref_squeeze %dma_start3A_185 : memref<1x!tpu.dma_semaphore, #tpu.memory_space<semaphore_mem>> -> memref<!tpu.dma_semaphore, #tpu.memory_space<semaphore_mem>>
    tpu.enqueue_indirect_dma source(%dma_start3A_184 : memref<100000x128xf32, #tpu.memory_space<hbm>>) target(%dma_start3A_179 : memref<64x128xf32, #tpu.memory_space<vmem>>) offsets(%dma_start3A_181 : memref<64xi32, #tpu.memory_space<vmem>>) semaphore(%dma_start3A_186 : memref<!tpu.dma_semaphore, #tpu.memory_space<semaphore_mem>>)
    %dma_start3A_187 = arith.constant 3 : i32
    %dma_start3A_188 = arith.constant 3 : i32
    %dma_start3A_189 = arith.constant 0 : i32
    %dma_start3A_190 = arith.constant 0 : i32
    %dma_start3A_191 = tpu.memref_slice %arg15[%dma_start3A_187, %dma_start3A_189, %dma_start3A_190] : memref<6x64x128xf32, #tpu.memory_space<vmem>> -> memref<1x64x128xf32, #tpu.memory_space<vmem>>
    %dma_start3A_192 = tpu.memref_squeeze %dma_start3A_191 : memref<1x64x128xf32, #tpu.memory_space<vmem>> -> memref<64x128xf32, #tpu.memory_space<vmem>>
    %dma_start3A_193 = arith.constant 192 : i32
    %dma_start3A_194 = tpu.memref_slice %arg12[%dma_start3A_193] : memref<1024xi32, #tpu.memory_space<vmem>> -> memref<64xi32, #tpu.memory_space<vmem>>
    %dma_start3A_195 = arith.constant 0 : i32
    %dma_start3A_196 = arith.constant 0 : i32
    %dma_start3A_197 = tpu.memref_slice %arg8[%dma_start3A_195, %dma_start3A_196] : memref<100000x128xf32, #tpu.memory_space<hbm>> -> memref<100000x128xf32, #tpu.memory_space<hbm>>
    %dma_start3A_198 = tpu.memref_slice %arg19[%dma_start3A_188] : memref<6x!tpu.dma_semaphore, #tpu.memory_space<semaphore_mem>> -> memref<1x!tpu.dma_semaphore, #tpu.memory_space<semaphore_mem>>
    %dma_start3A_199 = tpu.memref_squeeze %dma_start3A_198 : memref<1x!tpu.dma_semaphore, #tpu.memory_space<semaphore_mem>> -> memref<!tpu.dma_semaphore, #tpu.memory_space<semaphore_mem>>
    tpu.enqueue_indirect_dma source(%dma_start3A_197 : memref<100000x128xf32, #tpu.memory_space<hbm>>) target(%dma_start3A_192 : memref<64x128xf32, #tpu.memory_space<vmem>>) offsets(%dma_start3A_194 : memref<64xi32, #tpu.memory_space<vmem>>) semaphore(%dma_start3A_199 : memref<!tpu.dma_semaphore, #tpu.memory_space<semaphore_mem>>)
    %dma_start3A_200 = arith.constant 3 : i32
    %dma_start3A_201 = arith.constant 3 : i32
    %dma_start3A_202 = arith.constant 0 : i32
    %dma_start3A_203 = arith.constant 0 : i32
    %dma_start3A_204 = tpu.memref_slice %arg16[%dma_start3A_200, %dma_start3A_202, %dma_start3A_203] : memref<6x64x128xf32, #tpu.memory_space<vmem>> -> memref<1x64x128xf32, #tpu.memory_space<vmem>>
    %dma_start3A_205 = tpu.memref_squeeze %dma_start3A_204 : memref<1x64x128xf32, #tpu.memory_space<vmem>> -> memref<64x128xf32, #tpu.memory_space<vmem>>
    %dma_start3A_206 = arith.constant 192 : i32
    %dma_start3A_207 = tpu.memref_slice %arg13[%dma_start3A_206] : memref<1024xi32, #tpu.memory_space<vmem>> -> memref<64xi32, #tpu.memory_space<vmem>>
    %dma_start3A_208 = arith.constant 0 : i32
    %dma_start3A_209 = arith.constant 0 : i32
    %dma_start3A_210 = tpu.memref_slice %arg8[%dma_start3A_208, %dma_start3A_209] : memref<100000x128xf32, #tpu.memory_space<hbm>> -> memref<100000x128xf32, #tpu.memory_space<hbm>>
    %dma_start3A_211 = tpu.memref_slice %arg20[%dma_start3A_201] : memref<6x!tpu.dma_semaphore, #tpu.memory_space<semaphore_mem>> -> memref<1x!tpu.dma_semaphore, #tpu.memory_space<semaphore_mem>>
    %dma_start3A_212 = tpu.memref_squeeze %dma_start3A_211 : memref<1x!tpu.dma_semaphore, #tpu.memory_space<semaphore_mem>> -> memref<!tpu.dma_semaphore, #tpu.memory_space<semaphore_mem>>
    tpu.enqueue_indirect_dma source(%dma_start3A_210 : memref<100000x128xf32, #tpu.memory_space<hbm>>) target(%dma_start3A_205 : memref<64x128xf32, #tpu.memory_space<vmem>>) offsets(%dma_start3A_207 : memref<64xi32, #tpu.memory_space<vmem>>) semaphore(%dma_start3A_212 : memref<!tpu.dma_semaphore, #tpu.memory_space<semaphore_mem>>)
    %dma_start3A_213 = arith.constant 4 : i32
    %dma_start3A_214 = arith.constant 4 : i32
    %dma_start3A_215 = arith.constant 0 : i32
    %dma_start3A_216 = arith.constant 0 : i32
    %dma_start3A_217 = tpu.memref_slice %arg15[%dma_start3A_213, %dma_start3A_215, %dma_start3A_216] : memref<6x64x128xf32, #tpu.memory_space<vmem>> -> memref<1x64x128xf32, #tpu.memory_space<vmem>>
    %dma_start3A_218 = tpu.memref_squeeze %dma_start3A_217 : memref<1x64x128xf32, #tpu.memory_space<vmem>> -> memref<64x128xf32, #tpu.memory_space<vmem>>
    %dma_start3A_219 = arith.constant 256 : i32
    %dma_start3A_220 = tpu.memref_slice %arg12[%dma_start3A_219] : memref<1024xi32, #tpu.memory_space<vmem>> -> memref<64xi32, #tpu.memory_space<vmem>>
    %dma_start3A_221 = arith.constant 0 : i32
    %dma_start3A_222 = arith.constant 0 : i32
    %dma_start3A_223 = tpu.memref_slice %arg8[%dma_start3A_221, %dma_start3A_222] : memref<100000x128xf32, #tpu.memory_space<hbm>> -> memref<100000x128xf32, #tpu.memory_space<hbm>>
    %dma_start3A_224 = tpu.memref_slice %arg19[%dma_start3A_214] : memref<6x!tpu.dma_semaphore, #tpu.memory_space<semaphore_mem>> -> memref<1x!tpu.dma_semaphore, #tpu.memory_space<semaphore_mem>>
    %dma_start3A_225 = tpu.memref_squeeze %dma_start3A_224 : memref<1x!tpu.dma_semaphore, #tpu.memory_space<semaphore_mem>> -> memref<!tpu.dma_semaphore, #tpu.memory_space<semaphore_mem>>
    tpu.enqueue_indirect_dma source(%dma_start3A_223 : memref<100000x128xf32, #tpu.memory_space<hbm>>) target(%dma_start3A_218 : memref<64x128xf32, #tpu.memory_space<vmem>>) offsets(%dma_start3A_220 : memref<64xi32, #tpu.memory_space<vmem>>) semaphore(%dma_start3A_225 : memref<!tpu.dma_semaphore, #tpu.memory_space<semaphore_mem>>)
    %dma_start3A_226 = arith.constant 4 : i32
    %dma_start3A_227 = arith.constant 4 : i32
    %dma_start3A_228 = arith.constant 0 : i32
    %dma_start3A_229 = arith.constant 0 : i32
    %dma_start3A_230 = tpu.memref_slice %arg16[%dma_start3A_226, %dma_start3A_228, %dma_start3A_229] : memref<6x64x128xf32, #tpu.memory_space<vmem>> -> memref<1x64x128xf32, #tpu.memory_space<vmem>>
    %dma_start3A_231 = tpu.memref_squeeze %dma_start3A_230 : memref<1x64x128xf32, #tpu.memory_space<vmem>> -> memref<64x128xf32, #tpu.memory_space<vmem>>
    %dma_start3A_232 = arith.constant 256 : i32
    %dma_start3A_233 = tpu.memref_slice %arg13[%dma_start3A_232] : memref<1024xi32, #tpu.memory_space<vmem>> -> memref<64xi32, #tpu.memory_space<vmem>>
    %dma_start3A_234 = arith.constant 0 : i32
    %dma_start3A_235 = arith.constant 0 : i32
    %dma_start3A_236 = tpu.memref_slice %arg8[%dma_start3A_234, %dma_start3A_235] : memref<100000x128xf32, #tpu.memory_space<hbm>> -> memref<100000x128xf32, #tpu.memory_space<hbm>>
    %dma_start3A_237 = tpu.memref_slice %arg20[%dma_start3A_227] : memref<6x!tpu.dma_semaphore, #tpu.memory_space<semaphore_mem>> -> memref<1x!tpu.dma_semaphore, #tpu.memory_space<semaphore_mem>>
    %dma_start3A_238 = tpu.memref_squeeze %dma_start3A_237 : memref<1x!tpu.dma_semaphore, #tpu.memory_space<semaphore_mem>> -> memref<!tpu.dma_semaphore, #tpu.memory_space<semaphore_mem>>
    tpu.enqueue_indirect_dma source(%dma_start3A_236 : memref<100000x128xf32, #tpu.memory_space<hbm>>) target(%dma_start3A_231 : memref<64x128xf32, #tpu.memory_space<vmem>>) offsets(%dma_start3A_233 : memref<64xi32, #tpu.memory_space<vmem>>) semaphore(%dma_start3A_238 : memref<!tpu.dma_semaphore, #tpu.memory_space<semaphore_mem>>)
    %dma_start3A_239 = arith.constant 5 : i32
    %dma_start3A_240 = arith.constant 5 : i32
    %dma_start3A_241 = arith.constant 0 : i32
    %dma_start3A_242 = arith.constant 0 : i32
    %dma_start3A_243 = tpu.memref_slice %arg15[%dma_start3A_239, %dma_start3A_241, %dma_start3A_242] : memref<6x64x128xf32, #tpu.memory_space<vmem>> -> memref<1x64x128xf32, #tpu.memory_space<vmem>>
    %dma_start3A_244 = tpu.memref_squeeze %dma_start3A_243 : memref<1x64x128xf32, #tpu.memory_space<vmem>> -> memref<64x128xf32, #tpu.memory_space<vmem>>
    %dma_start3A_245 = arith.constant 320 : i32
    %dma_start3A_246 = tpu.memref_slice %arg12[%dma_start3A_245] : memref<1024xi32, #tpu.memory_space<vmem>> -> memref<64xi32, #tpu.memory_space<vmem>>
    %dma_start3A_247 = arith.constant 0 : i32
    %dma_start3A_248 = arith.constant 0 : i32
    %dma_start3A_249 = tpu.memref_slice %arg8[%dma_start3A_247, %dma_start3A_248] : memref<100000x128xf32, #tpu.memory_space<hbm>> -> memref<100000x128xf32, #tpu.memory_space<hbm>>
    %dma_start3A_250 = tpu.memref_slice %arg19[%dma_start3A_240] : memref<6x!tpu.dma_semaphore, #tpu.memory_space<semaphore_mem>> -> memref<1x!tpu.dma_semaphore, #tpu.memory_space<semaphore_mem>>
    %dma_start3A_251 = tpu.memref_squeeze %dma_start3A_250 : memref<1x!tpu.dma_semaphore, #tpu.memory_space<semaphore_mem>> -> memref<!tpu.dma_semaphore, #tpu.memory_space<semaphore_mem>>
    tpu.enqueue_indirect_dma source(%dma_start3A_249 : memref<100000x128xf32, #tpu.memory_space<hbm>>) target(%dma_start3A_244 : memref<64x128xf32, #tpu.memory_space<vmem>>) offsets(%dma_start3A_246 : memref<64xi32, #tpu.memory_space<vmem>>) semaphore(%dma_start3A_251 : memref<!tpu.dma_semaphore, #tpu.memory_space<semaphore_mem>>)
    %dma_start3A_252 = arith.constant 5 : i32
    %dma_start3A_253 = arith.constant 5 : i32
    %dma_start3A_254 = arith.constant 0 : i32
    %dma_start3A_255 = arith.constant 0 : i32
    %dma_start3A_256 = tpu.memref_slice %arg16[%dma_start3A_252, %dma_start3A_254, %dma_start3A_255] : memref<6x64x128xf32, #tpu.memory_space<vmem>> -> memref<1x64x128xf32, #tpu.memory_space<vmem>>
    %dma_start3A_257 = tpu.memref_squeeze %dma_start3A_256 : memref<1x64x128xf32, #tpu.memory_space<vmem>> -> memref<64x128xf32, #tpu.memory_space<vmem>>
    %dma_start3A_258 = arith.constant 320 : i32
    %dma_start3A_259 = tpu.memref_slice %arg13[%dma_start3A_258] : memref<1024xi32, #tpu.memory_space<vmem>> -> memref<64xi32, #tpu.memory_space<vmem>>
    %dma_start3A_260 = arith.constant 0 : i32
    %dma_start3A_261 = arith.constant 0 : i32
    %dma_start3A_262 = tpu.memref_slice %arg8[%dma_start3A_260, %dma_start3A_261] : memref<100000x128xf32, #tpu.memory_space<hbm>> -> memref<100000x128xf32, #tpu.memory_space<hbm>>
    %dma_start3A_263 = tpu.memref_slice %arg20[%dma_start3A_253] : memref<6x!tpu.dma_semaphore, #tpu.memory_space<semaphore_mem>> -> memref<1x!tpu.dma_semaphore, #tpu.memory_space<semaphore_mem>>
    %dma_start3A_264 = tpu.memref_squeeze %dma_start3A_263 : memref<1x!tpu.dma_semaphore, #tpu.memory_space<semaphore_mem>> -> memref<!tpu.dma_semaphore, #tpu.memory_space<semaphore_mem>>
    tpu.enqueue_indirect_dma source(%dma_start3A_262 : memref<100000x128xf32, #tpu.memory_space<hbm>>) target(%dma_start3A_257 : memref<64x128xf32, #tpu.memory_space<vmem>>) offsets(%dma_start3A_259 : memref<64xi32, #tpu.memory_space<vmem>>) semaphore(%dma_start3A_264 : memref<!tpu.dma_semaphore, #tpu.memory_space<semaphore_mem>>)
    %eq3A = arith.constant 0 : i32
    %eq3A_265 = arith.cmpi eq, %arg1, %eq3A : i32
    %convert_element_type3A = arith.extui %eq3A_265 : i1 to i32
    %cond3A = arith.constant 0 : i32
    %cond3A_266 = arith.cmpi ne, %convert_element_type3A, %cond3A : i32
    scf.if %cond3A_266 {
      "tpu.region"() ({
        %run_scoped3A = tpu.sem_alloc : memref<!tpu.dma_semaphore, #tpu.memory_space<semaphore_mem>>
        tpu.enqueue_dma source(%arg9 : memref<1000x128xf32, #tpu.memory_space<hbm>>) target(%arg18 : memref<1000x128xf32, #tpu.memory_space<vmem_shared>>) target_semaphore(%run_scoped3A : memref<!tpu.dma_semaphore, #tpu.memory_space<semaphore_mem>>)
        tpu.wait_dma2 semaphore(%run_scoped3A : memref<!tpu.dma_semaphore, #tpu.memory_space<semaphore_mem>>) src(%arg9 : memref<1000x128xf32, #tpu.memory_space<hbm>>) dst(%arg18 : memref<1000x128xf32, #tpu.memory_space<vmem_shared>>)
        tpu.yield
      }) : () -> ()
    } else {
    }
    %barrier3A = arith.constant 0 : index
    tpu.barrier barrier_id(%barrier3A)
    %dma_wait3A_267 = arith.constant 0 : i32
    %dma_wait3A_268 = arith.constant 0 : i32
    %dma_wait3A_269 = arith.constant 0 : i32
    %dma_wait3A_270 = arith.constant 0 : i32
    %dma_wait3A_271 = tpu.memref_slice %arg15[%dma_wait3A_267, %dma_wait3A_269, %dma_wait3A_270] : memref<6x64x128xf32, #tpu.memory_space<vmem>> -> memref<1x64x128xf32, #tpu.memory_space<vmem>>
    %dma_wait3A_272 = tpu.memref_squeeze %dma_wait3A_271 : memref<1x64x128xf32, #tpu.memory_space<vmem>> -> memref<64x128xf32, #tpu.memory_space<vmem>>
    %dma_wait3A_273 = arith.constant 0 : i32
    %dma_wait3A_274 = arith.constant 0 : i32
    %dma_wait3A_275 = tpu.memref_slice %arg8[%dma_wait3A_273, %dma_wait3A_274] : memref<100000x128xf32, #tpu.memory_space<hbm>> -> memref<64x128xf32, #tpu.memory_space<hbm>>
    %dma_wait3A_276 = tpu.memref_slice %arg19[%dma_wait3A_268] : memref<6x!tpu.dma_semaphore, #tpu.memory_space<semaphore_mem>> -> memref<1x!tpu.dma_semaphore, #tpu.memory_space<semaphore_mem>>
    %dma_wait3A_277 = tpu.memref_squeeze %dma_wait3A_276 : memref<1x!tpu.dma_semaphore, #tpu.memory_space<semaphore_mem>> -> memref<!tpu.dma_semaphore, #tpu.memory_space<semaphore_mem>>
    %dma_wait3A_278 = arith.constant 0 : i32
    %dma_wait3A_279 = arith.constant 0 : i32
    %dma_wait3A_280 = tpu.memref_slice %arg15[%dma_wait3A_267, %dma_wait3A_278, %dma_wait3A_279] : memref<6x64x128xf32, #tpu.memory_space<vmem>> -> memref<1x64x128xf32, #tpu.memory_space<vmem>>
    %dma_wait3A_281 = tpu.memref_squeeze %dma_wait3A_280 : memref<1x64x128xf32, #tpu.memory_space<vmem>> -> memref<64x128xf32, #tpu.memory_space<vmem>>
    %dma_wait3A_282 = arith.constant 0 : i32
    %dma_wait3A_283 = arith.constant 0 : i32
    %dma_wait3A_284 = tpu.memref_slice %arg8[%dma_wait3A_282, %dma_wait3A_283] : memref<100000x128xf32, #tpu.memory_space<hbm>> -> memref<64x128xf32, #tpu.memory_space<hbm>>
    tpu.wait_dma2 semaphore(%dma_wait3A_277 : memref<!tpu.dma_semaphore, #tpu.memory_space<semaphore_mem>>) src(%dma_wait3A_284 : memref<64x128xf32, #tpu.memory_space<hbm>>) dst(%dma_wait3A_281 : memref<64x128xf32, #tpu.memory_space<vmem>>)
    %dma_start3A_285 = arith.constant 0 : i32
    %dma_start3A_286 = arith.constant 0 : i32
    %dma_start3A_287 = arith.constant 0 : i32
    %dma_start3A_288 = arith.constant 0 : i32
    %dma_start3A_289 = tpu.memref_slice %arg15[%dma_start3A_285, %dma_start3A_287, %dma_start3A_288] : memref<6x64x128xf32, #tpu.memory_space<vmem>> -> memref<1x64x128xf32, #tpu.memory_space<vmem>>
    %dma_start3A_290 = tpu.memref_squeeze %dma_start3A_289 : memref<1x64x128xf32, #tpu.memory_space<vmem>> -> memref<64x128xf32, #tpu.memory_space<vmem>>
    %dma_start3A_291 = arith.constant 0 : i32
    %dma_start3A_292 = tpu.memref_slice %arg14[%dma_start3A_291] : memref<1024xi32, #tpu.memory_space<vmem>> -> memref<64xi32, #tpu.memory_space<vmem>>
    %dma_start3A_293 = arith.constant 0 : i32
    %dma_start3A_294 = arith.constant 0 : i32
    %dma_start3A_295 = tpu.memref_slice %arg18[%dma_start3A_293, %dma_start3A_294] : memref<1000x128xf32, #tpu.memory_space<vmem_shared>> -> memref<1000x128xf32, #tpu.memory_space<vmem_shared>>
    %dma_start3A_296 = tpu.memref_slice %arg21[%dma_start3A_286] : memref<6x!tpu.dma_semaphore, #tpu.memory_space<semaphore_mem>> -> memref<1x!tpu.dma_semaphore, #tpu.memory_space<semaphore_mem>>
    %dma_start3A_297 = tpu.memref_squeeze %dma_start3A_296 : memref<1x!tpu.dma_semaphore, #tpu.memory_space<semaphore_mem>> -> memref<!tpu.dma_semaphore, #tpu.memory_space<semaphore_mem>>
    tpu.enqueue_indirect_dma source(%dma_start3A_295 : memref<1000x128xf32, #tpu.memory_space<vmem_shared>>) target(%dma_start3A_290 : memref<64x128xf32, #tpu.memory_space<vmem>>) offsets(%dma_start3A_292 : memref<64xi32, #tpu.memory_space<vmem>>) semaphore(%dma_start3A_297 : memref<!tpu.dma_semaphore, #tpu.memory_space<semaphore_mem>>) {add = true}
    %scan3A = arith.constant 0 : i32
    %scan3A_298 = arith.constant 0 : i32
    %scan3A_299 = arith.constant 16 : i32
    %scan3A_300 = arith.addi %scan3A_298, %scan3A_299 : i32
    %scan3A_301 = arith.constant 1 : i32
    %scan3A_302 = scf.for %scan3A_340 = %scan3A_298 to %scan3A_300 step %scan3A_301 iter_args(%scan3A_341 = %scan3A) -> (i32)  : i32 {
      %rem3A = arith.constant 6 : i32
      %rem3A_342 = arith.remsi %scan3A_340, %rem3A : i32
      %add3A_343 = arith.constant 1 : i32
      %add3A_344 = arith.addi %scan3A_340, %add3A_343 : i32
      %rem3A_345 = arith.constant 6 : i32
      %rem3A_346 = arith.remsi %add3A_344, %rem3A_345 : i32
      %add3A_347 = arith.constant 1 : i32
      %add3A_348 = arith.addi %scan3A_340, %add3A_347 : i32
      %lt3A = arith.constant 16 : i32
      %lt3A_349 = arith.cmpi slt, %add3A_348, %lt3A : i32
      %convert_element_type3A_350 = arith.extui %lt3A_349 : i1 to i32
      %cond3A_351 = arith.constant 0 : i32
      %cond3A_352 = arith.cmpi ne, %convert_element_type3A_350, %cond3A_351 : i32
      scf.if %cond3A_352 {
        %dma_wait3A_395 = arith.constant 0 : i32
        %dma_wait3A_396 = arith.constant 0 : i32
        %dma_wait3A_397 = tpu.memref_slice %arg15[%rem3A_346, %dma_wait3A_395, %dma_wait3A_396] : memref<6x64x128xf32, #tpu.memory_space<vmem>> -> memref<1x64x128xf32, #tpu.memory_space<vmem>>
        %dma_wait3A_398 = tpu.memref_squeeze %dma_wait3A_397 : memref<1x64x128xf32, #tpu.memory_space<vmem>> -> memref<64x128xf32, #tpu.memory_space<vmem>>
        %dma_wait3A_399 = arith.constant 0 : i32
        %dma_wait3A_400 = arith.constant 0 : i32
        %dma_wait3A_401 = tpu.memref_slice %arg8[%dma_wait3A_399, %dma_wait3A_400] : memref<100000x128xf32, #tpu.memory_space<hbm>> -> memref<64x128xf32, #tpu.memory_space<hbm>>
        %dma_wait3A_402 = tpu.memref_slice %arg19[%rem3A_346] : memref<6x!tpu.dma_semaphore, #tpu.memory_space<semaphore_mem>> -> memref<1x!tpu.dma_semaphore, #tpu.memory_space<semaphore_mem>>
        %dma_wait3A_403 = tpu.memref_squeeze %dma_wait3A_402 : memref<1x!tpu.dma_semaphore, #tpu.memory_space<semaphore_mem>> -> memref<!tpu.dma_semaphore, #tpu.memory_space<semaphore_mem>>
        %dma_wait3A_404 = arith.constant 0 : i32
        %dma_wait3A_405 = arith.constant 0 : i32
        %dma_wait3A_406 = tpu.memref_slice %arg15[%rem3A_346, %dma_wait3A_404, %dma_wait3A_405] : memref<6x64x128xf32, #tpu.memory_space<vmem>> -> memref<1x64x128xf32, #tpu.memory_space<vmem>>
        %dma_wait3A_407 = tpu.memref_squeeze %dma_wait3A_406 : memref<1x64x128xf32, #tpu.memory_space<vmem>> -> memref<64x128xf32, #tpu.memory_space<vmem>>
        %dma_wait3A_408 = arith.constant 0 : i32
        %dma_wait3A_409 = arith.constant 0 : i32
        %dma_wait3A_410 = tpu.memref_slice %arg8[%dma_wait3A_408, %dma_wait3A_409] : memref<100000x128xf32, #tpu.memory_space<hbm>> -> memref<64x128xf32, #tpu.memory_space<hbm>>
        tpu.wait_dma2 semaphore(%dma_wait3A_403 : memref<!tpu.dma_semaphore, #tpu.memory_space<semaphore_mem>>) src(%dma_wait3A_410 : memref<64x128xf32, #tpu.memory_space<hbm>>) dst(%dma_wait3A_407 : memref<64x128xf32, #tpu.memory_space<vmem>>)
        %add3A_411 = arith.constant 1 : i32
        %add3A_412 = arith.addi %scan3A_340, %add3A_411 : i32
        %mul3A_413 = arith.constant 64 : i32
        %mul3A_414 = arith.muli %add3A_412, %mul3A_413 : i32
        %dma_start3A_415 = arith.constant 0 : i32
        %dma_start3A_416 = arith.constant 0 : i32
        %dma_start3A_417 = tpu.memref_slice %arg15[%rem3A_346, %dma_start3A_415, %dma_start3A_416] : memref<6x64x128xf32, #tpu.memory_space<vmem>> -> memref<1x64x128xf32, #tpu.memory_space<vmem>>
        %dma_start3A_418 = tpu.memref_squeeze %dma_start3A_417 : memref<1x64x128xf32, #tpu.memory_space<vmem>> -> memref<64x128xf32, #tpu.memory_space<vmem>>
        %dma_start3A_419 = tpu.memref_slice %arg14[%mul3A_414] : memref<1024xi32, #tpu.memory_space<vmem>> -> memref<64xi32, #tpu.memory_space<vmem>>
        %dma_start3A_420 = arith.constant 0 : i32
        %dma_start3A_421 = arith.constant 0 : i32
        %dma_start3A_422 = tpu.memref_slice %arg18[%dma_start3A_420, %dma_start3A_421] : memref<1000x128xf32, #tpu.memory_space<vmem_shared>> -> memref<1000x128xf32, #tpu.memory_space<vmem_shared>>
        %dma_start3A_423 = tpu.memref_slice %arg21[%rem3A_346] : memref<6x!tpu.dma_semaphore, #tpu.memory_space<semaphore_mem>> -> memref<1x!tpu.dma_semaphore, #tpu.memory_space<semaphore_mem>>
        %dma_start3A_424 = tpu.memref_squeeze %dma_start3A_423 : memref<1x!tpu.dma_semaphore, #tpu.memory_space<semaphore_mem>> -> memref<!tpu.dma_semaphore, #tpu.memory_space<semaphore_mem>>
        tpu.enqueue_indirect_dma source(%dma_start3A_422 : memref<1000x128xf32, #tpu.memory_space<vmem_shared>>) target(%dma_start3A_418 : memref<64x128xf32, #tpu.memory_space<vmem>>) offsets(%dma_start3A_419 : memref<64xi32, #tpu.memory_space<vmem>>) semaphore(%dma_start3A_424 : memref<!tpu.dma_semaphore, #tpu.memory_space<semaphore_mem>>) {add = true}
      } else {
      }
      %dma_wait3A_353 = arith.constant 0 : i32
      %dma_wait3A_354 = arith.constant 0 : i32
      %dma_wait3A_355 = tpu.memref_slice %arg16[%rem3A_342, %dma_wait3A_353, %dma_wait3A_354] : memref<6x64x128xf32, #tpu.memory_space<vmem>> -> memref<1x64x128xf32, #tpu.memory_space<vmem>>
      %dma_wait3A_356 = tpu.memref_squeeze %dma_wait3A_355 : memref<1x64x128xf32, #tpu.memory_space<vmem>> -> memref<64x128xf32, #tpu.memory_space<vmem>>
      %dma_wait3A_357 = arith.constant 0 : i32
      %dma_wait3A_358 = arith.constant 0 : i32
      %dma_wait3A_359 = tpu.memref_slice %arg8[%dma_wait3A_357, %dma_wait3A_358] : memref<100000x128xf32, #tpu.memory_space<hbm>> -> memref<64x128xf32, #tpu.memory_space<hbm>>
      %dma_wait3A_360 = tpu.memref_slice %arg20[%rem3A_342] : memref<6x!tpu.dma_semaphore, #tpu.memory_space<semaphore_mem>> -> memref<1x!tpu.dma_semaphore, #tpu.memory_space<semaphore_mem>>
      %dma_wait3A_361 = tpu.memref_squeeze %dma_wait3A_360 : memref<1x!tpu.dma_semaphore, #tpu.memory_space<semaphore_mem>> -> memref<!tpu.dma_semaphore, #tpu.memory_space<semaphore_mem>>
      %dma_wait3A_362 = arith.constant 0 : i32
      %dma_wait3A_363 = arith.constant 0 : i32
      %dma_wait3A_364 = tpu.memref_slice %arg16[%rem3A_342, %dma_wait3A_362, %dma_wait3A_363] : memref<6x64x128xf32, #tpu.memory_space<vmem>> -> memref<1x64x128xf32, #tpu.memory_space<vmem>>
      %dma_wait3A_365 = tpu.memref_squeeze %dma_wait3A_364 : memref<1x64x128xf32, #tpu.memory_space<vmem>> -> memref<64x128xf32, #tpu.memory_space<vmem>>
      %dma_wait3A_366 = arith.constant 0 : i32
      %dma_wait3A_367 = arith.constant 0 : i32
      %dma_wait3A_368 = tpu.memref_slice %arg8[%dma_wait3A_366, %dma_wait3A_367] : memref<100000x128xf32, #tpu.memory_space<hbm>> -> memref<64x128xf32, #tpu.memory_space<hbm>>
      tpu.wait_dma2 semaphore(%dma_wait3A_361 : memref<!tpu.dma_semaphore, #tpu.memory_space<semaphore_mem>>) src(%dma_wait3A_368 : memref<64x128xf32, #tpu.memory_space<hbm>>) dst(%dma_wait3A_365 : memref<64x128xf32, #tpu.memory_space<vmem>>)
      %dma_wait3A_369 = arith.constant 0 : i32
      %dma_wait3A_370 = arith.constant 0 : i32
      %dma_wait3A_371 = tpu.memref_slice %arg15[%rem3A_342, %dma_wait3A_369, %dma_wait3A_370] : memref<6x64x128xf32, #tpu.memory_space<vmem>> -> memref<1x64x128xf32, #tpu.memory_space<vmem>>
      %dma_wait3A_372 = tpu.memref_squeeze %dma_wait3A_371 : memref<1x64x128xf32, #tpu.memory_space<vmem>> -> memref<64x128xf32, #tpu.memory_space<vmem>>
      %dma_wait3A_373 = arith.constant 0 : i32
      %dma_wait3A_374 = arith.constant 0 : i32
      %dma_wait3A_375 = tpu.memref_slice %arg8[%dma_wait3A_373, %dma_wait3A_374] : memref<100000x128xf32, #tpu.memory_space<hbm>> -> memref<64x128xf32, #tpu.memory_space<hbm>>
      %dma_wait3A_376 = tpu.memref_slice %arg21[%rem3A_342] : memref<6x!tpu.dma_semaphore, #tpu.memory_space<semaphore_mem>> -> memref<1x!tpu.dma_semaphore, #tpu.memory_space<semaphore_mem>>
      %dma_wait3A_377 = tpu.memref_squeeze %dma_wait3A_376 : memref<1x!tpu.dma_semaphore, #tpu.memory_space<semaphore_mem>> -> memref<!tpu.dma_semaphore, #tpu.memory_space<semaphore_mem>>
      %dma_wait3A_378 = arith.constant 0 : i32
      %dma_wait3A_379 = arith.constant 0 : i32
      %dma_wait3A_380 = tpu.memref_slice %arg15[%rem3A_342, %dma_wait3A_378, %dma_wait3A_379] : memref<6x64x128xf32, #tpu.memory_space<vmem>> -> memref<1x64x128xf32, #tpu.memory_space<vmem>>
      %dma_wait3A_381 = tpu.memref_squeeze %dma_wait3A_380 : memref<1x64x128xf32, #tpu.memory_space<vmem>> -> memref<64x128xf32, #tpu.memory_space<vmem>>
      %dma_wait3A_382 = arith.constant 0 : i32
      %dma_wait3A_383 = arith.constant 0 : i32
      %dma_wait3A_384 = tpu.memref_slice %arg8[%dma_wait3A_382, %dma_wait3A_383] : memref<100000x128xf32, #tpu.memory_space<hbm>> -> memref<64x128xf32, #tpu.memory_space<hbm>>
      tpu.wait_dma2 semaphore(%dma_wait3A_377 : memref<!tpu.dma_semaphore, #tpu.memory_space<semaphore_mem>>) src(%dma_wait3A_384 : memref<64x128xf32, #tpu.memory_space<hbm>>) dst(%dma_wait3A_381 : memref<64x128xf32, #tpu.memory_space<vmem>>)
      %parallel_loop3A = arith.constant 0 : i32
      %parallel_loop3A_385 = arith.constant 4 : i32
      %parallel_loop3A_386 = arith.constant 1 : i32
      scf.for %parallel_loop3A_395 = %parallel_loop3A to %parallel_loop3A_385 step %parallel_loop3A_386  : i32 {
        %parallel_loop3A_396 = arith.constant 0.000000e+00 : f32
        %parallel_loop3A_397 = vector.broadcast %parallel_loop3A_396 : f32 to vector<16xf32>
        %parallel_loop3A_398 = arith.constant 0 : i32
        %parallel_loop3A_399 = arith.constant 2 : i32
        %parallel_loop3A_400 = arith.addi %parallel_loop3A_398, %parallel_loop3A_399 : i32
        %parallel_loop3A_401 = arith.constant 1 : i32
        %parallel_loop3A_402 = scf.for %scan3A_411 = %parallel_loop3A_398 to %parallel_loop3A_400 step %parallel_loop3A_401 iter_args(%scan3A_412 = %parallel_loop3A_397) -> (vector<16xf32>)  : i32 {
          %parallel_loop3A_413 = arith.constant 8 : i32
          %parallel_loop3A_414 = arith.muli %scan3A_411, %parallel_loop3A_413 : i32
          %parallel_loop3A_415 = arith.constant 0 : i32
          %parallel_loop3A_416 = arith.addi %parallel_loop3A_414, %parallel_loop3A_415 : i32
          %parallel_loop3A_417 = arith.constant 0.000000e+00 : f32
          %parallel_loop3A_418 = vector.broadcast %parallel_loop3A_417 : f32 to vector<16xf32>
          %parallel_loop3A_419 = arith.constant 16 : i32
          %parallel_loop3A_420 = arith.muli %parallel_loop3A_395, %parallel_loop3A_419 : i32
          %parallel_loop3A_421 = arith.addi %parallel_loop3A_420, %parallel_loop3A_416 : i32
          %parallel_loop3A_422 = arith.index_cast %rem3A_342 : i32 to index
          %parallel_loop3A_423 = arith.index_cast %parallel_loop3A_421 : i32 to index
          %parallel_loop3A_424 = arith.constant 0 : index
          %parallel_loop3A_425 = tpu.vector_load %arg15[%parallel_loop3A_422, %parallel_loop3A_423, %parallel_loop3A_424] {strides = array<i32>} : memref<6x64x128xf32, #tpu.memory_space<vmem>>, vector<16xf32>,
          %parallel_loop3A_426 = arith.constant 16 : i32
          %parallel_loop3A_427 = arith.muli %parallel_loop3A_395, %parallel_loop3A_426 : i32
          %parallel_loop3A_428 = arith.addi %parallel_loop3A_427, %parallel_loop3A_416 : i32
          %parallel_loop3A_429 = arith.index_cast %rem3A_342 : i32 to index
          %parallel_loop3A_430 = arith.index_cast %parallel_loop3A_428 : i32 to index
          %parallel_loop3A_431 = arith.constant 0 : index
          %parallel_loop3A_432 = tpu.vector_load %arg16[%parallel_loop3A_429, %parallel_loop3A_430, %parallel_loop3A_431] {strides = array<i32>} : memref<6x64x128xf32, #tpu.memory_space<vmem>>, vector<16xf32>,
          %parallel_loop3A_433 = arith.subf %parallel_loop3A_425, %parallel_loop3A_432 : vector<16xf32>
          %parallel_loop3A_434 = math.absf %parallel_loop3A_433 : vector<16xf32>
          %parallel_loop3A_435 = arith.addf %parallel_loop3A_418, %parallel_loop3A_434 : vector<16xf32>
          %parallel_loop3A_436 = arith.constant 16 : i32
          %parallel_loop3A_437 = arith.muli %parallel_loop3A_395, %parallel_loop3A_436 : i32
          %parallel_loop3A_438 = arith.addi %parallel_loop3A_437, %parallel_loop3A_416 : i32
          %parallel_loop3A_439 = arith.index_cast %rem3A_342 : i32 to index
          %parallel_loop3A_440 = arith.index_cast %parallel_loop3A_438 : i32 to index
          %parallel_loop3A_441 = arith.constant 16 : index
          %parallel_loop3A_442 = tpu.vector_load %arg15[%parallel_loop3A_439, %parallel_loop3A_440, %parallel_loop3A_441] {strides = array<i32>} : memref<6x64x128xf32, #tpu.memory_space<vmem>>, vector<16xf32>,
          %parallel_loop3A_443 = arith.constant 16 : i32
          %parallel_loop3A_444 = arith.muli %parallel_loop3A_395, %parallel_loop3A_443 : i32
          %parallel_loop3A_445 = arith.addi %parallel_loop3A_444, %parallel_loop3A_416 : i32
          %parallel_loop3A_446 = arith.index_cast %rem3A_342 : i32 to index
          %parallel_loop3A_447 = arith.index_cast %parallel_loop3A_445 : i32 to index
          %parallel_loop3A_448 = arith.constant 16 : index
          %parallel_loop3A_449 = tpu.vector_load %arg16[%parallel_loop3A_446, %parallel_loop3A_447, %parallel_loop3A_448] {strides = array<i32>} : memref<6x64x128xf32, #tpu.memory_space<vmem>>, vector<16xf32>,
          %parallel_loop3A_450 = arith.subf %parallel_loop3A_442, %parallel_loop3A_449 : vector<16xf32>
          %parallel_loop3A_451 = math.absf %parallel_loop3A_450 : vector<16xf32>
          %parallel_loop3A_452 = arith.addf %parallel_loop3A_435, %parallel_loop3A_451 : vector<16xf32>
          %parallel_loop3A_453 = arith.constant 16 : i32
          %parallel_loop3A_454 = arith.muli %parallel_loop3A_395, %parallel_loop3A_453 : i32
          %parallel_loop3A_455 = arith.addi %parallel_loop3A_454, %parallel_loop3A_416 : i32
          %parallel_loop3A_456 = arith.index_cast %rem3A_342 : i32 to index
          %parallel_loop3A_457 = arith.index_cast %parallel_loop3A_455 : i32 to index
          %parallel_loop3A_458 = arith.constant 32 : index
          %parallel_loop3A_459 = tpu.vector_load %arg15[%parallel_loop3A_456, %parallel_loop3A_457, %parallel_loop3A_458] {strides = array<i32>} : memref<6x64x128xf32, #tpu.memory_space<vmem>>, vector<16xf32>,
          %parallel_loop3A_460 = arith.constant 16 : i32
          %parallel_loop3A_461 = arith.muli %parallel_loop3A_395, %parallel_loop3A_460 : i32
          %parallel_loop3A_462 = arith.addi %parallel_loop3A_461, %parallel_loop3A_416 : i32
          %parallel_loop3A_463 = arith.index_cast %rem3A_342 : i32 to index
          %parallel_loop3A_464 = arith.index_cast %parallel_loop3A_462 : i32 to index
          %parallel_loop3A_465 = arith.constant 32 : index
          %parallel_loop3A_466 = tpu.vector_load %arg16[%parallel_loop3A_463, %parallel_loop3A_464, %parallel_loop3A_465] {strides = array<i32>} : memref<6x64x128xf32, #tpu.memory_space<vmem>>, vector<16xf32>,
          %parallel_loop3A_467 = arith.subf %parallel_loop3A_459, %parallel_loop3A_466 : vector<16xf32>
          %parallel_loop3A_468 = math.absf %parallel_loop3A_467 : vector<16xf32>
          %parallel_loop3A_469 = arith.addf %parallel_loop3A_452, %parallel_loop3A_468 : vector<16xf32>
          %parallel_loop3A_470 = arith.constant 16 : i32
          %parallel_loop3A_471 = arith.muli %parallel_loop3A_395, %parallel_loop3A_470 : i32
          %parallel_loop3A_472 = arith.addi %parallel_loop3A_471, %parallel_loop3A_416 : i32
          %parallel_loop3A_473 = arith.index_cast %rem3A_342 : i32 to index
          %parallel_loop3A_474 = arith.index_cast %parallel_loop3A_472 : i32 to index
          %parallel_loop3A_475 = arith.constant 48 : index
          %parallel_loop3A_476 = tpu.vector_load %arg15[%parallel_loop3A_473, %parallel_loop3A_474, %parallel_loop3A_475] {strides = array<i32>} : memref<6x64x128xf32, #tpu.memory_space<vmem>>, vector<16xf32>,
          %parallel_loop3A_477 = arith.constant 16 : i32
          %parallel_loop3A_478 = arith.muli %parallel_loop3A_395, %parallel_loop3A_477 : i32
          %parallel_loop3A_479 = arith.addi %parallel_loop3A_478, %parallel_loop3A_416 : i32
          %parallel_loop3A_480 = arith.index_cast %rem3A_342 : i32 to index
          %parallel_loop3A_481 = arith.index_cast %parallel_loop3A_479 : i32 to index
          %parallel_loop3A_482 = arith.constant 48 : index
          %parallel_loop3A_483 = tpu.vector_load %arg16[%parallel_loop3A_480, %parallel_loop3A_481, %parallel_loop3A_482] {strides = array<i32>} : memref<6x64x128xf32, #tpu.memory_space<vmem>>, vector<16xf32>,
          %parallel_loop3A_484 = arith.subf %parallel_loop3A_476, %parallel_loop3A_483 : vector<16xf32>
          %parallel_loop3A_485 = math.absf %parallel_loop3A_484 : vector<16xf32>
          %parallel_loop3A_486 = arith.addf %parallel_loop3A_469, %parallel_loop3A_485 : vector<16xf32>
          %parallel_loop3A_487 = arith.constant 16 : i32
          %parallel_loop3A_488 = arith.muli %parallel_loop3A_395, %parallel_loop3A_487 : i32
          %parallel_loop3A_489 = arith.addi %parallel_loop3A_488, %parallel_loop3A_416 : i32
          %parallel_loop3A_490 = arith.index_cast %rem3A_342 : i32 to index
          %parallel_loop3A_491 = arith.index_cast %parallel_loop3A_489 : i32 to index
          %parallel_loop3A_492 = arith.constant 64 : index
          %parallel_loop3A_493 = tpu.vector_load %arg15[%parallel_loop3A_490, %parallel_loop3A_491, %parallel_loop3A_492] {strides = array<i32>} : memref<6x64x128xf32, #tpu.memory_space<vmem>>, vector<16xf32>,
          %parallel_loop3A_494 = arith.constant 16 : i32
          %parallel_loop3A_495 = arith.muli %parallel_loop3A_395, %parallel_loop3A_494 : i32
          %parallel_loop3A_496 = arith.addi %parallel_loop3A_495, %parallel_loop3A_416 : i32
          %parallel_loop3A_497 = arith.index_cast %rem3A_342 : i32 to index
          %parallel_loop3A_498 = arith.index_cast %parallel_loop3A_496 : i32 to index
          %parallel_loop3A_499 = arith.constant 64 : index
          %parallel_loop3A_500 = tpu.vector_load %arg16[%parallel_loop3A_497, %parallel_loop3A_498, %parallel_loop3A_499] {strides = array<i32>} : memref<6x64x128xf32, #tpu.memory_space<vmem>>, vector<16xf32>,
          %parallel_loop3A_501 = arith.subf %parallel_loop3A_493, %parallel_loop3A_500 : vector<16xf32>
          %parallel_loop3A_502 = math.absf %parallel_loop3A_501 : vector<16xf32>
          %parallel_loop3A_503 = arith.addf %parallel_loop3A_486, %parallel_loop3A_502 : vector<16xf32>
          %parallel_loop3A_504 = arith.constant 16 : i32
          %parallel_loop3A_505 = arith.muli %parallel_loop3A_395, %parallel_loop3A_504 : i32
          %parallel_loop3A_506 = arith.addi %parallel_loop3A_505, %parallel_loop3A_416 : i32
          %parallel_loop3A_507 = arith.index_cast %rem3A_342 : i32 to index
          %parallel_loop3A_508 = arith.index_cast %parallel_loop3A_506 : i32 to index
          %parallel_loop3A_509 = arith.constant 80 : index
          %parallel_loop3A_510 = tpu.vector_load %arg15[%parallel_loop3A_507, %parallel_loop3A_508, %parallel_loop3A_509] {strides = array<i32>} : memref<6x64x128xf32, #tpu.memory_space<vmem>>, vector<16xf32>,
          %parallel_loop3A_511 = arith.constant 16 : i32
          %parallel_loop3A_512 = arith.muli %parallel_loop3A_395, %parallel_loop3A_511 : i32
          %parallel_loop3A_513 = arith.addi %parallel_loop3A_512, %parallel_loop3A_416 : i32
          %parallel_loop3A_514 = arith.index_cast %rem3A_342 : i32 to index
          %parallel_loop3A_515 = arith.index_cast %parallel_loop3A_513 : i32 to index
          %parallel_loop3A_516 = arith.constant 80 : index
          %parallel_loop3A_517 = tpu.vector_load %arg16[%parallel_loop3A_514, %parallel_loop3A_515, %parallel_loop3A_516] {strides = array<i32>} : memref<6x64x128xf32, #tpu.memory_space<vmem>>, vector<16xf32>,
          %parallel_loop3A_518 = arith.subf %parallel_loop3A_510, %parallel_loop3A_517 : vector<16xf32>
          %parallel_loop3A_519 = math.absf %parallel_loop3A_518 : vector<16xf32>
          %parallel_loop3A_520 = arith.addf %parallel_loop3A_503, %parallel_loop3A_519 : vector<16xf32>
          %parallel_loop3A_521 = arith.constant 16 : i32
          %parallel_loop3A_522 = arith.muli %parallel_loop3A_395, %parallel_loop3A_521 : i32
          %parallel_loop3A_523 = arith.addi %parallel_loop3A_522, %parallel_loop3A_416 : i32
          %parallel_loop3A_524 = arith.index_cast %rem3A_342 : i32 to index
          %parallel_loop3A_525 = arith.index_cast %parallel_loop3A_523 : i32 to index
          %parallel_loop3A_526 = arith.constant 96 : index
          %parallel_loop3A_527 = tpu.vector_load %arg15[%parallel_loop3A_524, %parallel_loop3A_525, %parallel_loop3A_526] {strides = array<i32>} : memref<6x64x128xf32, #tpu.memory_space<vmem>>, vector<16xf32>,
          %parallel_loop3A_528 = arith.constant 16 : i32
          %parallel_loop3A_529 = arith.muli %parallel_loop3A_395, %parallel_loop3A_528 : i32
          %parallel_loop3A_530 = arith.addi %parallel_loop3A_529, %parallel_loop3A_416 : i32
          %parallel_loop3A_531 = arith.index_cast %rem3A_342 : i32 to index
          %parallel_loop3A_532 = arith.index_cast %parallel_loop3A_530 : i32 to index
          %parallel_loop3A_533 = arith.constant 96 : index
          %parallel_loop3A_534 = tpu.vector_load %arg16[%parallel_loop3A_531, %parallel_loop3A_532, %parallel_loop3A_533] {strides = array<i32>} : memref<6x64x128xf32, #tpu.memory_space<vmem>>, vector<16xf32>,
          %parallel_loop3A_535 = arith.subf %parallel_loop3A_527, %parallel_loop3A_534 : vector<16xf32>
          %parallel_loop3A_536 = math.absf %parallel_loop3A_535 : vector<16xf32>
          %parallel_loop3A_537 = arith.addf %parallel_loop3A_520, %parallel_loop3A_536 : vector<16xf32>
          %parallel_loop3A_538 = arith.constant 16 : i32
          %parallel_loop3A_539 = arith.muli %parallel_loop3A_395, %parallel_loop3A_538 : i32
          %parallel_loop3A_540 = arith.addi %parallel_loop3A_539, %parallel_loop3A_416 : i32
          %parallel_loop3A_541 = arith.index_cast %rem3A_342 : i32 to index
          %parallel_loop3A_542 = arith.index_cast %parallel_loop3A_540 : i32 to index
          %parallel_loop3A_543 = arith.constant 112 : index
          %parallel_loop3A_544 = tpu.vector_load %arg15[%parallel_loop3A_541, %parallel_loop3A_542, %parallel_loop3A_543] {strides = array<i32>} : memref<6x64x128xf32, #tpu.memory_space<vmem>>, vector<16xf32>,
          %parallel_loop3A_545 = arith.constant 16 : i32
          %parallel_loop3A_546 = arith.muli %parallel_loop3A_395, %parallel_loop3A_545 : i32
          %parallel_loop3A_547 = arith.addi %parallel_loop3A_546, %parallel_loop3A_416 : i32
          %parallel_loop3A_548 = arith.index_cast %rem3A_342 : i32 to index
          %parallel_loop3A_549 = arith.index_cast %parallel_loop3A_547 : i32 to index
          %parallel_loop3A_550 = arith.constant 112 : index
          %parallel_loop3A_551 = tpu.vector_load %arg16[%parallel_loop3A_548, %parallel_loop3A_549, %parallel_loop3A_550] {strides = array<i32>} : memref<6x64x128xf32, #tpu.memory_space<vmem>>, vector<16xf32>,
          %parallel_loop3A_552 = arith.subf %parallel_loop3A_544, %parallel_loop3A_551 : vector<16xf32>
          %parallel_loop3A_553 = math.absf %parallel_loop3A_552 : vector<16xf32>
          %parallel_loop3A_554 = arith.addf %parallel_loop3A_537, %parallel_loop3A_553 : vector<16xf32>
          %parallel_loop3A_555 = vector.broadcast %parallel_loop3A_416 : i32 to vector<16xi32>
          %parallel_loop3A_556 = arith.cmpi eq, %iota3A, %parallel_loop3A_555 : vector<16xi32>
          %parallel_loop3A_557 = arith.constant true
          %parallel_loop3A_558 = vector.broadcast %parallel_loop3A_557 : i1 to vector<16xi1>
          %parallel_loop3A_559 = tpu.scan <sum>, %parallel_loop3A_554 masked %parallel_loop3A_558 : vector<16xf32>, vector<16xi1> -> vector<16xf32>
          %parallel_loop3A_560 = vector.extract %parallel_loop3A_559[15] : f32 from vector<16xf32>
          %parallel_loop3A_561 = vector.broadcast %parallel_loop3A_560 : f32 to vector<16xf32>
          %parallel_loop3A_562 = arith.select %parallel_loop3A_556, %parallel_loop3A_561, %scan3A_412 : vector<16xi1>, vector<16xf32>
          %parallel_loop3A_563 = arith.constant 8 : i32
          %parallel_loop3A_564 = arith.muli %scan3A_411, %parallel_loop3A_563 : i32
          %parallel_loop3A_565 = arith.constant 1 : i32
          %parallel_loop3A_566 = arith.addi %parallel_loop3A_564, %parallel_loop3A_565 : i32
          %parallel_loop3A_567 = arith.constant 0.000000e+00 : f32
          %parallel_loop3A_568 = vector.broadcast %parallel_loop3A_567 : f32 to vector<16xf32>
          %parallel_loop3A_569 = arith.constant 16 : i32
          %parallel_loop3A_570 = arith.muli %parallel_loop3A_395, %parallel_loop3A_569 : i32
          %parallel_loop3A_571 = arith.addi %parallel_loop3A_570, %parallel_loop3A_566 : i32
          %parallel_loop3A_572 = arith.index_cast %rem3A_342 : i32 to index
          %parallel_loop3A_573 = arith.index_cast %parallel_loop3A_571 : i32 to index
          %parallel_loop3A_574 = arith.constant 0 : index
          %parallel_loop3A_575 = tpu.vector_load %arg15[%parallel_loop3A_572, %parallel_loop3A_573, %parallel_loop3A_574] {strides = array<i32>} : memref<6x64x128xf32, #tpu.memory_space<vmem>>, vector<16xf32>,
          %parallel_loop3A_576 = arith.constant 16 : i32
          %parallel_loop3A_577 = arith.muli %parallel_loop3A_395, %parallel_loop3A_576 : i32
          %parallel_loop3A_578 = arith.addi %parallel_loop3A_577, %parallel_loop3A_566 : i32
          %parallel_loop3A_579 = arith.index_cast %rem3A_342 : i32 to index
          %parallel_loop3A_580 = arith.index_cast %parallel_loop3A_578 : i32 to index
          %parallel_loop3A_581 = arith.constant 0 : index
          %parallel_loop3A_582 = tpu.vector_load %arg16[%parallel_loop3A_579, %parallel_loop3A_580, %parallel_loop3A_581] {strides = array<i32>} : memref<6x64x128xf32, #tpu.memory_space<vmem>>, vector<16xf32>,
          %parallel_loop3A_583 = arith.subf %parallel_loop3A_575, %parallel_loop3A_582 : vector<16xf32>
          %parallel_loop3A_584 = math.absf %parallel_loop3A_583 : vector<16xf32>
          %parallel_loop3A_585 = arith.addf %parallel_loop3A_568, %parallel_loop3A_584 : vector<16xf32>
          %parallel_loop3A_586 = arith.constant 16 : i32
          %parallel_loop3A_587 = arith.muli %parallel_loop3A_395, %parallel_loop3A_586 : i32
          %parallel_loop3A_588 = arith.addi %parallel_loop3A_587, %parallel_loop3A_566 : i32
          %parallel_loop3A_589 = arith.index_cast %rem3A_342 : i32 to index
          %parallel_loop3A_590 = arith.index_cast %parallel_loop3A_588 : i32 to index
          %parallel_loop3A_591 = arith.constant 16 : index
          %parallel_loop3A_592 = tpu.vector_load %arg15[%parallel_loop3A_589, %parallel_loop3A_590, %parallel_loop3A_591] {strides = array<i32>} : memref<6x64x128xf32, #tpu.memory_space<vmem>>, vector<16xf32>,
          %parallel_loop3A_593 = arith.constant 16 : i32
          %parallel_loop3A_594 = arith.muli %parallel_loop3A_395, %parallel_loop3A_593 : i32
          %parallel_loop3A_595 = arith.addi %parallel_loop3A_594, %parallel_loop3A_566 : i32
          %parallel_loop3A_596 = arith.index_cast %rem3A_342 : i32 to index
          %parallel_loop3A_597 = arith.index_cast %parallel_loop3A_595 : i32 to index
          %parallel_loop3A_598 = arith.constant 16 : index
          %parallel_loop3A_599 = tpu.vector_load %arg16[%parallel_loop3A_596, %parallel_loop3A_597, %parallel_loop3A_598] {strides = array<i32>} : memref<6x64x128xf32, #tpu.memory_space<vmem>>, vector<16xf32>,
          %parallel_loop3A_600 = arith.subf %parallel_loop3A_592, %parallel_loop3A_599 : vector<16xf32>
          %parallel_loop3A_601 = math.absf %parallel_loop3A_600 : vector<16xf32>
          %parallel_loop3A_602 = arith.addf %parallel_loop3A_585, %parallel_loop3A_601 : vector<16xf32>
          %parallel_loop3A_603 = arith.constant 16 : i32
          %parallel_loop3A_604 = arith.muli %parallel_loop3A_395, %parallel_loop3A_603 : i32
          %parallel_loop3A_605 = arith.addi %parallel_loop3A_604, %parallel_loop3A_566 : i32
          %parallel_loop3A_606 = arith.index_cast %rem3A_342 : i32 to index
          %parallel_loop3A_607 = arith.index_cast %parallel_loop3A_605 : i32 to index
          %parallel_loop3A_608 = arith.constant 32 : index
          %parallel_loop3A_609 = tpu.vector_load %arg15[%parallel_loop3A_606, %parallel_loop3A_607, %parallel_loop3A_608] {strides = array<i32>} : memref<6x64x128xf32, #tpu.memory_space<vmem>>, vector<16xf32>,
          %parallel_loop3A_610 = arith.constant 16 : i32
          %parallel_loop3A_611 = arith.muli %parallel_loop3A_395, %parallel_loop3A_610 : i32
          %parallel_loop3A_612 = arith.addi %parallel_loop3A_611, %parallel_loop3A_566 : i32
          %parallel_loop3A_613 = arith.index_cast %rem3A_342 : i32 to index
          %parallel_loop3A_614 = arith.index_cast %parallel_loop3A_612 : i32 to index
          %parallel_loop3A_615 = arith.constant 32 : index
          %parallel_loop3A_616 = tpu.vector_load %arg16[%parallel_loop3A_613, %parallel_loop3A_614, %parallel_loop3A_615] {strides = array<i32>} : memref<6x64x128xf32, #tpu.memory_space<vmem>>, vector<16xf32>,
          %parallel_loop3A_617 = arith.subf %parallel_loop3A_609, %parallel_loop3A_616 : vector<16xf32>
          %parallel_loop3A_618 = math.absf %parallel_loop3A_617 : vector<16xf32>
          %parallel_loop3A_619 = arith.addf %parallel_loop3A_602, %parallel_loop3A_618 : vector<16xf32>
          %parallel_loop3A_620 = arith.constant 16 : i32
          %parallel_loop3A_621 = arith.muli %parallel_loop3A_395, %parallel_loop3A_620 : i32
          %parallel_loop3A_622 = arith.addi %parallel_loop3A_621, %parallel_loop3A_566 : i32
          %parallel_loop3A_623 = arith.index_cast %rem3A_342 : i32 to index
          %parallel_loop3A_624 = arith.index_cast %parallel_loop3A_622 : i32 to index
          %parallel_loop3A_625 = arith.constant 48 : index
          %parallel_loop3A_626 = tpu.vector_load %arg15[%parallel_loop3A_623, %parallel_loop3A_624, %parallel_loop3A_625] {strides = array<i32>} : memref<6x64x128xf32, #tpu.memory_space<vmem>>, vector<16xf32>,
          %parallel_loop3A_627 = arith.constant 16 : i32
          %parallel_loop3A_628 = arith.muli %parallel_loop3A_395, %parallel_loop3A_627 : i32
          %parallel_loop3A_629 = arith.addi %parallel_loop3A_628, %parallel_loop3A_566 : i32
          %parallel_loop3A_630 = arith.index_cast %rem3A_342 : i32 to index
          %parallel_loop3A_631 = arith.index_cast %parallel_loop3A_629 : i32 to index
          %parallel_loop3A_632 = arith.constant 48 : index
          %parallel_loop3A_633 = tpu.vector_load %arg16[%parallel_loop3A_630, %parallel_loop3A_631, %parallel_loop3A_632] {strides = array<i32>} : memref<6x64x128xf32, #tpu.memory_space<vmem>>, vector<16xf32>,
          %parallel_loop3A_634 = arith.subf %parallel_loop3A_626, %parallel_loop3A_633 : vector<16xf32>
          %parallel_loop3A_635 = math.absf %parallel_loop3A_634 : vector<16xf32>
          %parallel_loop3A_636 = arith.addf %parallel_loop3A_619, %parallel_loop3A_635 : vector<16xf32>
          %parallel_loop3A_637 = arith.constant 16 : i32
          %parallel_loop3A_638 = arith.muli %parallel_loop3A_395, %parallel_loop3A_637 : i32
          %parallel_loop3A_639 = arith.addi %parallel_loop3A_638, %parallel_loop3A_566 : i32
          %parallel_loop3A_640 = arith.index_cast %rem3A_342 : i32 to index
          %parallel_loop3A_641 = arith.index_cast %parallel_loop3A_639 : i32 to index
          %parallel_loop3A_642 = arith.constant 64 : index
          %parallel_loop3A_643 = tpu.vector_load %arg15[%parallel_loop3A_640, %parallel_loop3A_641, %parallel_loop3A_642] {strides = array<i32>} : memref<6x64x128xf32, #tpu.memory_space<vmem>>, vector<16xf32>,
          %parallel_loop3A_644 = arith.constant 16 : i32
          %parallel_loop3A_645 = arith.muli %parallel_loop3A_395, %parallel_loop3A_644 : i32
          %parallel_loop3A_646 = arith.addi %parallel_loop3A_645, %parallel_loop3A_566 : i32
          %parallel_loop3A_647 = arith.index_cast %rem3A_342 : i32 to index
          %parallel_loop3A_648 = arith.index_cast %parallel_loop3A_646 : i32 to index
          %parallel_loop3A_649 = arith.constant 64 : index
          %parallel_loop3A_650 = tpu.vector_load %arg16[%parallel_loop3A_647, %parallel_loop3A_648, %parallel_loop3A_649] {strides = array<i32>} : memref<6x64x128xf32, #tpu.memory_space<vmem>>, vector<16xf32>,
          %parallel_loop3A_651 = arith.subf %parallel_loop3A_643, %parallel_loop3A_650 : vector<16xf32>
          %parallel_loop3A_652 = math.absf %parallel_loop3A_651 : vector<16xf32>
          %parallel_loop3A_653 = arith.addf %parallel_loop3A_636, %parallel_loop3A_652 : vector<16xf32>
          %parallel_loop3A_654 = arith.constant 16 : i32
          %parallel_loop3A_655 = arith.muli %parallel_loop3A_395, %parallel_loop3A_654 : i32
          %parallel_loop3A_656 = arith.addi %parallel_loop3A_655, %parallel_loop3A_566 : i32
          %parallel_loop3A_657 = arith.index_cast %rem3A_342 : i32 to index
          %parallel_loop3A_658 = arith.index_cast %parallel_loop3A_656 : i32 to index
          %parallel_loop3A_659 = arith.constant 80 : index
          %parallel_loop3A_660 = tpu.vector_load %arg15[%parallel_loop3A_657, %parallel_loop3A_658, %parallel_loop3A_659] {strides = array<i32>} : memref<6x64x128xf32, #tpu.memory_space<vmem>>, vector<16xf32>,
          %parallel_loop3A_661 = arith.constant 16 : i32
          %parallel_loop3A_662 = arith.muli %parallel_loop3A_395, %parallel_loop3A_661 : i32
          %parallel_loop3A_663 = arith.addi %parallel_loop3A_662, %parallel_loop3A_566 : i32
          %parallel_loop3A_664 = arith.index_cast %rem3A_342 : i32 to index
          %parallel_loop3A_665 = arith.index_cast %parallel_loop3A_663 : i32 to index
          %parallel_loop3A_666 = arith.constant 80 : index
          %parallel_loop3A_667 = tpu.vector_load %arg16[%parallel_loop3A_664, %parallel_loop3A_665, %parallel_loop3A_666] {strides = array<i32>} : memref<6x64x128xf32, #tpu.memory_space<vmem>>, vector<16xf32>,
          %parallel_loop3A_668 = arith.subf %parallel_loop3A_660, %parallel_loop3A_667 : vector<16xf32>
          %parallel_loop3A_669 = math.absf %parallel_loop3A_668 : vector<16xf32>
          %parallel_loop3A_670 = arith.addf %parallel_loop3A_653, %parallel_loop3A_669 : vector<16xf32>
          %parallel_loop3A_671 = arith.constant 16 : i32
          %parallel_loop3A_672 = arith.muli %parallel_loop3A_395, %parallel_loop3A_671 : i32
          %parallel_loop3A_673 = arith.addi %parallel_loop3A_672, %parallel_loop3A_566 : i32
          %parallel_loop3A_674 = arith.index_cast %rem3A_342 : i32 to index
          %parallel_loop3A_675 = arith.index_cast %parallel_loop3A_673 : i32 to index
          %parallel_loop3A_676 = arith.constant 96 : index
          %parallel_loop3A_677 = tpu.vector_load %arg15[%parallel_loop3A_674, %parallel_loop3A_675, %parallel_loop3A_676] {strides = array<i32>} : memref<6x64x128xf32, #tpu.memory_space<vmem>>, vector<16xf32>,
          %parallel_loop3A_678 = arith.constant 16 : i32
          %parallel_loop3A_679 = arith.muli %parallel_loop3A_395, %parallel_loop3A_678 : i32
          %parallel_loop3A_680 = arith.addi %parallel_loop3A_679, %parallel_loop3A_566 : i32
          %parallel_loop3A_681 = arith.index_cast %rem3A_342 : i32 to index
          %parallel_loop3A_682 = arith.index_cast %parallel_loop3A_680 : i32 to index
          %parallel_loop3A_683 = arith.constant 96 : index
          %parallel_loop3A_684 = tpu.vector_load %arg16[%parallel_loop3A_681, %parallel_loop3A_682, %parallel_loop3A_683] {strides = array<i32>} : memref<6x64x128xf32, #tpu.memory_space<vmem>>, vector<16xf32>,
          %parallel_loop3A_685 = arith.subf %parallel_loop3A_677, %parallel_loop3A_684 : vector<16xf32>
          %parallel_loop3A_686 = math.absf %parallel_loop3A_685 : vector<16xf32>
          %parallel_loop3A_687 = arith.addf %parallel_loop3A_670, %parallel_loop3A_686 : vector<16xf32>
          %parallel_loop3A_688 = arith.constant 16 : i32
          %parallel_loop3A_689 = arith.muli %parallel_loop3A_395, %parallel_loop3A_688 : i32
          %parallel_loop3A_690 = arith.addi %parallel_loop3A_689, %parallel_loop3A_566 : i32
          %parallel_loop3A_691 = arith.index_cast %rem3A_342 : i32 to index
          %parallel_loop3A_692 = arith.index_cast %parallel_loop3A_690 : i32 to index
          %parallel_loop3A_693 = arith.constant 112 : index
          %parallel_loop3A_694 = tpu.vector_load %arg15[%parallel_loop3A_691, %parallel_loop3A_692, %parallel_loop3A_693] {strides = array<i32>} : memref<6x64x128xf32, #tpu.memory_space<vmem>>, vector<16xf32>,
          %parallel_loop3A_695 = arith.constant 16 : i32
          %parallel_loop3A_696 = arith.muli %parallel_loop3A_395, %parallel_loop3A_695 : i32
          %parallel_loop3A_697 = arith.addi %parallel_loop3A_696, %parallel_loop3A_566 : i32
          %parallel_loop3A_698 = arith.index_cast %rem3A_342 : i32 to index
          %parallel_loop3A_699 = arith.index_cast %parallel_loop3A_697 : i32 to index
          %parallel_loop3A_700 = arith.constant 112 : index
          %parallel_loop3A_701 = tpu.vector_load %arg16[%parallel_loop3A_698, %parallel_loop3A_699, %parallel_loop3A_700] {strides = array<i32>} : memref<6x64x128xf32, #tpu.memory_space<vmem>>, vector<16xf32>,
          %parallel_loop3A_702 = arith.subf %parallel_loop3A_694, %parallel_loop3A_701 : vector<16xf32>
          %parallel_loop3A_703 = math.absf %parallel_loop3A_702 : vector<16xf32>
          %parallel_loop3A_704 = arith.addf %parallel_loop3A_687, %parallel_loop3A_703 : vector<16xf32>
          %parallel_loop3A_705 = vector.broadcast %parallel_loop3A_566 : i32 to vector<16xi32>
          %parallel_loop3A_706 = arith.cmpi eq, %iota3A, %parallel_loop3A_705 : vector<16xi32>
          %parallel_loop3A_707 = arith.constant true
          %parallel_loop3A_708 = vector.broadcast %parallel_loop3A_707 : i1 to vector<16xi1>
          %parallel_loop3A_709 = tpu.scan <sum>, %parallel_loop3A_704 masked %parallel_loop3A_708 : vector<16xf32>, vector<16xi1> -> vector<16xf32>
          %parallel_loop3A_710 = vector.extract %parallel_loop3A_709[15] : f32 from vector<16xf32>
          %parallel_loop3A_711 = vector.broadcast %parallel_loop3A_710 : f32 to vector<16xf32>
          %parallel_loop3A_712 = arith.select %parallel_loop3A_706, %parallel_loop3A_711, %parallel_loop3A_562 : vector<16xi1>, vector<16xf32>
          %parallel_loop3A_713 = arith.constant 8 : i32
          %parallel_loop3A_714 = arith.muli %scan3A_411, %parallel_loop3A_713 : i32
          %parallel_loop3A_715 = arith.constant 2 : i32
          %parallel_loop3A_716 = arith.addi %parallel_loop3A_714, %parallel_loop3A_715 : i32
          %parallel_loop3A_717 = arith.constant 0.000000e+00 : f32
          %parallel_loop3A_718 = vector.broadcast %parallel_loop3A_717 : f32 to vector<16xf32>
          %parallel_loop3A_719 = arith.constant 16 : i32
          %parallel_loop3A_720 = arith.muli %parallel_loop3A_395, %parallel_loop3A_719 : i32
          %parallel_loop3A_721 = arith.addi %parallel_loop3A_720, %parallel_loop3A_716 : i32
          %parallel_loop3A_722 = arith.index_cast %rem3A_342 : i32 to index
          %parallel_loop3A_723 = arith.index_cast %parallel_loop3A_721 : i32 to index
          %parallel_loop3A_724 = arith.constant 0 : index
          %parallel_loop3A_725 = tpu.vector_load %arg15[%parallel_loop3A_722, %parallel_loop3A_723, %parallel_loop3A_724] {strides = array<i32>} : memref<6x64x128xf32, #tpu.memory_space<vmem>>, vector<16xf32>,
          %parallel_loop3A_726 = arith.constant 16 : i32
          %parallel_loop3A_727 = arith.muli %parallel_loop3A_395, %parallel_loop3A_726 : i32
          %parallel_loop3A_728 = arith.addi %parallel_loop3A_727, %parallel_loop3A_716 : i32
          %parallel_loop3A_729 = arith.index_cast %rem3A_342 : i32 to index
          %parallel_loop3A_730 = arith.index_cast %parallel_loop3A_728 : i32 to index
          %parallel_loop3A_731 = arith.constant 0 : index
          %parallel_loop3A_732 = tpu.vector_load %arg16[%parallel_loop3A_729, %parallel_loop3A_730, %parallel_loop3A_731] {strides = array<i32>} : memref<6x64x128xf32, #tpu.memory_space<vmem>>, vector<16xf32>,
          %parallel_loop3A_733 = arith.subf %parallel_loop3A_725, %parallel_loop3A_732 : vector<16xf32>
          %parallel_loop3A_734 = math.absf %parallel_loop3A_733 : vector<16xf32>
          %parallel_loop3A_735 = arith.addf %parallel_loop3A_718, %parallel_loop3A_734 : vector<16xf32>
          %parallel_loop3A_736 = arith.constant 16 : i32
          %parallel_loop3A_737 = arith.muli %parallel_loop3A_395, %parallel_loop3A_736 : i32
          %parallel_loop3A_738 = arith.addi %parallel_loop3A_737, %parallel_loop3A_716 : i32
          %parallel_loop3A_739 = arith.index_cast %rem3A_342 : i32 to index
          %parallel_loop3A_740 = arith.index_cast %parallel_loop3A_738 : i32 to index
          %parallel_loop3A_741 = arith.constant 16 : index
          %parallel_loop3A_742 = tpu.vector_load %arg15[%parallel_loop3A_739, %parallel_loop3A_740, %parallel_loop3A_741] {strides = array<i32>} : memref<6x64x128xf32, #tpu.memory_space<vmem>>, vector<16xf32>,
          %parallel_loop3A_743 = arith.constant 16 : i32
          %parallel_loop3A_744 = arith.muli %parallel_loop3A_395, %parallel_loop3A_743 : i32
          %parallel_loop3A_745 = arith.addi %parallel_loop3A_744, %parallel_loop3A_716 : i32
          %parallel_loop3A_746 = arith.index_cast %rem3A_342 : i32 to index
          %parallel_loop3A_747 = arith.index_cast %parallel_loop3A_745 : i32 to index
          %parallel_loop3A_748 = arith.constant 16 : index
          %parallel_loop3A_749 = tpu.vector_load %arg16[%parallel_loop3A_746, %parallel_loop3A_747, %parallel_loop3A_748] {strides = array<i32>} : memref<6x64x128xf32, #tpu.memory_space<vmem>>, vector<16xf32>,
          %parallel_loop3A_750 = arith.subf %parallel_loop3A_742, %parallel_loop3A_749 : vector<16xf32>
          %parallel_loop3A_751 = math.absf %parallel_loop3A_750 : vector<16xf32>
          %parallel_loop3A_752 = arith.addf %parallel_loop3A_735, %parallel_loop3A_751 : vector<16xf32>
          %parallel_loop3A_753 = arith.constant 16 : i32
          %parallel_loop3A_754 = arith.muli %parallel_loop3A_395, %parallel_loop3A_753 : i32
          %parallel_loop3A_755 = arith.addi %parallel_loop3A_754, %parallel_loop3A_716 : i32
          %parallel_loop3A_756 = arith.index_cast %rem3A_342 : i32 to index
          %parallel_loop3A_757 = arith.index_cast %parallel_loop3A_755 : i32 to index
          %parallel_loop3A_758 = arith.constant 32 : index
          %parallel_loop3A_759 = tpu.vector_load %arg15[%parallel_loop3A_756, %parallel_loop3A_757, %parallel_loop3A_758] {strides = array<i32>} : memref<6x64x128xf32, #tpu.memory_space<vmem>>, vector<16xf32>,
          %parallel_loop3A_760 = arith.constant 16 : i32
          %parallel_loop3A_761 = arith.muli %parallel_loop3A_395, %parallel_loop3A_760 : i32
          %parallel_loop3A_762 = arith.addi %parallel_loop3A_761, %parallel_loop3A_716 : i32
          %parallel_loop3A_763 = arith.index_cast %rem3A_342 : i32 to index
          %parallel_loop3A_764 = arith.index_cast %parallel_loop3A_762 : i32 to index
          %parallel_loop3A_765 = arith.constant 32 : index
          %parallel_loop3A_766 = tpu.vector_load %arg16[%parallel_loop3A_763, %parallel_loop3A_764, %parallel_loop3A_765] {strides = array<i32>} : memref<6x64x128xf32, #tpu.memory_space<vmem>>, vector<16xf32>,
          %parallel_loop3A_767 = arith.subf %parallel_loop3A_759, %parallel_loop3A_766 : vector<16xf32>
          %parallel_loop3A_768 = math.absf %parallel_loop3A_767 : vector<16xf32>
          %parallel_loop3A_769 = arith.addf %parallel_loop3A_752, %parallel_loop3A_768 : vector<16xf32>
          %parallel_loop3A_770 = arith.constant 16 : i32
          %parallel_loop3A_771 = arith.muli %parallel_loop3A_395, %parallel_loop3A_770 : i32
          %parallel_loop3A_772 = arith.addi %parallel_loop3A_771, %parallel_loop3A_716 : i32
          %parallel_loop3A_773 = arith.index_cast %rem3A_342 : i32 to index
          %parallel_loop3A_774 = arith.index_cast %parallel_loop3A_772 : i32 to index
          %parallel_loop3A_775 = arith.constant 48 : index
          %parallel_loop3A_776 = tpu.vector_load %arg15[%parallel_loop3A_773, %parallel_loop3A_774, %parallel_loop3A_775] {strides = array<i32>} : memref<6x64x128xf32, #tpu.memory_space<vmem>>, vector<16xf32>,
          %parallel_loop3A_777 = arith.constant 16 : i32
          %parallel_loop3A_778 = arith.muli %parallel_loop3A_395, %parallel_loop3A_777 : i32
          %parallel_loop3A_779 = arith.addi %parallel_loop3A_778, %parallel_loop3A_716 : i32
          %parallel_loop3A_780 = arith.index_cast %rem3A_342 : i32 to index
          %parallel_loop3A_781 = arith.index_cast %parallel_loop3A_779 : i32 to index
          %parallel_loop3A_782 = arith.constant 48 : index
          %parallel_loop3A_783 = tpu.vector_load %arg16[%parallel_loop3A_780, %parallel_loop3A_781, %parallel_loop3A_782] {strides = array<i32>} : memref<6x64x128xf32, #tpu.memory_space<vmem>>, vector<16xf32>,
          %parallel_loop3A_784 = arith.subf %parallel_loop3A_776, %parallel_loop3A_783 : vector<16xf32>
          %parallel_loop3A_785 = math.absf %parallel_loop3A_784 : vector<16xf32>
          %parallel_loop3A_786 = arith.addf %parallel_loop3A_769, %parallel_loop3A_785 : vector<16xf32>
          %parallel_loop3A_787 = arith.constant 16 : i32
          %parallel_loop3A_788 = arith.muli %parallel_loop3A_395, %parallel_loop3A_787 : i32
          %parallel_loop3A_789 = arith.addi %parallel_loop3A_788, %parallel_loop3A_716 : i32
          %parallel_loop3A_790 = arith.index_cast %rem3A_342 : i32 to index
          %parallel_loop3A_791 = arith.index_cast %parallel_loop3A_789 : i32 to index
          %parallel_loop3A_792 = arith.constant 64 : index
          %parallel_loop3A_793 = tpu.vector_load %arg15[%parallel_loop3A_790, %parallel_loop3A_791, %parallel_loop3A_792] {strides = array<i32>} : memref<6x64x128xf32, #tpu.memory_space<vmem>>, vector<16xf32>,
          %parallel_loop3A_794 = arith.constant 16 : i32
          %parallel_loop3A_795 = arith.muli %parallel_loop3A_395, %parallel_loop3A_794 : i32
          %parallel_loop3A_796 = arith.addi %parallel_loop3A_795, %parallel_loop3A_716 : i32
          %parallel_loop3A_797 = arith.index_cast %rem3A_342 : i32 to index
          %parallel_loop3A_798 = arith.index_cast %parallel_loop3A_796 : i32 to index
          %parallel_loop3A_799 = arith.constant 64 : index
          %parallel_loop3A_800 = tpu.vector_load %arg16[%parallel_loop3A_797, %parallel_loop3A_798, %parallel_loop3A_799] {strides = array<i32>} : memref<6x64x128xf32, #tpu.memory_space<vmem>>, vector<16xf32>,
          %parallel_loop3A_801 = arith.subf %parallel_loop3A_793, %parallel_loop3A_800 : vector<16xf32>
          %parallel_loop3A_802 = math.absf %parallel_loop3A_801 : vector<16xf32>
          %parallel_loop3A_803 = arith.addf %parallel_loop3A_786, %parallel_loop3A_802 : vector<16xf32>
          %parallel_loop3A_804 = arith.constant 16 : i32
          %parallel_loop3A_805 = arith.muli %parallel_loop3A_395, %parallel_loop3A_804 : i32
          %parallel_loop3A_806 = arith.addi %parallel_loop3A_805, %parallel_loop3A_716 : i32
          %parallel_loop3A_807 = arith.index_cast %rem3A_342 : i32 to index
          %parallel_loop3A_808 = arith.index_cast %parallel_loop3A_806 : i32 to index
          %parallel_loop3A_809 = arith.constant 80 : index
          %parallel_loop3A_810 = tpu.vector_load %arg15[%parallel_loop3A_807, %parallel_loop3A_808, %parallel_loop3A_809] {strides = array<i32>} : memref<6x64x128xf32, #tpu.memory_space<vmem>>, vector<16xf32>,
          %parallel_loop3A_811 = arith.constant 16 : i32
          %parallel_loop3A_812 = arith.muli %parallel_loop3A_395, %parallel_loop3A_811 : i32
          %parallel_loop3A_813 = arith.addi %parallel_loop3A_812, %parallel_loop3A_716 : i32
          %parallel_loop3A_814 = arith.index_cast %rem3A_342 : i32 to index
          %parallel_loop3A_815 = arith.index_cast %parallel_loop3A_813 : i32 to index
          %parallel_loop3A_816 = arith.constant 80 : index
          %parallel_loop3A_817 = tpu.vector_load %arg16[%parallel_loop3A_814, %parallel_loop3A_815, %parallel_loop3A_816] {strides = array<i32>} : memref<6x64x128xf32, #tpu.memory_space<vmem>>, vector<16xf32>,
          %parallel_loop3A_818 = arith.subf %parallel_loop3A_810, %parallel_loop3A_817 : vector<16xf32>
          %parallel_loop3A_819 = math.absf %parallel_loop3A_818 : vector<16xf32>
          %parallel_loop3A_820 = arith.addf %parallel_loop3A_803, %parallel_loop3A_819 : vector<16xf32>
          %parallel_loop3A_821 = arith.constant 16 : i32
          %parallel_loop3A_822 = arith.muli %parallel_loop3A_395, %parallel_loop3A_821 : i32
          %parallel_loop3A_823 = arith.addi %parallel_loop3A_822, %parallel_loop3A_716 : i32
          %parallel_loop3A_824 = arith.index_cast %rem3A_342 : i32 to index
          %parallel_loop3A_825 = arith.index_cast %parallel_loop3A_823 : i32 to index
          %parallel_loop3A_826 = arith.constant 96 : index
          %parallel_loop3A_827 = tpu.vector_load %arg15[%parallel_loop3A_824, %parallel_loop3A_825, %parallel_loop3A_826] {strides = array<i32>} : memref<6x64x128xf32, #tpu.memory_space<vmem>>, vector<16xf32>,
          %parallel_loop3A_828 = arith.constant 16 : i32
          %parallel_loop3A_829 = arith.muli %parallel_loop3A_395, %parallel_loop3A_828 : i32
          %parallel_loop3A_830 = arith.addi %parallel_loop3A_829, %parallel_loop3A_716 : i32
          %parallel_loop3A_831 = arith.index_cast %rem3A_342 : i32 to index
          %parallel_loop3A_832 = arith.index_cast %parallel_loop3A_830 : i32 to index
          %parallel_loop3A_833 = arith.constant 96 : index
          %parallel_loop3A_834 = tpu.vector_load %arg16[%parallel_loop3A_831, %parallel_loop3A_832, %parallel_loop3A_833] {strides = array<i32>} : memref<6x64x128xf32, #tpu.memory_space<vmem>>, vector<16xf32>,
          %parallel_loop3A_835 = arith.subf %parallel_loop3A_827, %parallel_loop3A_834 : vector<16xf32>
          %parallel_loop3A_836 = math.absf %parallel_loop3A_835 : vector<16xf32>
          %parallel_loop3A_837 = arith.addf %parallel_loop3A_820, %parallel_loop3A_836 : vector<16xf32>
          %parallel_loop3A_838 = arith.constant 16 : i32
          %parallel_loop3A_839 = arith.muli %parallel_loop3A_395, %parallel_loop3A_838 : i32
          %parallel_loop3A_840 = arith.addi %parallel_loop3A_839, %parallel_loop3A_716 : i32
          %parallel_loop3A_841 = arith.index_cast %rem3A_342 : i32 to index
          %parallel_loop3A_842 = arith.index_cast %parallel_loop3A_840 : i32 to index
          %parallel_loop3A_843 = arith.constant 112 : index
          %parallel_loop3A_844 = tpu.vector_load %arg15[%parallel_loop3A_841, %parallel_loop3A_842, %parallel_loop3A_843] {strides = array<i32>} : memref<6x64x128xf32, #tpu.memory_space<vmem>>, vector<16xf32>,
          %parallel_loop3A_845 = arith.constant 16 : i32
          %parallel_loop3A_846 = arith.muli %parallel_loop3A_395, %parallel_loop3A_845 : i32
          %parallel_loop3A_847 = arith.addi %parallel_loop3A_846, %parallel_loop3A_716 : i32
          %parallel_loop3A_848 = arith.index_cast %rem3A_342 : i32 to index
          %parallel_loop3A_849 = arith.index_cast %parallel_loop3A_847 : i32 to index
          %parallel_loop3A_850 = arith.constant 112 : index
          %parallel_loop3A_851 = tpu.vector_load %arg16[%parallel_loop3A_848, %parallel_loop3A_849, %parallel_loop3A_850] {strides = array<i32>} : memref<6x64x128xf32, #tpu.memory_space<vmem>>, vector<16xf32>,
          %parallel_loop3A_852 = arith.subf %parallel_loop3A_844, %parallel_loop3A_851 : vector<16xf32>
          %parallel_loop3A_853 = math.absf %parallel_loop3A_852 : vector<16xf32>
          %parallel_loop3A_854 = arith.addf %parallel_loop3A_837, %parallel_loop3A_853 : vector<16xf32>
          %parallel_loop3A_855 = vector.broadcast %parallel_loop3A_716 : i32 to vector<16xi32>
          %parallel_loop3A_856 = arith.cmpi eq, %iota3A, %parallel_loop3A_855 : vector<16xi32>
          %parallel_loop3A_857 = arith.constant true
          %parallel_loop3A_858 = vector.broadcast %parallel_loop3A_857 : i1 to vector<16xi1>
          %parallel_loop3A_859 = tpu.scan <sum>, %parallel_loop3A_854 masked %parallel_loop3A_858 : vector<16xf32>, vector<16xi1> -> vector<16xf32>
          %parallel_loop3A_860 = vector.extract %parallel_loop3A_859[15] : f32 from vector<16xf32>
          %parallel_loop3A_861 = vector.broadcast %parallel_loop3A_860 : f32 to vector<16xf32>
          %parallel_loop3A_862 = arith.select %parallel_loop3A_856, %parallel_loop3A_861, %parallel_loop3A_712 : vector<16xi1>, vector<16xf32>
          %parallel_loop3A_863 = arith.constant 8 : i32
          %parallel_loop3A_864 = arith.muli %scan3A_411, %parallel_loop3A_863 : i32
          %parallel_loop3A_865 = arith.constant 3 : i32
          %parallel_loop3A_866 = arith.addi %parallel_loop3A_864, %parallel_loop3A_865 : i32
          %parallel_loop3A_867 = arith.constant 0.000000e+00 : f32
          %parallel_loop3A_868 = vector.broadcast %parallel_loop3A_867 : f32 to vector<16xf32>
          %parallel_loop3A_869 = arith.constant 16 : i32
          %parallel_loop3A_870 = arith.muli %parallel_loop3A_395, %parallel_loop3A_869 : i32
          %parallel_loop3A_871 = arith.addi %parallel_loop3A_870, %parallel_loop3A_866 : i32
          %parallel_loop3A_872 = arith.index_cast %rem3A_342 : i32 to index
          %parallel_loop3A_873 = arith.index_cast %parallel_loop3A_871 : i32 to index
          %parallel_loop3A_874 = arith.constant 0 : index
          %parallel_loop3A_875 = tpu.vector_load %arg15[%parallel_loop3A_872, %parallel_loop3A_873, %parallel_loop3A_874] {strides = array<i32>} : memref<6x64x128xf32, #tpu.memory_space<vmem>>, vector<16xf32>,
          %parallel_loop3A_876 = arith.constant 16 : i32
          %parallel_loop3A_877 = arith.muli %parallel_loop3A_395, %parallel_loop3A_876 : i32
          %parallel_loop3A_878 = arith.addi %parallel_loop3A_877, %parallel_loop3A_866 : i32
          %parallel_loop3A_879 = arith.index_cast %rem3A_342 : i32 to index
          %parallel_loop3A_880 = arith.index_cast %parallel_loop3A_878 : i32 to index
          %parallel_loop3A_881 = arith.constant 0 : index
          %parallel_loop3A_882 = tpu.vector_load %arg16[%parallel_loop3A_879, %parallel_loop3A_880, %parallel_loop3A_881] {strides = array<i32>} : memref<6x64x128xf32, #tpu.memory_space<vmem>>, vector<16xf32>,
          %parallel_loop3A_883 = arith.subf %parallel_loop3A_875, %parallel_loop3A_882 : vector<16xf32>
          %parallel_loop3A_884 = math.absf %parallel_loop3A_883 : vector<16xf32>
          %parallel_loop3A_885 = arith.addf %parallel_loop3A_868, %parallel_loop3A_884 : vector<16xf32>
          %parallel_loop3A_886 = arith.constant 16 : i32
          %parallel_loop3A_887 = arith.muli %parallel_loop3A_395, %parallel_loop3A_886 : i32
          %parallel_loop3A_888 = arith.addi %parallel_loop3A_887, %parallel_loop3A_866 : i32
          %parallel_loop3A_889 = arith.index_cast %rem3A_342 : i32 to index
          %parallel_loop3A_890 = arith.index_cast %parallel_loop3A_888 : i32 to index
          %parallel_loop3A_891 = arith.constant 16 : index
          %parallel_loop3A_892 = tpu.vector_load %arg15[%parallel_loop3A_889, %parallel_loop3A_890, %parallel_loop3A_891] {strides = array<i32>} : memref<6x64x128xf32, #tpu.memory_space<vmem>>, vector<16xf32>,
          %parallel_loop3A_893 = arith.constant 16 : i32
          %parallel_loop3A_894 = arith.muli %parallel_loop3A_395, %parallel_loop3A_893 : i32
          %parallel_loop3A_895 = arith.addi %parallel_loop3A_894, %parallel_loop3A_866 : i32
          %parallel_loop3A_896 = arith.index_cast %rem3A_342 : i32 to index
          %parallel_loop3A_897 = arith.index_cast %parallel_loop3A_895 : i32 to index
          %parallel_loop3A_898 = arith.constant 16 : index
          %parallel_loop3A_899 = tpu.vector_load %arg16[%parallel_loop3A_896, %parallel_loop3A_897, %parallel_loop3A_898] {strides = array<i32>} : memref<6x64x128xf32, #tpu.memory_space<vmem>>, vector<16xf32>,
          %parallel_loop3A_900 = arith.subf %parallel_loop3A_892, %parallel_loop3A_899 : vector<16xf32>
          %parallel_loop3A_901 = math.absf %parallel_loop3A_900 : vector<16xf32>
          %parallel_loop3A_902 = arith.addf %parallel_loop3A_885, %parallel_loop3A_901 : vector<16xf32>
          %parallel_loop3A_903 = arith.constant 16 : i32
          %parallel_loop3A_904 = arith.muli %parallel_loop3A_395, %parallel_loop3A_903 : i32
          %parallel_loop3A_905 = arith.addi %parallel_loop3A_904, %parallel_loop3A_866 : i32
          %parallel_loop3A_906 = arith.index_cast %rem3A_342 : i32 to index
          %parallel_loop3A_907 = arith.index_cast %parallel_loop3A_905 : i32 to index
          %parallel_loop3A_908 = arith.constant 32 : index
          %parallel_loop3A_909 = tpu.vector_load %arg15[%parallel_loop3A_906, %parallel_loop3A_907, %parallel_loop3A_908] {strides = array<i32>} : memref<6x64x128xf32, #tpu.memory_space<vmem>>, vector<16xf32>,
          %parallel_loop3A_910 = arith.constant 16 : i32
          %parallel_loop3A_911 = arith.muli %parallel_loop3A_395, %parallel_loop3A_910 : i32
          %parallel_loop3A_912 = arith.addi %parallel_loop3A_911, %parallel_loop3A_866 : i32
          %parallel_loop3A_913 = arith.index_cast %rem3A_342 : i32 to index
          %parallel_loop3A_914 = arith.index_cast %parallel_loop3A_912 : i32 to index
          %parallel_loop3A_915 = arith.constant 32 : index
          %parallel_loop3A_916 = tpu.vector_load %arg16[%parallel_loop3A_913, %parallel_loop3A_914, %parallel_loop3A_915] {strides = array<i32>} : memref<6x64x128xf32, #tpu.memory_space<vmem>>, vector<16xf32>,
          %parallel_loop3A_917 = arith.subf %parallel_loop3A_909, %parallel_loop3A_916 : vector<16xf32>
          %parallel_loop3A_918 = math.absf %parallel_loop3A_917 : vector<16xf32>
          %parallel_loop3A_919 = arith.addf %parallel_loop3A_902, %parallel_loop3A_918 : vector<16xf32>
          %parallel_loop3A_920 = arith.constant 16 : i32
          %parallel_loop3A_921 = arith.muli %parallel_loop3A_395, %parallel_loop3A_920 : i32
          %parallel_loop3A_922 = arith.addi %parallel_loop3A_921, %parallel_loop3A_866 : i32
          %parallel_loop3A_923 = arith.index_cast %rem3A_342 : i32 to index
          %parallel_loop3A_924 = arith.index_cast %parallel_loop3A_922 : i32 to index
          %parallel_loop3A_925 = arith.constant 48 : index
          %parallel_loop3A_926 = tpu.vector_load %arg15[%parallel_loop3A_923, %parallel_loop3A_924, %parallel_loop3A_925] {strides = array<i32>} : memref<6x64x128xf32, #tpu.memory_space<vmem>>, vector<16xf32>,
          %parallel_loop3A_927 = arith.constant 16 : i32
          %parallel_loop3A_928 = arith.muli %parallel_loop3A_395, %parallel_loop3A_927 : i32
          %parallel_loop3A_929 = arith.addi %parallel_loop3A_928, %parallel_loop3A_866 : i32
          %parallel_loop3A_930 = arith.index_cast %rem3A_342 : i32 to index
          %parallel_loop3A_931 = arith.index_cast %parallel_loop3A_929 : i32 to index
          %parallel_loop3A_932 = arith.constant 48 : index
          %parallel_loop3A_933 = tpu.vector_load %arg16[%parallel_loop3A_930, %parallel_loop3A_931, %parallel_loop3A_932] {strides = array<i32>} : memref<6x64x128xf32, #tpu.memory_space<vmem>>, vector<16xf32>,
          %parallel_loop3A_934 = arith.subf %parallel_loop3A_926, %parallel_loop3A_933 : vector<16xf32>
          %parallel_loop3A_935 = math.absf %parallel_loop3A_934 : vector<16xf32>
          %parallel_loop3A_936 = arith.addf %parallel_loop3A_919, %parallel_loop3A_935 : vector<16xf32>
          %parallel_loop3A_937 = arith.constant 16 : i32
          %parallel_loop3A_938 = arith.muli %parallel_loop3A_395, %parallel_loop3A_937 : i32
          %parallel_loop3A_939 = arith.addi %parallel_loop3A_938, %parallel_loop3A_866 : i32
          %parallel_loop3A_940 = arith.index_cast %rem3A_342 : i32 to index
          %parallel_loop3A_941 = arith.index_cast %parallel_loop3A_939 : i32 to index
          %parallel_loop3A_942 = arith.constant 64 : index
          %parallel_loop3A_943 = tpu.vector_load %arg15[%parallel_loop3A_940, %parallel_loop3A_941, %parallel_loop3A_942] {strides = array<i32>} : memref<6x64x128xf32, #tpu.memory_space<vmem>>, vector<16xf32>,
          %parallel_loop3A_944 = arith.constant 16 : i32
          %parallel_loop3A_945 = arith.muli %parallel_loop3A_395, %parallel_loop3A_944 : i32
          %parallel_loop3A_946 = arith.addi %parallel_loop3A_945, %parallel_loop3A_866 : i32
          %parallel_loop3A_947 = arith.index_cast %rem3A_342 : i32 to index
          %parallel_loop3A_948 = arith.index_cast %parallel_loop3A_946 : i32 to index
          %parallel_loop3A_949 = arith.constant 64 : index
          %parallel_loop3A_950 = tpu.vector_load %arg16[%parallel_loop3A_947, %parallel_loop3A_948, %parallel_loop3A_949] {strides = array<i32>} : memref<6x64x128xf32, #tpu.memory_space<vmem>>, vector<16xf32>,
          %parallel_loop3A_951 = arith.subf %parallel_loop3A_943, %parallel_loop3A_950 : vector<16xf32>
          %parallel_loop3A_952 = math.absf %parallel_loop3A_951 : vector<16xf32>
          %parallel_loop3A_953 = arith.addf %parallel_loop3A_936, %parallel_loop3A_952 : vector<16xf32>
          %parallel_loop3A_954 = arith.constant 16 : i32
          %parallel_loop3A_955 = arith.muli %parallel_loop3A_395, %parallel_loop3A_954 : i32
          %parallel_loop3A_956 = arith.addi %parallel_loop3A_955, %parallel_loop3A_866 : i32
          %parallel_loop3A_957 = arith.index_cast %rem3A_342 : i32 to index
          %parallel_loop3A_958 = arith.index_cast %parallel_loop3A_956 : i32 to index
          %parallel_loop3A_959 = arith.constant 80 : index
          %parallel_loop3A_960 = tpu.vector_load %arg15[%parallel_loop3A_957, %parallel_loop3A_958, %parallel_loop3A_959] {strides = array<i32>} : memref<6x64x128xf32, #tpu.memory_space<vmem>>, vector<16xf32>,
          %parallel_loop3A_961 = arith.constant 16 : i32
          %parallel_loop3A_962 = arith.muli %parallel_loop3A_395, %parallel_loop3A_961 : i32
          %parallel_loop3A_963 = arith.addi %parallel_loop3A_962, %parallel_loop3A_866 : i32
          %parallel_loop3A_964 = arith.index_cast %rem3A_342 : i32 to index
          %parallel_loop3A_965 = arith.index_cast %parallel_loop3A_963 : i32 to index
          %parallel_loop3A_966 = arith.constant 80 : index
          %parallel_loop3A_967 = tpu.vector_load %arg16[%parallel_loop3A_964, %parallel_loop3A_965, %parallel_loop3A_966] {strides = array<i32>} : memref<6x64x128xf32, #tpu.memory_space<vmem>>, vector<16xf32>,
          %parallel_loop3A_968 = arith.subf %parallel_loop3A_960, %parallel_loop3A_967 : vector<16xf32>
          %parallel_loop3A_969 = math.absf %parallel_loop3A_968 : vector<16xf32>
          %parallel_loop3A_970 = arith.addf %parallel_loop3A_953, %parallel_loop3A_969 : vector<16xf32>
          %parallel_loop3A_971 = arith.constant 16 : i32
          %parallel_loop3A_972 = arith.muli %parallel_loop3A_395, %parallel_loop3A_971 : i32
          %parallel_loop3A_973 = arith.addi %parallel_loop3A_972, %parallel_loop3A_866 : i32
          %parallel_loop3A_974 = arith.index_cast %rem3A_342 : i32 to index
          %parallel_loop3A_975 = arith.index_cast %parallel_loop3A_973 : i32 to index
          %parallel_loop3A_976 = arith.constant 96 : index
          %parallel_loop3A_977 = tpu.vector_load %arg15[%parallel_loop3A_974, %parallel_loop3A_975, %parallel_loop3A_976] {strides = array<i32>} : memref<6x64x128xf32, #tpu.memory_space<vmem>>, vector<16xf32>,
          %parallel_loop3A_978 = arith.constant 16 : i32
          %parallel_loop3A_979 = arith.muli %parallel_loop3A_395, %parallel_loop3A_978 : i32
          %parallel_loop3A_980 = arith.addi %parallel_loop3A_979, %parallel_loop3A_866 : i32
          %parallel_loop3A_981 = arith.index_cast %rem3A_342 : i32 to index
          %parallel_loop3A_982 = arith.index_cast %parallel_loop3A_980 : i32 to index
          %parallel_loop3A_983 = arith.constant 96 : index
          %parallel_loop3A_984 = tpu.vector_load %arg16[%parallel_loop3A_981, %parallel_loop3A_982, %parallel_loop3A_983] {strides = array<i32>} : memref<6x64x128xf32, #tpu.memory_space<vmem>>, vector<16xf32>,
          %parallel_loop3A_985 = arith.subf %parallel_loop3A_977, %parallel_loop3A_984 : vector<16xf32>
          %parallel_loop3A_986 = math.absf %parallel_loop3A_985 : vector<16xf32>
          %parallel_loop3A_987 = arith.addf %parallel_loop3A_970, %parallel_loop3A_986 : vector<16xf32>
          %parallel_loop3A_988 = arith.constant 16 : i32
          %parallel_loop3A_989 = arith.muli %parallel_loop3A_395, %parallel_loop3A_988 : i32
          %parallel_loop3A_990 = arith.addi %parallel_loop3A_989, %parallel_loop3A_866 : i32
          %parallel_loop3A_991 = arith.index_cast %rem3A_342 : i32 to index
          %parallel_loop3A_992 = arith.index_cast %parallel_loop3A_990 : i32 to index
          %parallel_loop3A_993 = arith.constant 112 : index
          %parallel_loop3A_994 = tpu.vector_load %arg15[%parallel_loop3A_991, %parallel_loop3A_992, %parallel_loop3A_993] {strides = array<i32>} : memref<6x64x128xf32, #tpu.memory_space<vmem>>, vector<16xf32>,
          %parallel_loop3A_995 = arith.constant 16 : i32
          %parallel_loop3A_996 = arith.muli %parallel_loop3A_395, %parallel_loop3A_995 : i32
          %parallel_loop3A_997 = arith.addi %parallel_loop3A_996, %parallel_loop3A_866 : i32
          %parallel_loop3A_998 = arith.index_cast %rem3A_342 : i32 to index
          %parallel_loop3A_999 = arith.index_cast %parallel_loop3A_997 : i32 to index
          %parallel_loop3A_1000 = arith.constant 112 : index
          %parallel_loop3A_1001 = tpu.vector_load %arg16[%parallel_loop3A_998, %parallel_loop3A_999, %parallel_loop3A_1000] {strides = array<i32>} : memref<6x64x128xf32, #tpu.memory_space<vmem>>, vector<16xf32>,
          %parallel_loop3A_1002 = arith.subf %parallel_loop3A_994, %parallel_loop3A_1001 : vector<16xf32>
          %parallel_loop3A_1003 = math.absf %parallel_loop3A_1002 : vector<16xf32>
          %parallel_loop3A_1004 = arith.addf %parallel_loop3A_987, %parallel_loop3A_1003 : vector<16xf32>
          %parallel_loop3A_1005 = vector.broadcast %parallel_loop3A_866 : i32 to vector<16xi32>
          %parallel_loop3A_1006 = arith.cmpi eq, %iota3A, %parallel_loop3A_1005 : vector<16xi32>
          %parallel_loop3A_1007 = arith.constant true
          %parallel_loop3A_1008 = vector.broadcast %parallel_loop3A_1007 : i1 to vector<16xi1>
          %parallel_loop3A_1009 = tpu.scan <sum>, %parallel_loop3A_1004 masked %parallel_loop3A_1008 : vector<16xf32>, vector<16xi1> -> vector<16xf32>
          %parallel_loop3A_1010 = vector.extract %parallel_loop3A_1009[15] : f32 from vector<16xf32>
          %parallel_loop3A_1011 = vector.broadcast %parallel_loop3A_1010 : f32 to vector<16xf32>
          %parallel_loop3A_1012 = arith.select %parallel_loop3A_1006, %parallel_loop3A_1011, %parallel_loop3A_862 : vector<16xi1>, vector<16xf32>
          %parallel_loop3A_1013 = arith.constant 8 : i32
          %parallel_loop3A_1014 = arith.muli %scan3A_411, %parallel_loop3A_1013 : i32
          %parallel_loop3A_1015 = arith.constant 4 : i32
          %parallel_loop3A_1016 = arith.addi %parallel_loop3A_1014, %parallel_loop3A_1015 : i32
          %parallel_loop3A_1017 = arith.constant 0.000000e+00 : f32
          %parallel_loop3A_1018 = vector.broadcast %parallel_loop3A_1017 : f32 to vector<16xf32>
          %parallel_loop3A_1019 = arith.constant 16 : i32
          %parallel_loop3A_1020 = arith.muli %parallel_loop3A_395, %parallel_loop3A_1019 : i32
          %parallel_loop3A_1021 = arith.addi %parallel_loop3A_1020, %parallel_loop3A_1016 : i32
          %parallel_loop3A_1022 = arith.index_cast %rem3A_342 : i32 to index
          %parallel_loop3A_1023 = arith.index_cast %parallel_loop3A_1021 : i32 to index
          %parallel_loop3A_1024 = arith.constant 0 : index
          %parallel_loop3A_1025 = tpu.vector_load %arg15[%parallel_loop3A_1022, %parallel_loop3A_1023, %parallel_loop3A_1024] {strides = array<i32>} : memref<6x64x128xf32, #tpu.memory_space<vmem>>, vector<16xf32>,
          %parallel_loop3A_1026 = arith.constant 16 : i32
          %parallel_loop3A_1027 = arith.muli %parallel_loop3A_395, %parallel_loop3A_1026 : i32
          %parallel_loop3A_1028 = arith.addi %parallel_loop3A_1027, %parallel_loop3A_1016 : i32
          %parallel_loop3A_1029 = arith.index_cast %rem3A_342 : i32 to index
          %parallel_loop3A_1030 = arith.index_cast %parallel_loop3A_1028 : i32 to index
          %parallel_loop3A_1031 = arith.constant 0 : index
          %parallel_loop3A_1032 = tpu.vector_load %arg16[%parallel_loop3A_1029, %parallel_loop3A_1030, %parallel_loop3A_1031] {strides = array<i32>} : memref<6x64x128xf32, #tpu.memory_space<vmem>>, vector<16xf32>,
          %parallel_loop3A_1033 = arith.subf %parallel_loop3A_1025, %parallel_loop3A_1032 : vector<16xf32>
          %parallel_loop3A_1034 = math.absf %parallel_loop3A_1033 : vector<16xf32>
          %parallel_loop3A_1035 = arith.addf %parallel_loop3A_1018, %parallel_loop3A_1034 : vector<16xf32>
          %parallel_loop3A_1036 = arith.constant 16 : i32
          %parallel_loop3A_1037 = arith.muli %parallel_loop3A_395, %parallel_loop3A_1036 : i32
          %parallel_loop3A_1038 = arith.addi %parallel_loop3A_1037, %parallel_loop3A_1016 : i32
          %parallel_loop3A_1039 = arith.index_cast %rem3A_342 : i32 to index
          %parallel_loop3A_1040 = arith.index_cast %parallel_loop3A_1038 : i32 to index
          %parallel_loop3A_1041 = arith.constant 16 : index
          %parallel_loop3A_1042 = tpu.vector_load %arg15[%parallel_loop3A_1039, %parallel_loop3A_1040, %parallel_loop3A_1041] {strides = array<i32>} : memref<6x64x128xf32, #tpu.memory_space<vmem>>, vector<16xf32>,
          %parallel_loop3A_1043 = arith.constant 16 : i32
          %parallel_loop3A_1044 = arith.muli %parallel_loop3A_395, %parallel_loop3A_1043 : i32
          %parallel_loop3A_1045 = arith.addi %parallel_loop3A_1044, %parallel_loop3A_1016 : i32
          %parallel_loop3A_1046 = arith.index_cast %rem3A_342 : i32 to index
          %parallel_loop3A_1047 = arith.index_cast %parallel_loop3A_1045 : i32 to index
          %parallel_loop3A_1048 = arith.constant 16 : index
          %parallel_loop3A_1049 = tpu.vector_load %arg16[%parallel_loop3A_1046, %parallel_loop3A_1047, %parallel_loop3A_1048] {strides = array<i32>} : memref<6x64x128xf32, #tpu.memory_space<vmem>>, vector<16xf32>,
          %parallel_loop3A_1050 = arith.subf %parallel_loop3A_1042, %parallel_loop3A_1049 : vector<16xf32>
          %parallel_loop3A_1051 = math.absf %parallel_loop3A_1050 : vector<16xf32>
          %parallel_loop3A_1052 = arith.addf %parallel_loop3A_1035, %parallel_loop3A_1051 : vector<16xf32>
          %parallel_loop3A_1053 = arith.constant 16 : i32
          %parallel_loop3A_1054 = arith.muli %parallel_loop3A_395, %parallel_loop3A_1053 : i32
          %parallel_loop3A_1055 = arith.addi %parallel_loop3A_1054, %parallel_loop3A_1016 : i32
          %parallel_loop3A_1056 = arith.index_cast %rem3A_342 : i32 to index
          %parallel_loop3A_1057 = arith.index_cast %parallel_loop3A_1055 : i32 to index
          %parallel_loop3A_1058 = arith.constant 32 : index
          %parallel_loop3A_1059 = tpu.vector_load %arg15[%parallel_loop3A_1056, %parallel_loop3A_1057, %parallel_loop3A_1058] {strides = array<i32>} : memref<6x64x128xf32, #tpu.memory_space<vmem>>, vector<16xf32>,
          %parallel_loop3A_1060 = arith.constant 16 : i32
          %parallel_loop3A_1061 = arith.muli %parallel_loop3A_395, %parallel_loop3A_1060 : i32
          %parallel_loop3A_1062 = arith.addi %parallel_loop3A_1061, %parallel_loop3A_1016 : i32
          %parallel_loop3A_1063 = arith.index_cast %rem3A_342 : i32 to index
          %parallel_loop3A_1064 = arith.index_cast %parallel_loop3A_1062 : i32 to index
          %parallel_loop3A_1065 = arith.constant 32 : index
          %parallel_loop3A_1066 = tpu.vector_load %arg16[%parallel_loop3A_1063, %parallel_loop3A_1064, %parallel_loop3A_1065] {strides = array<i32>} : memref<6x64x128xf32, #tpu.memory_space<vmem>>, vector<16xf32>,
          %parallel_loop3A_1067 = arith.subf %parallel_loop3A_1059, %parallel_loop3A_1066 : vector<16xf32>
          %parallel_loop3A_1068 = math.absf %parallel_loop3A_1067 : vector<16xf32>
          %parallel_loop3A_1069 = arith.addf %parallel_loop3A_1052, %parallel_loop3A_1068 : vector<16xf32>
          %parallel_loop3A_1070 = arith.constant 16 : i32
          %parallel_loop3A_1071 = arith.muli %parallel_loop3A_395, %parallel_loop3A_1070 : i32
          %parallel_loop3A_1072 = arith.addi %parallel_loop3A_1071, %parallel_loop3A_1016 : i32
          %parallel_loop3A_1073 = arith.index_cast %rem3A_342 : i32 to index
          %parallel_loop3A_1074 = arith.index_cast %parallel_loop3A_1072 : i32 to index
          %parallel_loop3A_1075 = arith.constant 48 : index
          %parallel_loop3A_1076 = tpu.vector_load %arg15[%parallel_loop3A_1073, %parallel_loop3A_1074, %parallel_loop3A_1075] {strides = array<i32>} : memref<6x64x128xf32, #tpu.memory_space<vmem>>, vector<16xf32>,
          %parallel_loop3A_1077 = arith.constant 16 : i32
          %parallel_loop3A_1078 = arith.muli %parallel_loop3A_395, %parallel_loop3A_1077 : i32
          %parallel_loop3A_1079 = arith.addi %parallel_loop3A_1078, %parallel_loop3A_1016 : i32
          %parallel_loop3A_1080 = arith.index_cast %rem3A_342 : i32 to index
          %parallel_loop3A_1081 = arith.index_cast %parallel_loop3A_1079 : i32 to index
          %parallel_loop3A_1082 = arith.constant 48 : index
          %parallel_loop3A_1083 = tpu.vector_load %arg16[%parallel_loop3A_1080, %parallel_loop3A_1081, %parallel_loop3A_1082] {strides = array<i32>} : memref<6x64x128xf32, #tpu.memory_space<vmem>>, vector<16xf32>,
          %parallel_loop3A_1084 = arith.subf %parallel_loop3A_1076, %parallel_loop3A_1083 : vector<16xf32>
          %parallel_loop3A_1085 = math.absf %parallel_loop3A_1084 : vector<16xf32>
          %parallel_loop3A_1086 = arith.addf %parallel_loop3A_1069, %parallel_loop3A_1085 : vector<16xf32>
          %parallel_loop3A_1087 = arith.constant 16 : i32
          %parallel_loop3A_1088 = arith.muli %parallel_loop3A_395, %parallel_loop3A_1087 : i32
          %parallel_loop3A_1089 = arith.addi %parallel_loop3A_1088, %parallel_loop3A_1016 : i32
          %parallel_loop3A_1090 = arith.index_cast %rem3A_342 : i32 to index
          %parallel_loop3A_1091 = arith.index_cast %parallel_loop3A_1089 : i32 to index
          %parallel_loop3A_1092 = arith.constant 64 : index
          %parallel_loop3A_1093 = tpu.vector_load %arg15[%parallel_loop3A_1090, %parallel_loop3A_1091, %parallel_loop3A_1092] {strides = array<i32>} : memref<6x64x128xf32, #tpu.memory_space<vmem>>, vector<16xf32>,
          %parallel_loop3A_1094 = arith.constant 16 : i32
          %parallel_loop3A_1095 = arith.muli %parallel_loop3A_395, %parallel_loop3A_1094 : i32
          %parallel_loop3A_1096 = arith.addi %parallel_loop3A_1095, %parallel_loop3A_1016 : i32
          %parallel_loop3A_1097 = arith.index_cast %rem3A_342 : i32 to index
          %parallel_loop3A_1098 = arith.index_cast %parallel_loop3A_1096 : i32 to index
          %parallel_loop3A_1099 = arith.constant 64 : index
          %parallel_loop3A_1100 = tpu.vector_load %arg16[%parallel_loop3A_1097, %parallel_loop3A_1098, %parallel_loop3A_1099] {strides = array<i32>} : memref<6x64x128xf32, #tpu.memory_space<vmem>>, vector<16xf32>,
          %parallel_loop3A_1101 = arith.subf %parallel_loop3A_1093, %parallel_loop3A_1100 : vector<16xf32>
          %parallel_loop3A_1102 = math.absf %parallel_loop3A_1101 : vector<16xf32>
          %parallel_loop3A_1103 = arith.addf %parallel_loop3A_1086, %parallel_loop3A_1102 : vector<16xf32>
          %parallel_loop3A_1104 = arith.constant 16 : i32
          %parallel_loop3A_1105 = arith.muli %parallel_loop3A_395, %parallel_loop3A_1104 : i32
          %parallel_loop3A_1106 = arith.addi %parallel_loop3A_1105, %parallel_loop3A_1016 : i32
          %parallel_loop3A_1107 = arith.index_cast %rem3A_342 : i32 to index
          %parallel_loop3A_1108 = arith.index_cast %parallel_loop3A_1106 : i32 to index
          %parallel_loop3A_1109 = arith.constant 80 : index
          %parallel_loop3A_1110 = tpu.vector_load %arg15[%parallel_loop3A_1107, %parallel_loop3A_1108, %parallel_loop3A_1109] {strides = array<i32>} : memref<6x64x128xf32, #tpu.memory_space<vmem>>, vector<16xf32>,
          %parallel_loop3A_1111 = arith.constant 16 : i32
          %parallel_loop3A_1112 = arith.muli %parallel_loop3A_395, %parallel_loop3A_1111 : i32
          %parallel_loop3A_1113 = arith.addi %parallel_loop3A_1112, %parallel_loop3A_1016 : i32
          %parallel_loop3A_1114 = arith.index_cast %rem3A_342 : i32 to index
          %parallel_loop3A_1115 = arith.index_cast %parallel_loop3A_1113 : i32 to index
          %parallel_loop3A_1116 = arith.constant 80 : index
          %parallel_loop3A_1117 = tpu.vector_load %arg16[%parallel_loop3A_1114, %parallel_loop3A_1115, %parallel_loop3A_1116] {strides = array<i32>} : memref<6x64x128xf32, #tpu.memory_space<vmem>>, vector<16xf32>,
          %parallel_loop3A_1118 = arith.subf %parallel_loop3A_1110, %parallel_loop3A_1117 : vector<16xf32>
          %parallel_loop3A_1119 = math.absf %parallel_loop3A_1118 : vector<16xf32>
          %parallel_loop3A_1120 = arith.addf %parallel_loop3A_1103, %parallel_loop3A_1119 : vector<16xf32>
          %parallel_loop3A_1121 = arith.constant 16 : i32
          %parallel_loop3A_1122 = arith.muli %parallel_loop3A_395, %parallel_loop3A_1121 : i32
          %parallel_loop3A_1123 = arith.addi %parallel_loop3A_1122, %parallel_loop3A_1016 : i32
          %parallel_loop3A_1124 = arith.index_cast %rem3A_342 : i32 to index
          %parallel_loop3A_1125 = arith.index_cast %parallel_loop3A_1123 : i32 to index
          %parallel_loop3A_1126 = arith.constant 96 : index
          %parallel_loop3A_1127 = tpu.vector_load %arg15[%parallel_loop3A_1124, %parallel_loop3A_1125, %parallel_loop3A_1126] {strides = array<i32>} : memref<6x64x128xf32, #tpu.memory_space<vmem>>, vector<16xf32>,
          %parallel_loop3A_1128 = arith.constant 16 : i32
          %parallel_loop3A_1129 = arith.muli %parallel_loop3A_395, %parallel_loop3A_1128 : i32
          %parallel_loop3A_1130 = arith.addi %parallel_loop3A_1129, %parallel_loop3A_1016 : i32
          %parallel_loop3A_1131 = arith.index_cast %rem3A_342 : i32 to index
          %parallel_loop3A_1132 = arith.index_cast %parallel_loop3A_1130 : i32 to index
          %parallel_loop3A_1133 = arith.constant 96 : index
          %parallel_loop3A_1134 = tpu.vector_load %arg16[%parallel_loop3A_1131, %parallel_loop3A_1132, %parallel_loop3A_1133] {strides = array<i32>} : memref<6x64x128xf32, #tpu.memory_space<vmem>>, vector<16xf32>,
          %parallel_loop3A_1135 = arith.subf %parallel_loop3A_1127, %parallel_loop3A_1134 : vector<16xf32>
          %parallel_loop3A_1136 = math.absf %parallel_loop3A_1135 : vector<16xf32>
          %parallel_loop3A_1137 = arith.addf %parallel_loop3A_1120, %parallel_loop3A_1136 : vector<16xf32>
          %parallel_loop3A_1138 = arith.constant 16 : i32
          %parallel_loop3A_1139 = arith.muli %parallel_loop3A_395, %parallel_loop3A_1138 : i32
          %parallel_loop3A_1140 = arith.addi %parallel_loop3A_1139, %parallel_loop3A_1016 : i32
          %parallel_loop3A_1141 = arith.index_cast %rem3A_342 : i32 to index
          %parallel_loop3A_1142 = arith.index_cast %parallel_loop3A_1140 : i32 to index
          %parallel_loop3A_1143 = arith.constant 112 : index
          %parallel_loop3A_1144 = tpu.vector_load %arg15[%parallel_loop3A_1141, %parallel_loop3A_1142, %parallel_loop3A_1143] {strides = array<i32>} : memref<6x64x128xf32, #tpu.memory_space<vmem>>, vector<16xf32>,
          %parallel_loop3A_1145 = arith.constant 16 : i32
          %parallel_loop3A_1146 = arith.muli %parallel_loop3A_395, %parallel_loop3A_1145 : i32
          %parallel_loop3A_1147 = arith.addi %parallel_loop3A_1146, %parallel_loop3A_1016 : i32
          %parallel_loop3A_1148 = arith.index_cast %rem3A_342 : i32 to index
          %parallel_loop3A_1149 = arith.index_cast %parallel_loop3A_1147 : i32 to index
          %parallel_loop3A_1150 = arith.constant 112 : index
          %parallel_loop3A_1151 = tpu.vector_load %arg16[%parallel_loop3A_1148, %parallel_loop3A_1149, %parallel_loop3A_1150] {strides = array<i32>} : memref<6x64x128xf32, #tpu.memory_space<vmem>>, vector<16xf32>,
          %parallel_loop3A_1152 = arith.subf %parallel_loop3A_1144, %parallel_loop3A_1151 : vector<16xf32>
          %parallel_loop3A_1153 = math.absf %parallel_loop3A_1152 : vector<16xf32>
          %parallel_loop3A_1154 = arith.addf %parallel_loop3A_1137, %parallel_loop3A_1153 : vector<16xf32>
          %parallel_loop3A_1155 = vector.broadcast %parallel_loop3A_1016 : i32 to vector<16xi32>
          %parallel_loop3A_1156 = arith.cmpi eq, %iota3A, %parallel_loop3A_1155 : vector<16xi32>
          %parallel_loop3A_1157 = arith.constant true
          %parallel_loop3A_1158 = vector.broadcast %parallel_loop3A_1157 : i1 to vector<16xi1>
          %parallel_loop3A_1159 = tpu.scan <sum>, %parallel_loop3A_1154 masked %parallel_loop3A_1158 : vector<16xf32>, vector<16xi1> -> vector<16xf32>
          %parallel_loop3A_1160 = vector.extract %parallel_loop3A_1159[15] : f32 from vector<16xf32>
          %parallel_loop3A_1161 = vector.broadcast %parallel_loop3A_1160 : f32 to vector<16xf32>
          %parallel_loop3A_1162 = arith.select %parallel_loop3A_1156, %parallel_loop3A_1161, %parallel_loop3A_1012 : vector<16xi1>, vector<16xf32>
          %parallel_loop3A_1163 = arith.constant 8 : i32
          %parallel_loop3A_1164 = arith.muli %scan3A_411, %parallel_loop3A_1163 : i32
          %parallel_loop3A_1165 = arith.constant 5 : i32
          %parallel_loop3A_1166 = arith.addi %parallel_loop3A_1164, %parallel_loop3A_1165 : i32
          %parallel_loop3A_1167 = arith.constant 0.000000e+00 : f32
          %parallel_loop3A_1168 = vector.broadcast %parallel_loop3A_1167 : f32 to vector<16xf32>
          %parallel_loop3A_1169 = arith.constant 16 : i32
          %parallel_loop3A_1170 = arith.muli %parallel_loop3A_395, %parallel_loop3A_1169 : i32
          %parallel_loop3A_1171 = arith.addi %parallel_loop3A_1170, %parallel_loop3A_1166 : i32
          %parallel_loop3A_1172 = arith.index_cast %rem3A_342 : i32 to index
          %parallel_loop3A_1173 = arith.index_cast %parallel_loop3A_1171 : i32 to index
          %parallel_loop3A_1174 = arith.constant 0 : index
          %parallel_loop3A_1175 = tpu.vector_load %arg15[%parallel_loop3A_1172, %parallel_loop3A_1173, %parallel_loop3A_1174] {strides = array<i32>} : memref<6x64x128xf32, #tpu.memory_space<vmem>>, vector<16xf32>,
          %parallel_loop3A_1176 = arith.constant 16 : i32
          %parallel_loop3A_1177 = arith.muli %parallel_loop3A_395, %parallel_loop3A_1176 : i32
          %parallel_loop3A_1178 = arith.addi %parallel_loop3A_1177, %parallel_loop3A_1166 : i32
          %parallel_loop3A_1179 = arith.index_cast %rem3A_342 : i32 to index
          %parallel_loop3A_1180 = arith.index_cast %parallel_loop3A_1178 : i32 to index
          %parallel_loop3A_1181 = arith.constant 0 : index
          %parallel_loop3A_1182 = tpu.vector_load %arg16[%parallel_loop3A_1179, %parallel_loop3A_1180, %parallel_loop3A_1181] {strides = array<i32>} : memref<6x64x128xf32, #tpu.memory_space<vmem>>, vector<16xf32>,
          %parallel_loop3A_1183 = arith.subf %parallel_loop3A_1175, %parallel_loop3A_1182 : vector<16xf32>
          %parallel_loop3A_1184 = math.absf %parallel_loop3A_1183 : vector<16xf32>
          %parallel_loop3A_1185 = arith.addf %parallel_loop3A_1168, %parallel_loop3A_1184 : vector<16xf32>
          %parallel_loop3A_1186 = arith.constant 16 : i32
          %parallel_loop3A_1187 = arith.muli %parallel_loop3A_395, %parallel_loop3A_1186 : i32
          %parallel_loop3A_1188 = arith.addi %parallel_loop3A_1187, %parallel_loop3A_1166 : i32
          %parallel_loop3A_1189 = arith.index_cast %rem3A_342 : i32 to index
          %parallel_loop3A_1190 = arith.index_cast %parallel_loop3A_1188 : i32 to index
          %parallel_loop3A_1191 = arith.constant 16 : index
          %parallel_loop3A_1192 = tpu.vector_load %arg15[%parallel_loop3A_1189, %parallel_loop3A_1190, %parallel_loop3A_1191] {strides = array<i32>} : memref<6x64x128xf32, #tpu.memory_space<vmem>>, vector<16xf32>,
          %parallel_loop3A_1193 = arith.constant 16 : i32
          %parallel_loop3A_1194 = arith.muli %parallel_loop3A_395, %parallel_loop3A_1193 : i32
          %parallel_loop3A_1195 = arith.addi %parallel_loop3A_1194, %parallel_loop3A_1166 : i32
          %parallel_loop3A_1196 = arith.index_cast %rem3A_342 : i32 to index
          %parallel_loop3A_1197 = arith.index_cast %parallel_loop3A_1195 : i32 to index
          %parallel_loop3A_1198 = arith.constant 16 : index
          %parallel_loop3A_1199 = tpu.vector_load %arg16[%parallel_loop3A_1196, %parallel_loop3A_1197, %parallel_loop3A_1198] {strides = array<i32>} : memref<6x64x128xf32, #tpu.memory_space<vmem>>, vector<16xf32>,
          %parallel_loop3A_1200 = arith.subf %parallel_loop3A_1192, %parallel_loop3A_1199 : vector<16xf32>
          %parallel_loop3A_1201 = math.absf %parallel_loop3A_1200 : vector<16xf32>
          %parallel_loop3A_1202 = arith.addf %parallel_loop3A_1185, %parallel_loop3A_1201 : vector<16xf32>
          %parallel_loop3A_1203 = arith.constant 16 : i32
          %parallel_loop3A_1204 = arith.muli %parallel_loop3A_395, %parallel_loop3A_1203 : i32
          %parallel_loop3A_1205 = arith.addi %parallel_loop3A_1204, %parallel_loop3A_1166 : i32
          %parallel_loop3A_1206 = arith.index_cast %rem3A_342 : i32 to index
          %parallel_loop3A_1207 = arith.index_cast %parallel_loop3A_1205 : i32 to index
          %parallel_loop3A_1208 = arith.constant 32 : index
          %parallel_loop3A_1209 = tpu.vector_load %arg15[%parallel_loop3A_1206, %parallel_loop3A_1207, %parallel_loop3A_1208] {strides = array<i32>} : memref<6x64x128xf32, #tpu.memory_space<vmem>>, vector<16xf32>,
          %parallel_loop3A_1210 = arith.constant 16 : i32
          %parallel_loop3A_1211 = arith.muli %parallel_loop3A_395, %parallel_loop3A_1210 : i32
          %parallel_loop3A_1212 = arith.addi %parallel_loop3A_1211, %parallel_loop3A_1166 : i32
          %parallel_loop3A_1213 = arith.index_cast %rem3A_342 : i32 to index
          %parallel_loop3A_1214 = arith.index_cast %parallel_loop3A_1212 : i32 to index
          %parallel_loop3A_1215 = arith.constant 32 : index
          %parallel_loop3A_1216 = tpu.vector_load %arg16[%parallel_loop3A_1213, %parallel_loop3A_1214, %parallel_loop3A_1215] {strides = array<i32>} : memref<6x64x128xf32, #tpu.memory_space<vmem>>, vector<16xf32>,
          %parallel_loop3A_1217 = arith.subf %parallel_loop3A_1209, %parallel_loop3A_1216 : vector<16xf32>
          %parallel_loop3A_1218 = math.absf %parallel_loop3A_1217 : vector<16xf32>
          %parallel_loop3A_1219 = arith.addf %parallel_loop3A_1202, %parallel_loop3A_1218 : vector<16xf32>
          %parallel_loop3A_1220 = arith.constant 16 : i32
          %parallel_loop3A_1221 = arith.muli %parallel_loop3A_395, %parallel_loop3A_1220 : i32
          %parallel_loop3A_1222 = arith.addi %parallel_loop3A_1221, %parallel_loop3A_1166 : i32
          %parallel_loop3A_1223 = arith.index_cast %rem3A_342 : i32 to index
          %parallel_loop3A_1224 = arith.index_cast %parallel_loop3A_1222 : i32 to index
          %parallel_loop3A_1225 = arith.constant 48 : index
          %parallel_loop3A_1226 = tpu.vector_load %arg15[%parallel_loop3A_1223, %parallel_loop3A_1224, %parallel_loop3A_1225] {strides = array<i32>} : memref<6x64x128xf32, #tpu.memory_space<vmem>>, vector<16xf32>,
          %parallel_loop3A_1227 = arith.constant 16 : i32
          %parallel_loop3A_1228 = arith.muli %parallel_loop3A_395, %parallel_loop3A_1227 : i32
          %parallel_loop3A_1229 = arith.addi %parallel_loop3A_1228, %parallel_loop3A_1166 : i32
          %parallel_loop3A_1230 = arith.index_cast %rem3A_342 : i32 to index
          %parallel_loop3A_1231 = arith.index_cast %parallel_loop3A_1229 : i32 to index
          %parallel_loop3A_1232 = arith.constant 48 : index
          %parallel_loop3A_1233 = tpu.vector_load %arg16[%parallel_loop3A_1230, %parallel_loop3A_1231, %parallel_loop3A_1232] {strides = array<i32>} : memref<6x64x128xf32, #tpu.memory_space<vmem>>, vector<16xf32>,
          %parallel_loop3A_1234 = arith.subf %parallel_loop3A_1226, %parallel_loop3A_1233 : vector<16xf32>
          %parallel_loop3A_1235 = math.absf %parallel_loop3A_1234 : vector<16xf32>
          %parallel_loop3A_1236 = arith.addf %parallel_loop3A_1219, %parallel_loop3A_1235 : vector<16xf32>
          %parallel_loop3A_1237 = arith.constant 16 : i32
          %parallel_loop3A_1238 = arith.muli %parallel_loop3A_395, %parallel_loop3A_1237 : i32
          %parallel_loop3A_1239 = arith.addi %parallel_loop3A_1238, %parallel_loop3A_1166 : i32
          %parallel_loop3A_1240 = arith.index_cast %rem3A_342 : i32 to index
          %parallel_loop3A_1241 = arith.index_cast %parallel_loop3A_1239 : i32 to index
          %parallel_loop3A_1242 = arith.constant 64 : index
          %parallel_loop3A_1243 = tpu.vector_load %arg15[%parallel_loop3A_1240, %parallel_loop3A_1241, %parallel_loop3A_1242] {strides = array<i32>} : memref<6x64x128xf32, #tpu.memory_space<vmem>>, vector<16xf32>,
          %parallel_loop3A_1244 = arith.constant 16 : i32
          %parallel_loop3A_1245 = arith.muli %parallel_loop3A_395, %parallel_loop3A_1244 : i32
          %parallel_loop3A_1246 = arith.addi %parallel_loop3A_1245, %parallel_loop3A_1166 : i32
          %parallel_loop3A_1247 = arith.index_cast %rem3A_342 : i32 to index
          %parallel_loop3A_1248 = arith.index_cast %parallel_loop3A_1246 : i32 to index
          %parallel_loop3A_1249 = arith.constant 64 : index
          %parallel_loop3A_1250 = tpu.vector_load %arg16[%parallel_loop3A_1247, %parallel_loop3A_1248, %parallel_loop3A_1249] {strides = array<i32>} : memref<6x64x128xf32, #tpu.memory_space<vmem>>, vector<16xf32>,
          %parallel_loop3A_1251 = arith.subf %parallel_loop3A_1243, %parallel_loop3A_1250 : vector<16xf32>
          %parallel_loop3A_1252 = math.absf %parallel_loop3A_1251 : vector<16xf32>
          %parallel_loop3A_1253 = arith.addf %parallel_loop3A_1236, %parallel_loop3A_1252 : vector<16xf32>
          %parallel_loop3A_1254 = arith.constant 16 : i32
          %parallel_loop3A_1255 = arith.muli %parallel_loop3A_395, %parallel_loop3A_1254 : i32
          %parallel_loop3A_1256 = arith.addi %parallel_loop3A_1255, %parallel_loop3A_1166 : i32
          %parallel_loop3A_1257 = arith.index_cast %rem3A_342 : i32 to index
          %parallel_loop3A_1258 = arith.index_cast %parallel_loop3A_1256 : i32 to index
          %parallel_loop3A_1259 = arith.constant 80 : index
          %parallel_loop3A_1260 = tpu.vector_load %arg15[%parallel_loop3A_1257, %parallel_loop3A_1258, %parallel_loop3A_1259] {strides = array<i32>} : memref<6x64x128xf32, #tpu.memory_space<vmem>>, vector<16xf32>,
          %parallel_loop3A_1261 = arith.constant 16 : i32
          %parallel_loop3A_1262 = arith.muli %parallel_loop3A_395, %parallel_loop3A_1261 : i32
          %parallel_loop3A_1263 = arith.addi %parallel_loop3A_1262, %parallel_loop3A_1166 : i32
          %parallel_loop3A_1264 = arith.index_cast %rem3A_342 : i32 to index
          %parallel_loop3A_1265 = arith.index_cast %parallel_loop3A_1263 : i32 to index
          %parallel_loop3A_1266 = arith.constant 80 : index
          %parallel_loop3A_1267 = tpu.vector_load %arg16[%parallel_loop3A_1264, %parallel_loop3A_1265, %parallel_loop3A_1266] {strides = array<i32>} : memref<6x64x128xf32, #tpu.memory_space<vmem>>, vector<16xf32>,
          %parallel_loop3A_1268 = arith.subf %parallel_loop3A_1260, %parallel_loop3A_1267 : vector<16xf32>
          %parallel_loop3A_1269 = math.absf %parallel_loop3A_1268 : vector<16xf32>
          %parallel_loop3A_1270 = arith.addf %parallel_loop3A_1253, %parallel_loop3A_1269 : vector<16xf32>
          %parallel_loop3A_1271 = arith.constant 16 : i32
          %parallel_loop3A_1272 = arith.muli %parallel_loop3A_395, %parallel_loop3A_1271 : i32
          %parallel_loop3A_1273 = arith.addi %parallel_loop3A_1272, %parallel_loop3A_1166 : i32
          %parallel_loop3A_1274 = arith.index_cast %rem3A_342 : i32 to index
          %parallel_loop3A_1275 = arith.index_cast %parallel_loop3A_1273 : i32 to index
          %parallel_loop3A_1276 = arith.constant 96 : index
          %parallel_loop3A_1277 = tpu.vector_load %arg15[%parallel_loop3A_1274, %parallel_loop3A_1275, %parallel_loop3A_1276] {strides = array<i32>} : memref<6x64x128xf32, #tpu.memory_space<vmem>>, vector<16xf32>,
          %parallel_loop3A_1278 = arith.constant 16 : i32
          %parallel_loop3A_1279 = arith.muli %parallel_loop3A_395, %parallel_loop3A_1278 : i32
          %parallel_loop3A_1280 = arith.addi %parallel_loop3A_1279, %parallel_loop3A_1166 : i32
          %parallel_loop3A_1281 = arith.index_cast %rem3A_342 : i32 to index
          %parallel_loop3A_1282 = arith.index_cast %parallel_loop3A_1280 : i32 to index
          %parallel_loop3A_1283 = arith.constant 96 : index
          %parallel_loop3A_1284 = tpu.vector_load %arg16[%parallel_loop3A_1281, %parallel_loop3A_1282, %parallel_loop3A_1283] {strides = array<i32>} : memref<6x64x128xf32, #tpu.memory_space<vmem>>, vector<16xf32>,
          %parallel_loop3A_1285 = arith.subf %parallel_loop3A_1277, %parallel_loop3A_1284 : vector<16xf32>
          %parallel_loop3A_1286 = math.absf %parallel_loop3A_1285 : vector<16xf32>
          %parallel_loop3A_1287 = arith.addf %parallel_loop3A_1270, %parallel_loop3A_1286 : vector<16xf32>
          %parallel_loop3A_1288 = arith.constant 16 : i32
          %parallel_loop3A_1289 = arith.muli %parallel_loop3A_395, %parallel_loop3A_1288 : i32
          %parallel_loop3A_1290 = arith.addi %parallel_loop3A_1289, %parallel_loop3A_1166 : i32
          %parallel_loop3A_1291 = arith.index_cast %rem3A_342 : i32 to index
          %parallel_loop3A_1292 = arith.index_cast %parallel_loop3A_1290 : i32 to index
          %parallel_loop3A_1293 = arith.constant 112 : index
          %parallel_loop3A_1294 = tpu.vector_load %arg15[%parallel_loop3A_1291, %parallel_loop3A_1292, %parallel_loop3A_1293] {strides = array<i32>} : memref<6x64x128xf32, #tpu.memory_space<vmem>>, vector<16xf32>,
          %parallel_loop3A_1295 = arith.constant 16 : i32
          %parallel_loop3A_1296 = arith.muli %parallel_loop3A_395, %parallel_loop3A_1295 : i32
          %parallel_loop3A_1297 = arith.addi %parallel_loop3A_1296, %parallel_loop3A_1166 : i32
          %parallel_loop3A_1298 = arith.index_cast %rem3A_342 : i32 to index
          %parallel_loop3A_1299 = arith.index_cast %parallel_loop3A_1297 : i32 to index
          %parallel_loop3A_1300 = arith.constant 112 : index
          %parallel_loop3A_1301 = tpu.vector_load %arg16[%parallel_loop3A_1298, %parallel_loop3A_1299, %parallel_loop3A_1300] {strides = array<i32>} : memref<6x64x128xf32, #tpu.memory_space<vmem>>, vector<16xf32>,
          %parallel_loop3A_1302 = arith.subf %parallel_loop3A_1294, %parallel_loop3A_1301 : vector<16xf32>
          %parallel_loop3A_1303 = math.absf %parallel_loop3A_1302 : vector<16xf32>
          %parallel_loop3A_1304 = arith.addf %parallel_loop3A_1287, %parallel_loop3A_1303 : vector<16xf32>
          %parallel_loop3A_1305 = vector.broadcast %parallel_loop3A_1166 : i32 to vector<16xi32>
          %parallel_loop3A_1306 = arith.cmpi eq, %iota3A, %parallel_loop3A_1305 : vector<16xi32>
          %parallel_loop3A_1307 = arith.constant true
          %parallel_loop3A_1308 = vector.broadcast %parallel_loop3A_1307 : i1 to vector<16xi1>
          %parallel_loop3A_1309 = tpu.scan <sum>, %parallel_loop3A_1304 masked %parallel_loop3A_1308 : vector<16xf32>, vector<16xi1> -> vector<16xf32>
          %parallel_loop3A_1310 = vector.extract %parallel_loop3A_1309[15] : f32 from vector<16xf32>
          %parallel_loop3A_1311 = vector.broadcast %parallel_loop3A_1310 : f32 to vector<16xf32>
          %parallel_loop3A_1312 = arith.select %parallel_loop3A_1306, %parallel_loop3A_1311, %parallel_loop3A_1162 : vector<16xi1>, vector<16xf32>
          %parallel_loop3A_1313 = arith.constant 8 : i32
          %parallel_loop3A_1314 = arith.muli %scan3A_411, %parallel_loop3A_1313 : i32
          %parallel_loop3A_1315 = arith.constant 6 : i32
          %parallel_loop3A_1316 = arith.addi %parallel_loop3A_1314, %parallel_loop3A_1315 : i32
          %parallel_loop3A_1317 = arith.constant 0.000000e+00 : f32
          %parallel_loop3A_1318 = vector.broadcast %parallel_loop3A_1317 : f32 to vector<16xf32>
          %parallel_loop3A_1319 = arith.constant 16 : i32
          %parallel_loop3A_1320 = arith.muli %parallel_loop3A_395, %parallel_loop3A_1319 : i32
          %parallel_loop3A_1321 = arith.addi %parallel_loop3A_1320, %parallel_loop3A_1316 : i32
          %parallel_loop3A_1322 = arith.index_cast %rem3A_342 : i32 to index
          %parallel_loop3A_1323 = arith.index_cast %parallel_loop3A_1321 : i32 to index
          %parallel_loop3A_1324 = arith.constant 0 : index
          %parallel_loop3A_1325 = tpu.vector_load %arg15[%parallel_loop3A_1322, %parallel_loop3A_1323, %parallel_loop3A_1324] {strides = array<i32>} : memref<6x64x128xf32, #tpu.memory_space<vmem>>, vector<16xf32>,
          %parallel_loop3A_1326 = arith.constant 16 : i32
          %parallel_loop3A_1327 = arith.muli %parallel_loop3A_395, %parallel_loop3A_1326 : i32
          %parallel_loop3A_1328 = arith.addi %parallel_loop3A_1327, %parallel_loop3A_1316 : i32
          %parallel_loop3A_1329 = arith.index_cast %rem3A_342 : i32 to index
          %parallel_loop3A_1330 = arith.index_cast %parallel_loop3A_1328 : i32 to index
          %parallel_loop3A_1331 = arith.constant 0 : index
          %parallel_loop3A_1332 = tpu.vector_load %arg16[%parallel_loop3A_1329, %parallel_loop3A_1330, %parallel_loop3A_1331] {strides = array<i32>} : memref<6x64x128xf32, #tpu.memory_space<vmem>>, vector<16xf32>,
          %parallel_loop3A_1333 = arith.subf %parallel_loop3A_1325, %parallel_loop3A_1332 : vector<16xf32>
          %parallel_loop3A_1334 = math.absf %parallel_loop3A_1333 : vector<16xf32>
          %parallel_loop3A_1335 = arith.addf %parallel_loop3A_1318, %parallel_loop3A_1334 : vector<16xf32>
          %parallel_loop3A_1336 = arith.constant 16 : i32
          %parallel_loop3A_1337 = arith.muli %parallel_loop3A_395, %parallel_loop3A_1336 : i32
          %parallel_loop3A_1338 = arith.addi %parallel_loop3A_1337, %parallel_loop3A_1316 : i32
          %parallel_loop3A_1339 = arith.index_cast %rem3A_342 : i32 to index
          %parallel_loop3A_1340 = arith.index_cast %parallel_loop3A_1338 : i32 to index
          %parallel_loop3A_1341 = arith.constant 16 : index
          %parallel_loop3A_1342 = tpu.vector_load %arg15[%parallel_loop3A_1339, %parallel_loop3A_1340, %parallel_loop3A_1341] {strides = array<i32>} : memref<6x64x128xf32, #tpu.memory_space<vmem>>, vector<16xf32>,
          %parallel_loop3A_1343 = arith.constant 16 : i32
          %parallel_loop3A_1344 = arith.muli %parallel_loop3A_395, %parallel_loop3A_1343 : i32
          %parallel_loop3A_1345 = arith.addi %parallel_loop3A_1344, %parallel_loop3A_1316 : i32
          %parallel_loop3A_1346 = arith.index_cast %rem3A_342 : i32 to index
          %parallel_loop3A_1347 = arith.index_cast %parallel_loop3A_1345 : i32 to index
          %parallel_loop3A_1348 = arith.constant 16 : index
          %parallel_loop3A_1349 = tpu.vector_load %arg16[%parallel_loop3A_1346, %parallel_loop3A_1347, %parallel_loop3A_1348] {strides = array<i32>} : memref<6x64x128xf32, #tpu.memory_space<vmem>>, vector<16xf32>,
          %parallel_loop3A_1350 = arith.subf %parallel_loop3A_1342, %parallel_loop3A_1349 : vector<16xf32>
          %parallel_loop3A_1351 = math.absf %parallel_loop3A_1350 : vector<16xf32>
          %parallel_loop3A_1352 = arith.addf %parallel_loop3A_1335, %parallel_loop3A_1351 : vector<16xf32>
          %parallel_loop3A_1353 = arith.constant 16 : i32
          %parallel_loop3A_1354 = arith.muli %parallel_loop3A_395, %parallel_loop3A_1353 : i32
          %parallel_loop3A_1355 = arith.addi %parallel_loop3A_1354, %parallel_loop3A_1316 : i32
          %parallel_loop3A_1356 = arith.index_cast %rem3A_342 : i32 to index
          %parallel_loop3A_1357 = arith.index_cast %parallel_loop3A_1355 : i32 to index
          %parallel_loop3A_1358 = arith.constant 32 : index
          %parallel_loop3A_1359 = tpu.vector_load %arg15[%parallel_loop3A_1356, %parallel_loop3A_1357, %parallel_loop3A_1358] {strides = array<i32>} : memref<6x64x128xf32, #tpu.memory_space<vmem>>, vector<16xf32>,
          %parallel_loop3A_1360 = arith.constant 16 : i32
          %parallel_loop3A_1361 = arith.muli %parallel_loop3A_395, %parallel_loop3A_1360 : i32
          %parallel_loop3A_1362 = arith.addi %parallel_loop3A_1361, %parallel_loop3A_1316 : i32
          %parallel_loop3A_1363 = arith.index_cast %rem3A_342 : i32 to index
          %parallel_loop3A_1364 = arith.index_cast %parallel_loop3A_1362 : i32 to index
          %parallel_loop3A_1365 = arith.constant 32 : index
          %parallel_loop3A_1366 = tpu.vector_load %arg16[%parallel_loop3A_1363, %parallel_loop3A_1364, %parallel_loop3A_1365] {strides = array<i32>} : memref<6x64x128xf32, #tpu.memory_space<vmem>>, vector<16xf32>,
          %parallel_loop3A_1367 = arith.subf %parallel_loop3A_1359, %parallel_loop3A_1366 : vector<16xf32>
          %parallel_loop3A_1368 = math.absf %parallel_loop3A_1367 : vector<16xf32>
          %parallel_loop3A_1369 = arith.addf %parallel_loop3A_1352, %parallel_loop3A_1368 : vector<16xf32>
          %parallel_loop3A_1370 = arith.constant 16 : i32
          %parallel_loop3A_1371 = arith.muli %parallel_loop3A_395, %parallel_loop3A_1370 : i32
          %parallel_loop3A_1372 = arith.addi %parallel_loop3A_1371, %parallel_loop3A_1316 : i32
          %parallel_loop3A_1373 = arith.index_cast %rem3A_342 : i32 to index
          %parallel_loop3A_1374 = arith.index_cast %parallel_loop3A_1372 : i32 to index
          %parallel_loop3A_1375 = arith.constant 48 : index
          %parallel_loop3A_1376 = tpu.vector_load %arg15[%parallel_loop3A_1373, %parallel_loop3A_1374, %parallel_loop3A_1375] {strides = array<i32>} : memref<6x64x128xf32, #tpu.memory_space<vmem>>, vector<16xf32>,
          %parallel_loop3A_1377 = arith.constant 16 : i32
          %parallel_loop3A_1378 = arith.muli %parallel_loop3A_395, %parallel_loop3A_1377 : i32
          %parallel_loop3A_1379 = arith.addi %parallel_loop3A_1378, %parallel_loop3A_1316 : i32
          %parallel_loop3A_1380 = arith.index_cast %rem3A_342 : i32 to index
          %parallel_loop3A_1381 = arith.index_cast %parallel_loop3A_1379 : i32 to index
          %parallel_loop3A_1382 = arith.constant 48 : index
          %parallel_loop3A_1383 = tpu.vector_load %arg16[%parallel_loop3A_1380, %parallel_loop3A_1381, %parallel_loop3A_1382] {strides = array<i32>} : memref<6x64x128xf32, #tpu.memory_space<vmem>>, vector<16xf32>,
          %parallel_loop3A_1384 = arith.subf %parallel_loop3A_1376, %parallel_loop3A_1383 : vector<16xf32>
          %parallel_loop3A_1385 = math.absf %parallel_loop3A_1384 : vector<16xf32>
          %parallel_loop3A_1386 = arith.addf %parallel_loop3A_1369, %parallel_loop3A_1385 : vector<16xf32>
          %parallel_loop3A_1387 = arith.constant 16 : i32
          %parallel_loop3A_1388 = arith.muli %parallel_loop3A_395, %parallel_loop3A_1387 : i32
          %parallel_loop3A_1389 = arith.addi %parallel_loop3A_1388, %parallel_loop3A_1316 : i32
          %parallel_loop3A_1390 = arith.index_cast %rem3A_342 : i32 to index
          %parallel_loop3A_1391 = arith.index_cast %parallel_loop3A_1389 : i32 to index
          %parallel_loop3A_1392 = arith.constant 64 : index
          %parallel_loop3A_1393 = tpu.vector_load %arg15[%parallel_loop3A_1390, %parallel_loop3A_1391, %parallel_loop3A_1392] {strides = array<i32>} : memref<6x64x128xf32, #tpu.memory_space<vmem>>, vector<16xf32>,
          %parallel_loop3A_1394 = arith.constant 16 : i32
          %parallel_loop3A_1395 = arith.muli %parallel_loop3A_395, %parallel_loop3A_1394 : i32
          %parallel_loop3A_1396 = arith.addi %parallel_loop3A_1395, %parallel_loop3A_1316 : i32
          %parallel_loop3A_1397 = arith.index_cast %rem3A_342 : i32 to index
          %parallel_loop3A_1398 = arith.index_cast %parallel_loop3A_1396 : i32 to index
          %parallel_loop3A_1399 = arith.constant 64 : index
          %parallel_loop3A_1400 = tpu.vector_load %arg16[%parallel_loop3A_1397, %parallel_loop3A_1398, %parallel_loop3A_1399] {strides = array<i32>} : memref<6x64x128xf32, #tpu.memory_space<vmem>>, vector<16xf32>,
          %parallel_loop3A_1401 = arith.subf %parallel_loop3A_1393, %parallel_loop3A_1400 : vector<16xf32>
          %parallel_loop3A_1402 = math.absf %parallel_loop3A_1401 : vector<16xf32>
          %parallel_loop3A_1403 = arith.addf %parallel_loop3A_1386, %parallel_loop3A_1402 : vector<16xf32>
          %parallel_loop3A_1404 = arith.constant 16 : i32
          %parallel_loop3A_1405 = arith.muli %parallel_loop3A_395, %parallel_loop3A_1404 : i32
          %parallel_loop3A_1406 = arith.addi %parallel_loop3A_1405, %parallel_loop3A_1316 : i32
          %parallel_loop3A_1407 = arith.index_cast %rem3A_342 : i32 to index
          %parallel_loop3A_1408 = arith.index_cast %parallel_loop3A_1406 : i32 to index
          %parallel_loop3A_1409 = arith.constant 80 : index
          %parallel_loop3A_1410 = tpu.vector_load %arg15[%parallel_loop3A_1407, %parallel_loop3A_1408, %parallel_loop3A_1409] {strides = array<i32>} : memref<6x64x128xf32, #tpu.memory_space<vmem>>, vector<16xf32>,
          %parallel_loop3A_1411 = arith.constant 16 : i32
          %parallel_loop3A_1412 = arith.muli %parallel_loop3A_395, %parallel_loop3A_1411 : i32
          %parallel_loop3A_1413 = arith.addi %parallel_loop3A_1412, %parallel_loop3A_1316 : i32
          %parallel_loop3A_1414 = arith.index_cast %rem3A_342 : i32 to index
          %parallel_loop3A_1415 = arith.index_cast %parallel_loop3A_1413 : i32 to index
          %parallel_loop3A_1416 = arith.constant 80 : index
          %parallel_loop3A_1417 = tpu.vector_load %arg16[%parallel_loop3A_1414, %parallel_loop3A_1415, %parallel_loop3A_1416] {strides = array<i32>} : memref<6x64x128xf32, #tpu.memory_space<vmem>>, vector<16xf32>,
          %parallel_loop3A_1418 = arith.subf %parallel_loop3A_1410, %parallel_loop3A_1417 : vector<16xf32>
          %parallel_loop3A_1419 = math.absf %parallel_loop3A_1418 : vector<16xf32>
          %parallel_loop3A_1420 = arith.addf %parallel_loop3A_1403, %parallel_loop3A_1419 : vector<16xf32>
          %parallel_loop3A_1421 = arith.constant 16 : i32
          %parallel_loop3A_1422 = arith.muli %parallel_loop3A_395, %parallel_loop3A_1421 : i32
          %parallel_loop3A_1423 = arith.addi %parallel_loop3A_1422, %parallel_loop3A_1316 : i32
          %parallel_loop3A_1424 = arith.index_cast %rem3A_342 : i32 to index
          %parallel_loop3A_1425 = arith.index_cast %parallel_loop3A_1423 : i32 to index
          %parallel_loop3A_1426 = arith.constant 96 : index
          %parallel_loop3A_1427 = tpu.vector_load %arg15[%parallel_loop3A_1424, %parallel_loop3A_1425, %parallel_loop3A_1426] {strides = array<i32>} : memref<6x64x128xf32, #tpu.memory_space<vmem>>, vector<16xf32>,
          %parallel_loop3A_1428 = arith.constant 16 : i32
          %parallel_loop3A_1429 = arith.muli %parallel_loop3A_395, %parallel_loop3A_1428 : i32
          %parallel_loop3A_1430 = arith.addi %parallel_loop3A_1429, %parallel_loop3A_1316 : i32
          %parallel_loop3A_1431 = arith.index_cast %rem3A_342 : i32 to index
          %parallel_loop3A_1432 = arith.index_cast %parallel_loop3A_1430 : i32 to index
          %parallel_loop3A_1433 = arith.constant 96 : index
          %parallel_loop3A_1434 = tpu.vector_load %arg16[%parallel_loop3A_1431, %parallel_loop3A_1432, %parallel_loop3A_1433] {strides = array<i32>} : memref<6x64x128xf32, #tpu.memory_space<vmem>>, vector<16xf32>,
          %parallel_loop3A_1435 = arith.subf %parallel_loop3A_1427, %parallel_loop3A_1434 : vector<16xf32>
          %parallel_loop3A_1436 = math.absf %parallel_loop3A_1435 : vector<16xf32>
          %parallel_loop3A_1437 = arith.addf %parallel_loop3A_1420, %parallel_loop3A_1436 : vector<16xf32>
          %parallel_loop3A_1438 = arith.constant 16 : i32
          %parallel_loop3A_1439 = arith.muli %parallel_loop3A_395, %parallel_loop3A_1438 : i32
          %parallel_loop3A_1440 = arith.addi %parallel_loop3A_1439, %parallel_loop3A_1316 : i32
          %parallel_loop3A_1441 = arith.index_cast %rem3A_342 : i32 to index
          %parallel_loop3A_1442 = arith.index_cast %parallel_loop3A_1440 : i32 to index
          %parallel_loop3A_1443 = arith.constant 112 : index
          %parallel_loop3A_1444 = tpu.vector_load %arg15[%parallel_loop3A_1441, %parallel_loop3A_1442, %parallel_loop3A_1443] {strides = array<i32>} : memref<6x64x128xf32, #tpu.memory_space<vmem>>, vector<16xf32>,
          %parallel_loop3A_1445 = arith.constant 16 : i32
          %parallel_loop3A_1446 = arith.muli %parallel_loop3A_395, %parallel_loop3A_1445 : i32
          %parallel_loop3A_1447 = arith.addi %parallel_loop3A_1446, %parallel_loop3A_1316 : i32
          %parallel_loop3A_1448 = arith.index_cast %rem3A_342 : i32 to index
          %parallel_loop3A_1449 = arith.index_cast %parallel_loop3A_1447 : i32 to index
          %parallel_loop3A_1450 = arith.constant 112 : index
          %parallel_loop3A_1451 = tpu.vector_load %arg16[%parallel_loop3A_1448, %parallel_loop3A_1449, %parallel_loop3A_1450] {strides = array<i32>} : memref<6x64x128xf32, #tpu.memory_space<vmem>>, vector<16xf32>,
          %parallel_loop3A_1452 = arith.subf %parallel_loop3A_1444, %parallel_loop3A_1451 : vector<16xf32>
          %parallel_loop3A_1453 = math.absf %parallel_loop3A_1452 : vector<16xf32>
          %parallel_loop3A_1454 = arith.addf %parallel_loop3A_1437, %parallel_loop3A_1453 : vector<16xf32>
          %parallel_loop3A_1455 = vector.broadcast %parallel_loop3A_1316 : i32 to vector<16xi32>
          %parallel_loop3A_1456 = arith.cmpi eq, %iota3A, %parallel_loop3A_1455 : vector<16xi32>
          %parallel_loop3A_1457 = arith.constant true
          %parallel_loop3A_1458 = vector.broadcast %parallel_loop3A_1457 : i1 to vector<16xi1>
          %parallel_loop3A_1459 = tpu.scan <sum>, %parallel_loop3A_1454 masked %parallel_loop3A_1458 : vector<16xf32>, vector<16xi1> -> vector<16xf32>
          %parallel_loop3A_1460 = vector.extract %parallel_loop3A_1459[15] : f32 from vector<16xf32>
          %parallel_loop3A_1461 = vector.broadcast %parallel_loop3A_1460 : f32 to vector<16xf32>
          %parallel_loop3A_1462 = arith.select %parallel_loop3A_1456, %parallel_loop3A_1461, %parallel_loop3A_1312 : vector<16xi1>, vector<16xf32>
          %parallel_loop3A_1463 = arith.constant 8 : i32
          %parallel_loop3A_1464 = arith.muli %scan3A_411, %parallel_loop3A_1463 : i32
          %parallel_loop3A_1465 = arith.constant 7 : i32
          %parallel_loop3A_1466 = arith.addi %parallel_loop3A_1464, %parallel_loop3A_1465 : i32
          %parallel_loop3A_1467 = arith.constant 0.000000e+00 : f32
          %parallel_loop3A_1468 = vector.broadcast %parallel_loop3A_1467 : f32 to vector<16xf32>
          %parallel_loop3A_1469 = arith.constant 16 : i32
          %parallel_loop3A_1470 = arith.muli %parallel_loop3A_395, %parallel_loop3A_1469 : i32
          %parallel_loop3A_1471 = arith.addi %parallel_loop3A_1470, %parallel_loop3A_1466 : i32
          %parallel_loop3A_1472 = arith.index_cast %rem3A_342 : i32 to index
          %parallel_loop3A_1473 = arith.index_cast %parallel_loop3A_1471 : i32 to index
          %parallel_loop3A_1474 = arith.constant 0 : index
          %parallel_loop3A_1475 = tpu.vector_load %arg15[%parallel_loop3A_1472, %parallel_loop3A_1473, %parallel_loop3A_1474] {strides = array<i32>} : memref<6x64x128xf32, #tpu.memory_space<vmem>>, vector<16xf32>,
          %parallel_loop3A_1476 = arith.constant 16 : i32
          %parallel_loop3A_1477 = arith.muli %parallel_loop3A_395, %parallel_loop3A_1476 : i32
          %parallel_loop3A_1478 = arith.addi %parallel_loop3A_1477, %parallel_loop3A_1466 : i32
          %parallel_loop3A_1479 = arith.index_cast %rem3A_342 : i32 to index
          %parallel_loop3A_1480 = arith.index_cast %parallel_loop3A_1478 : i32 to index
          %parallel_loop3A_1481 = arith.constant 0 : index
          %parallel_loop3A_1482 = tpu.vector_load %arg16[%parallel_loop3A_1479, %parallel_loop3A_1480, %parallel_loop3A_1481] {strides = array<i32>} : memref<6x64x128xf32, #tpu.memory_space<vmem>>, vector<16xf32>,
          %parallel_loop3A_1483 = arith.subf %parallel_loop3A_1475, %parallel_loop3A_1482 : vector<16xf32>
          %parallel_loop3A_1484 = math.absf %parallel_loop3A_1483 : vector<16xf32>
          %parallel_loop3A_1485 = arith.addf %parallel_loop3A_1468, %parallel_loop3A_1484 : vector<16xf32>
          %parallel_loop3A_1486 = arith.constant 16 : i32
          %parallel_loop3A_1487 = arith.muli %parallel_loop3A_395, %parallel_loop3A_1486 : i32
          %parallel_loop3A_1488 = arith.addi %parallel_loop3A_1487, %parallel_loop3A_1466 : i32
          %parallel_loop3A_1489 = arith.index_cast %rem3A_342 : i32 to index
          %parallel_loop3A_1490 = arith.index_cast %parallel_loop3A_1488 : i32 to index
          %parallel_loop3A_1491 = arith.constant 16 : index
          %parallel_loop3A_1492 = tpu.vector_load %arg15[%parallel_loop3A_1489, %parallel_loop3A_1490, %parallel_loop3A_1491] {strides = array<i32>} : memref<6x64x128xf32, #tpu.memory_space<vmem>>, vector<16xf32>,
          %parallel_loop3A_1493 = arith.constant 16 : i32
          %parallel_loop3A_1494 = arith.muli %parallel_loop3A_395, %parallel_loop3A_1493 : i32
          %parallel_loop3A_1495 = arith.addi %parallel_loop3A_1494, %parallel_loop3A_1466 : i32
          %parallel_loop3A_1496 = arith.index_cast %rem3A_342 : i32 to index
          %parallel_loop3A_1497 = arith.index_cast %parallel_loop3A_1495 : i32 to index
          %parallel_loop3A_1498 = arith.constant 16 : index
          %parallel_loop3A_1499 = tpu.vector_load %arg16[%parallel_loop3A_1496, %parallel_loop3A_1497, %parallel_loop3A_1498] {strides = array<i32>} : memref<6x64x128xf32, #tpu.memory_space<vmem>>, vector<16xf32>,
          %parallel_loop3A_1500 = arith.subf %parallel_loop3A_1492, %parallel_loop3A_1499 : vector<16xf32>
          %parallel_loop3A_1501 = math.absf %parallel_loop3A_1500 : vector<16xf32>
          %parallel_loop3A_1502 = arith.addf %parallel_loop3A_1485, %parallel_loop3A_1501 : vector<16xf32>
          %parallel_loop3A_1503 = arith.constant 16 : i32
          %parallel_loop3A_1504 = arith.muli %parallel_loop3A_395, %parallel_loop3A_1503 : i32
          %parallel_loop3A_1505 = arith.addi %parallel_loop3A_1504, %parallel_loop3A_1466 : i32
          %parallel_loop3A_1506 = arith.index_cast %rem3A_342 : i32 to index
          %parallel_loop3A_1507 = arith.index_cast %parallel_loop3A_1505 : i32 to index
          %parallel_loop3A_1508 = arith.constant 32 : index
          %parallel_loop3A_1509 = tpu.vector_load %arg15[%parallel_loop3A_1506, %parallel_loop3A_1507, %parallel_loop3A_1508] {strides = array<i32>} : memref<6x64x128xf32, #tpu.memory_space<vmem>>, vector<16xf32>,
          %parallel_loop3A_1510 = arith.constant 16 : i32
          %parallel_loop3A_1511 = arith.muli %parallel_loop3A_395, %parallel_loop3A_1510 : i32
          %parallel_loop3A_1512 = arith.addi %parallel_loop3A_1511, %parallel_loop3A_1466 : i32
          %parallel_loop3A_1513 = arith.index_cast %rem3A_342 : i32 to index
          %parallel_loop3A_1514 = arith.index_cast %parallel_loop3A_1512 : i32 to index
          %parallel_loop3A_1515 = arith.constant 32 : index
          %parallel_loop3A_1516 = tpu.vector_load %arg16[%parallel_loop3A_1513, %parallel_loop3A_1514, %parallel_loop3A_1515] {strides = array<i32>} : memref<6x64x128xf32, #tpu.memory_space<vmem>>, vector<16xf32>,
          %parallel_loop3A_1517 = arith.subf %parallel_loop3A_1509, %parallel_loop3A_1516 : vector<16xf32>
          %parallel_loop3A_1518 = math.absf %parallel_loop3A_1517 : vector<16xf32>
          %parallel_loop3A_1519 = arith.addf %parallel_loop3A_1502, %parallel_loop3A_1518 : vector<16xf32>
          %parallel_loop3A_1520 = arith.constant 16 : i32
          %parallel_loop3A_1521 = arith.muli %parallel_loop3A_395, %parallel_loop3A_1520 : i32
          %parallel_loop3A_1522 = arith.addi %parallel_loop3A_1521, %parallel_loop3A_1466 : i32
          %parallel_loop3A_1523 = arith.index_cast %rem3A_342 : i32 to index
          %parallel_loop3A_1524 = arith.index_cast %parallel_loop3A_1522 : i32 to index
          %parallel_loop3A_1525 = arith.constant 48 : index
          %parallel_loop3A_1526 = tpu.vector_load %arg15[%parallel_loop3A_1523, %parallel_loop3A_1524, %parallel_loop3A_1525] {strides = array<i32>} : memref<6x64x128xf32, #tpu.memory_space<vmem>>, vector<16xf32>,
          %parallel_loop3A_1527 = arith.constant 16 : i32
          %parallel_loop3A_1528 = arith.muli %parallel_loop3A_395, %parallel_loop3A_1527 : i32
          %parallel_loop3A_1529 = arith.addi %parallel_loop3A_1528, %parallel_loop3A_1466 : i32
          %parallel_loop3A_1530 = arith.index_cast %rem3A_342 : i32 to index
          %parallel_loop3A_1531 = arith.index_cast %parallel_loop3A_1529 : i32 to index
          %parallel_loop3A_1532 = arith.constant 48 : index
          %parallel_loop3A_1533 = tpu.vector_load %arg16[%parallel_loop3A_1530, %parallel_loop3A_1531, %parallel_loop3A_1532] {strides = array<i32>} : memref<6x64x128xf32, #tpu.memory_space<vmem>>, vector<16xf32>,
          %parallel_loop3A_1534 = arith.subf %parallel_loop3A_1526, %parallel_loop3A_1533 : vector<16xf32>
          %parallel_loop3A_1535 = math.absf %parallel_loop3A_1534 : vector<16xf32>
          %parallel_loop3A_1536 = arith.addf %parallel_loop3A_1519, %parallel_loop3A_1535 : vector<16xf32>
          %parallel_loop3A_1537 = arith.constant 16 : i32
          %parallel_loop3A_1538 = arith.muli %parallel_loop3A_395, %parallel_loop3A_1537 : i32
          %parallel_loop3A_1539 = arith.addi %parallel_loop3A_1538, %parallel_loop3A_1466 : i32
          %parallel_loop3A_1540 = arith.index_cast %rem3A_342 : i32 to index
          %parallel_loop3A_1541 = arith.index_cast %parallel_loop3A_1539 : i32 to index
          %parallel_loop3A_1542 = arith.constant 64 : index
          %parallel_loop3A_1543 = tpu.vector_load %arg15[%parallel_loop3A_1540, %parallel_loop3A_1541, %parallel_loop3A_1542] {strides = array<i32>} : memref<6x64x128xf32, #tpu.memory_space<vmem>>, vector<16xf32>,
          %parallel_loop3A_1544 = arith.constant 16 : i32
          %parallel_loop3A_1545 = arith.muli %parallel_loop3A_395, %parallel_loop3A_1544 : i32
          %parallel_loop3A_1546 = arith.addi %parallel_loop3A_1545, %parallel_loop3A_1466 : i32
          %parallel_loop3A_1547 = arith.index_cast %rem3A_342 : i32 to index
          %parallel_loop3A_1548 = arith.index_cast %parallel_loop3A_1546 : i32 to index
          %parallel_loop3A_1549 = arith.constant 64 : index
          %parallel_loop3A_1550 = tpu.vector_load %arg16[%parallel_loop3A_1547, %parallel_loop3A_1548, %parallel_loop3A_1549] {strides = array<i32>} : memref<6x64x128xf32, #tpu.memory_space<vmem>>, vector<16xf32>,
          %parallel_loop3A_1551 = arith.subf %parallel_loop3A_1543, %parallel_loop3A_1550 : vector<16xf32>
          %parallel_loop3A_1552 = math.absf %parallel_loop3A_1551 : vector<16xf32>
          %parallel_loop3A_1553 = arith.addf %parallel_loop3A_1536, %parallel_loop3A_1552 : vector<16xf32>
          %parallel_loop3A_1554 = arith.constant 16 : i32
          %parallel_loop3A_1555 = arith.muli %parallel_loop3A_395, %parallel_loop3A_1554 : i32
          %parallel_loop3A_1556 = arith.addi %parallel_loop3A_1555, %parallel_loop3A_1466 : i32
          %parallel_loop3A_1557 = arith.index_cast %rem3A_342 : i32 to index
          %parallel_loop3A_1558 = arith.index_cast %parallel_loop3A_1556 : i32 to index
          %parallel_loop3A_1559 = arith.constant 80 : index
          %parallel_loop3A_1560 = tpu.vector_load %arg15[%parallel_loop3A_1557, %parallel_loop3A_1558, %parallel_loop3A_1559] {strides = array<i32>} : memref<6x64x128xf32, #tpu.memory_space<vmem>>, vector<16xf32>,
          %parallel_loop3A_1561 = arith.constant 16 : i32
          %parallel_loop3A_1562 = arith.muli %parallel_loop3A_395, %parallel_loop3A_1561 : i32
          %parallel_loop3A_1563 = arith.addi %parallel_loop3A_1562, %parallel_loop3A_1466 : i32
          %parallel_loop3A_1564 = arith.index_cast %rem3A_342 : i32 to index
          %parallel_loop3A_1565 = arith.index_cast %parallel_loop3A_1563 : i32 to index
          %parallel_loop3A_1566 = arith.constant 80 : index
          %parallel_loop3A_1567 = tpu.vector_load %arg16[%parallel_loop3A_1564, %parallel_loop3A_1565, %parallel_loop3A_1566] {strides = array<i32>} : memref<6x64x128xf32, #tpu.memory_space<vmem>>, vector<16xf32>,
          %parallel_loop3A_1568 = arith.subf %parallel_loop3A_1560, %parallel_loop3A_1567 : vector<16xf32>
          %parallel_loop3A_1569 = math.absf %parallel_loop3A_1568 : vector<16xf32>
          %parallel_loop3A_1570 = arith.addf %parallel_loop3A_1553, %parallel_loop3A_1569 : vector<16xf32>
          %parallel_loop3A_1571 = arith.constant 16 : i32
          %parallel_loop3A_1572 = arith.muli %parallel_loop3A_395, %parallel_loop3A_1571 : i32
          %parallel_loop3A_1573 = arith.addi %parallel_loop3A_1572, %parallel_loop3A_1466 : i32
          %parallel_loop3A_1574 = arith.index_cast %rem3A_342 : i32 to index
          %parallel_loop3A_1575 = arith.index_cast %parallel_loop3A_1573 : i32 to index
          %parallel_loop3A_1576 = arith.constant 96 : index
          %parallel_loop3A_1577 = tpu.vector_load %arg15[%parallel_loop3A_1574, %parallel_loop3A_1575, %parallel_loop3A_1576] {strides = array<i32>} : memref<6x64x128xf32, #tpu.memory_space<vmem>>, vector<16xf32>,
          %parallel_loop3A_1578 = arith.constant 16 : i32
          %parallel_loop3A_1579 = arith.muli %parallel_loop3A_395, %parallel_loop3A_1578 : i32
          %parallel_loop3A_1580 = arith.addi %parallel_loop3A_1579, %parallel_loop3A_1466 : i32
          %parallel_loop3A_1581 = arith.index_cast %rem3A_342 : i32 to index
          %parallel_loop3A_1582 = arith.index_cast %parallel_loop3A_1580 : i32 to index
          %parallel_loop3A_1583 = arith.constant 96 : index
          %parallel_loop3A_1584 = tpu.vector_load %arg16[%parallel_loop3A_1581, %parallel_loop3A_1582, %parallel_loop3A_1583] {strides = array<i32>} : memref<6x64x128xf32, #tpu.memory_space<vmem>>, vector<16xf32>,
          %parallel_loop3A_1585 = arith.subf %parallel_loop3A_1577, %parallel_loop3A_1584 : vector<16xf32>
          %parallel_loop3A_1586 = math.absf %parallel_loop3A_1585 : vector<16xf32>
          %parallel_loop3A_1587 = arith.addf %parallel_loop3A_1570, %parallel_loop3A_1586 : vector<16xf32>
          %parallel_loop3A_1588 = arith.constant 16 : i32
          %parallel_loop3A_1589 = arith.muli %parallel_loop3A_395, %parallel_loop3A_1588 : i32
          %parallel_loop3A_1590 = arith.addi %parallel_loop3A_1589, %parallel_loop3A_1466 : i32
          %parallel_loop3A_1591 = arith.index_cast %rem3A_342 : i32 to index
          %parallel_loop3A_1592 = arith.index_cast %parallel_loop3A_1590 : i32 to index
          %parallel_loop3A_1593 = arith.constant 112 : index
          %parallel_loop3A_1594 = tpu.vector_load %arg15[%parallel_loop3A_1591, %parallel_loop3A_1592, %parallel_loop3A_1593] {strides = array<i32>} : memref<6x64x128xf32, #tpu.memory_space<vmem>>, vector<16xf32>,
          %parallel_loop3A_1595 = arith.constant 16 : i32
          %parallel_loop3A_1596 = arith.muli %parallel_loop3A_395, %parallel_loop3A_1595 : i32
          %parallel_loop3A_1597 = arith.addi %parallel_loop3A_1596, %parallel_loop3A_1466 : i32
          %parallel_loop3A_1598 = arith.index_cast %rem3A_342 : i32 to index
          %parallel_loop3A_1599 = arith.index_cast %parallel_loop3A_1597 : i32 to index
          %parallel_loop3A_1600 = arith.constant 112 : index
          %parallel_loop3A_1601 = tpu.vector_load %arg16[%parallel_loop3A_1598, %parallel_loop3A_1599, %parallel_loop3A_1600] {strides = array<i32>} : memref<6x64x128xf32, #tpu.memory_space<vmem>>, vector<16xf32>,
          %parallel_loop3A_1602 = arith.subf %parallel_loop3A_1594, %parallel_loop3A_1601 : vector<16xf32>
          %parallel_loop3A_1603 = math.absf %parallel_loop3A_1602 : vector<16xf32>
          %parallel_loop3A_1604 = arith.addf %parallel_loop3A_1587, %parallel_loop3A_1603 : vector<16xf32>
          %parallel_loop3A_1605 = vector.broadcast %parallel_loop3A_1466 : i32 to vector<16xi32>
          %parallel_loop3A_1606 = arith.cmpi eq, %iota3A, %parallel_loop3A_1605 : vector<16xi32>
          %parallel_loop3A_1607 = arith.constant true
          %parallel_loop3A_1608 = vector.broadcast %parallel_loop3A_1607 : i1 to vector<16xi1>
          %parallel_loop3A_1609 = tpu.scan <sum>, %parallel_loop3A_1604 masked %parallel_loop3A_1608 : vector<16xf32>, vector<16xi1> -> vector<16xf32>
          %parallel_loop3A_1610 = vector.extract %parallel_loop3A_1609[15] : f32 from vector<16xf32>
          %parallel_loop3A_1611 = vector.broadcast %parallel_loop3A_1610 : f32 to vector<16xf32>
          %parallel_loop3A_1612 = arith.select %parallel_loop3A_1606, %parallel_loop3A_1611, %parallel_loop3A_1462 : vector<16xi1>, vector<16xf32>
          scf.yield %parallel_loop3A_1612 : vector<16xf32>
        }
        %parallel_loop3A_403 = arith.constant 2 : i32
        %parallel_loop3A_404 = arith.constant 64 : i32
        %parallel_loop3A_405 = arith.muli %scan3A_340, %parallel_loop3A_404 : i32
        %parallel_loop3A_406 = arith.constant 16 : i32
        %parallel_loop3A_407 = arith.muli %parallel_loop3A_395, %parallel_loop3A_406 : i32
        %parallel_loop3A_408 = arith.addi %parallel_loop3A_405, %parallel_loop3A_407 : i32
        %parallel_loop3A_409 = arith.index_cast %parallel_loop3A_408 : i32 to index
        %parallel_loop3A_410 = tpu.vector_load %arg17[%parallel_loop3A_409] {strides = array<i32>} : memref<1024xf32, #tpu.memory_space<vmem>>, vector<16xf32>,
        tpu.vector_store %arg17[%parallel_loop3A_409], %parallel_loop3A_402 {strides = array<i32>} : memref<1024xf32, #tpu.memory_space<vmem>>, vector<16xf32>,
      } {sc.loop_unroll_factor = 1 : i64, sc.parallel_access}
      %add3A_387 = arith.constant 6 : i32
      %add3A_388 = arith.addi %scan3A_340, %add3A_387 : i32
      %lt3A_389 = arith.constant 16 : i32
      %lt3A_390 = arith.cmpi slt, %add3A_388, %lt3A_389 : i32
      %convert_element_type3A_391 = arith.extui %lt3A_390 : i1 to i32
      %cond3A_392 = arith.constant 0 : i32
      %cond3A_393 = arith.cmpi ne, %convert_element_type3A_391, %cond3A_392 : i32
      scf.if %cond3A_393 {
        %add3A_395 = arith.constant 6 : i32
        %add3A_396 = arith.addi %scan3A_340, %add3A_395 : i32
        %mul3A_397 = arith.constant 64 : i32
        %mul3A_398 = arith.muli %add3A_396, %mul3A_397 : i32
        %dma_start3A_399 = arith.constant 0 : i32
        %dma_start3A_400 = arith.constant 0 : i32
        %dma_start3A_401 = tpu.memref_slice %arg15[%rem3A_342, %dma_start3A_399, %dma_start3A_400] : memref<6x64x128xf32, #tpu.memory_space<vmem>> -> memref<1x64x128xf32, #tpu.memory_space<vmem>>
        %dma_start3A_402 = tpu.memref_squeeze %dma_start3A_401 : memref<1x64x128xf32, #tpu.memory_space<vmem>> -> memref<64x128xf32, #tpu.memory_space<vmem>>
        %dma_start3A_403 = tpu.memref_slice %arg12[%mul3A_398] : memref<1024xi32, #tpu.memory_space<vmem>> -> memref<64xi32, #tpu.memory_space<vmem>>
        %dma_start3A_404 = arith.constant 0 : i32
        %dma_start3A_405 = arith.constant 0 : i32
        %dma_start3A_406 = tpu.memref_slice %arg8[%dma_start3A_404, %dma_start3A_405] : memref<100000x128xf32, #tpu.memory_space<hbm>> -> memref<100000x128xf32, #tpu.memory_space<hbm>>
        %dma_start3A_407 = tpu.memref_slice %arg19[%rem3A_342] : memref<6x!tpu.dma_semaphore, #tpu.memory_space<semaphore_mem>> -> memref<1x!tpu.dma_semaphore, #tpu.memory_space<semaphore_mem>>
        %dma_start3A_408 = tpu.memref_squeeze %dma_start3A_407 : memref<1x!tpu.dma_semaphore, #tpu.memory_space<semaphore_mem>> -> memref<!tpu.dma_semaphore, #tpu.memory_space<semaphore_mem>>
        tpu.enqueue_indirect_dma source(%dma_start3A_406 : memref<100000x128xf32, #tpu.memory_space<hbm>>) target(%dma_start3A_402 : memref<64x128xf32, #tpu.memory_space<vmem>>) offsets(%dma_start3A_403 : memref<64xi32, #tpu.memory_space<vmem>>) semaphore(%dma_start3A_408 : memref<!tpu.dma_semaphore, #tpu.memory_space<semaphore_mem>>)
        %dma_start3A_409 = arith.constant 0 : i32
        %dma_start3A_410 = arith.constant 0 : i32
        %dma_start3A_411 = tpu.memref_slice %arg16[%rem3A_342, %dma_start3A_409, %dma_start3A_410] : memref<6x64x128xf32, #tpu.memory_space<vmem>> -> memref<1x64x128xf32, #tpu.memory_space<vmem>>
        %dma_start3A_412 = tpu.memref_squeeze %dma_start3A_411 : memref<1x64x128xf32, #tpu.memory_space<vmem>> -> memref<64x128xf32, #tpu.memory_space<vmem>>
        %dma_start3A_413 = tpu.memref_slice %arg13[%mul3A_398] : memref<1024xi32, #tpu.memory_space<vmem>> -> memref<64xi32, #tpu.memory_space<vmem>>
        %dma_start3A_414 = arith.constant 0 : i32
        %dma_start3A_415 = arith.constant 0 : i32
        %dma_start3A_416 = tpu.memref_slice %arg8[%dma_start3A_414, %dma_start3A_415] : memref<100000x128xf32, #tpu.memory_space<hbm>> -> memref<100000x128xf32, #tpu.memory_space<hbm>>
        %dma_start3A_417 = tpu.memref_slice %arg20[%rem3A_342] : memref<6x!tpu.dma_semaphore, #tpu.memory_space<semaphore_mem>> -> memref<1x!tpu.dma_semaphore, #tpu.memory_space<semaphore_mem>>
        %dma_start3A_418 = tpu.memref_squeeze %dma_start3A_417 : memref<1x!tpu.dma_semaphore, #tpu.memory_space<semaphore_mem>> -> memref<!tpu.dma_semaphore, #tpu.memory_space<semaphore_mem>>
        tpu.enqueue_indirect_dma source(%dma_start3A_416 : memref<100000x128xf32, #tpu.memory_space<hbm>>) target(%dma_start3A_412 : memref<64x128xf32, #tpu.memory_space<vmem>>) offsets(%dma_start3A_413 : memref<64xi32, #tpu.memory_space<vmem>>) semaphore(%dma_start3A_418 : memref<!tpu.dma_semaphore, #tpu.memory_space<semaphore_mem>>)
      } else {
      }
      %scan3A_394 = arith.constant 0 : i32
      scf.yield %scan3A_394 : i32
    }
    %scan3A_303 = arith.constant 16 : i32
    %dma_start3A_304 = arith.constant 0 : i32
    %dma_start3A_305 = arith.constant 0 : i32
    %dma_start3A_306 = tpu.memref_slice %arg17[%dma_start3A_305] : memref<1024xf32, #tpu.memory_space<vmem>> -> memref<512xf32, #tpu.memory_space<vmem>>
    %dma_start3A_307 = tpu.memref_slice %arg10[%mul3A_2] : memref<16384xf32, #tpu.memory_space<hbm>> -> memref<512xf32, #tpu.memory_space<hbm>>
    %dma_start3A_308 = tpu.memref_slice %arg19[%dma_start3A_304] : memref<6x!tpu.dma_semaphore, #tpu.memory_space<semaphore_mem>> -> memref<1x!tpu.dma_semaphore, #tpu.memory_space<semaphore_mem>>
    %dma_start3A_309 = tpu.memref_squeeze %dma_start3A_308 : memref<1x!tpu.dma_semaphore, #tpu.memory_space<semaphore_mem>> -> memref<!tpu.dma_semaphore, #tpu.memory_space<semaphore_mem>>
    %dma_start3A_310 = tpu.memref_slice %arg10[%mul3A_2] : memref<16384xf32, #tpu.memory_space<hbm>> -> memref<512xf32, #tpu.memory_space<hbm>>
    %dma_start3A_311 = arith.constant 0 : i32
    %dma_start3A_312 = tpu.memref_slice %arg17[%dma_start3A_311] : memref<1024xf32, #tpu.memory_space<vmem>> -> memref<512xf32, #tpu.memory_space<vmem>>
    tpu.enqueue_dma source(%dma_start3A_312 : memref<512xf32, #tpu.memory_space<vmem>>) target(%dma_start3A_310 : memref<512xf32, #tpu.memory_space<hbm>>) target_semaphore(%dma_start3A_309 : memref<!tpu.dma_semaphore, #tpu.memory_space<semaphore_mem>>)
    %dma_start3A_313 = arith.constant 0 : i32
    %dma_start3A_314 = arith.constant 512 : i32
    %dma_start3A_315 = tpu.memref_slice %arg17[%dma_start3A_314] : memref<1024xf32, #tpu.memory_space<vmem>> -> memref<512xf32, #tpu.memory_space<vmem>>
    %dma_start3A_316 = tpu.memref_slice %arg11[%mul3A_2] : memref<16384xf32, #tpu.memory_space<hbm>> -> memref<512xf32, #tpu.memory_space<hbm>>
    %dma_start3A_317 = tpu.memref_slice %arg20[%dma_start3A_313] : memref<6x!tpu.dma_semaphore, #tpu.memory_space<semaphore_mem>> -> memref<1x!tpu.dma_semaphore, #tpu.memory_space<semaphore_mem>>
    %dma_start3A_318 = tpu.memref_squeeze %dma_start3A_317 : memref<1x!tpu.dma_semaphore, #tpu.memory_space<semaphore_mem>> -> memref<!tpu.dma_semaphore, #tpu.memory_space<semaphore_mem>>
    %dma_start3A_319 = tpu.memref_slice %arg11[%mul3A_2] : memref<16384xf32, #tpu.memory_space<hbm>> -> memref<512xf32, #tpu.memory_space<hbm>>
    %dma_start3A_320 = arith.constant 512 : i32
    %dma_start3A_321 = tpu.memref_slice %arg17[%dma_start3A_320] : memref<1024xf32, #tpu.memory_space<vmem>> -> memref<512xf32, #tpu.memory_space<vmem>>
    tpu.enqueue_dma source(%dma_start3A_321 : memref<512xf32, #tpu.memory_space<vmem>>) target(%dma_start3A_319 : memref<512xf32, #tpu.memory_space<hbm>>) target_semaphore(%dma_start3A_318 : memref<!tpu.dma_semaphore, #tpu.memory_space<semaphore_mem>>)
    %dma_wait3A_322 = arith.constant 0 : i32
    %dma_wait3A_323 = arith.constant 0 : i32
    %dma_wait3A_324 = tpu.memref_slice %arg17[%dma_wait3A_323] : memref<1024xf32, #tpu.memory_space<vmem>> -> memref<512xf32, #tpu.memory_space<vmem>>
    %dma_wait3A_325 = tpu.memref_slice %arg10[%mul3A_2] : memref<16384xf32, #tpu.memory_space<hbm>> -> memref<512xf32, #tpu.memory_space<hbm>>
    %dma_wait3A_326 = tpu.memref_slice %arg19[%dma_wait3A_322] : memref<6x!tpu.dma_semaphore, #tpu.memory_space<semaphore_mem>> -> memref<1x!tpu.dma_semaphore, #tpu.memory_space<semaphore_mem>>
    %dma_wait3A_327 = tpu.memref_squeeze %dma_wait3A_326 : memref<1x!tpu.dma_semaphore, #tpu.memory_space<semaphore_mem>> -> memref<!tpu.dma_semaphore, #tpu.memory_space<semaphore_mem>>
    %dma_wait3A_328 = tpu.memref_slice %arg10[%mul3A_2] : memref<16384xf32, #tpu.memory_space<hbm>> -> memref<512xf32, #tpu.memory_space<hbm>>
    %dma_wait3A_329 = arith.constant 0 : i32
    %dma_wait3A_330 = tpu.memref_slice %arg17[%dma_wait3A_329] : memref<1024xf32, #tpu.memory_space<vmem>> -> memref<512xf32, #tpu.memory_space<vmem>>
    tpu.wait_dma2 semaphore(%dma_wait3A_327 : memref<!tpu.dma_semaphore, #tpu.memory_space<semaphore_mem>>) src(%dma_wait3A_330 : memref<512xf32, #tpu.memory_space<vmem>>) dst(%dma_wait3A_328 : memref<512xf32, #tpu.memory_space<hbm>>)
    %dma_wait3A_331 = arith.constant 0 : i32
    %dma_wait3A_332 = arith.constant 512 : i32
    %dma_wait3A_333 = tpu.memref_slice %arg17[%dma_wait3A_332] : memref<1024xf32, #tpu.memory_space<vmem>> -> memref<512xf32, #tpu.memory_space<vmem>>
    %dma_wait3A_334 = tpu.memref_slice %arg11[%mul3A_2] : memref<16384xf32, #tpu.memory_space<hbm>> -> memref<512xf32, #tpu.memory_space<hbm>>
    %dma_wait3A_335 = tpu.memref_slice %arg20[%dma_wait3A_331] : memref<6x!tpu.dma_semaphore, #tpu.memory_space<semaphore_mem>> -> memref<1x!tpu.dma_semaphore, #tpu.memory_space<semaphore_mem>>
    %dma_wait3A_336 = tpu.memref_squeeze %dma_wait3A_335 : memref<1x!tpu.dma_semaphore, #tpu.memory_space<semaphore_mem>> -> memref<!tpu.dma_semaphore, #tpu.memory_space<semaphore_mem>>
    %dma_wait3A_337 = tpu.memref_slice %arg11[%mul3A_2] : memref<16384xf32, #tpu.memory_space<hbm>> -> memref<512xf32, #tpu.memory_space<hbm>>
    %dma_wait3A_338 = arith.constant 512 : i32
    %dma_wait3A_339 = tpu.memref_slice %arg17[%dma_wait3A_338] : memref<1024xf32, #tpu.memory_space<vmem>> -> memref<512xf32, #tpu.memory_space<vmem>>
    tpu.wait_dma2 semaphore(%dma_wait3A_336 : memref<!tpu.dma_semaphore, #tpu.memory_space<semaphore_mem>>) src(%dma_wait3A_339 : memref<512xf32, #tpu.memory_space<vmem>>) dst(%dma_wait3A_337 : memref<512xf32, #tpu.memory_space<hbm>>)
    return
  }
}

</mosaic_0001>

<sc_bundles>
// kernel: kernel.3.cloned.1.call-start
scs
__scs_entry_jumppad:
0x0: {  	(pc) =	sbr.rel $0x88, $3  }
0x1: {  	(tag) =	ssettag $0x0;
	lr =	simm.s32 $0x1  }
0x2: {  	[smem:$0x3F99] =	sst lr;
	_ =	strace $0xD0000000  }
0x3: {  	_ = 	snop  }
0x4: {  	_ = 	snop  }
0x5: {  	_ = 	snop  }
0x6: {  	_ = 	snop  }
0x7: {  	_ = 	snop  }
__scs_overlays_trampoline_lowered:
0x8: {  	[smem:$0x3FA8] =	sst s0  }
0x9: {  	[smem:$0x3FA9] =	sst s1  }
0xa: {  	[smem:$0x3FAA] =	sst s2  }
0xb: {  	[smem:$0x3FAB] =	sst s3  }
0xc: {  	[smem:$0x3FAC] =	sst s4  }
0xd: {  	[smem:$0x3FAD] =	sst s5  }
0xe: {  	[smem:$0x3FAE] =	sst s6  }
0xf: {  	[smem:$0x3FAF] =	sst s7  }
0x10: {  	[smem:$0x3FB0] =	sst s8  }
0x11: {  	[smem:$0x3FB1] =	sst s9;
	s0 =	simm.s32 @!p0 $0x0  }
0x12: {  	s1 =	sld [smem:$0x3F97];
	s0 =	simm.s32 @p0 $0x1  }
0x13: {  	[smem:$0x3FB2] =	sst s0;
	s0 =	simm.s32 @!p1 $0x0  }
0x14: {  	s2 =	sld [smem:$0x3F96];
	s0 =	simm.s32 @p1 $0x1  }
0x15: {  	[smem:$0x3FB3] =	sst s0;
	s0 =	simm.s32 @!p2 $0x0  }
0x16: {  	s3 =	sld [smem:$0x3FDB];
	s0 =	simm.s32 @p2 $0x1  }
0x17: {  	s4 =	simm.s32 $0x1BF5;
	[smem:$0x3FB5] =	sst s0  }
0x18: {  	s0 =	sld [smem:$0x3F98];
	_ =	swait.ge [sflag:s4], $0x0  }
0x19: {  	s7 =	sld [smem:$0x3F99]  }
0x1a: {  	s8 =	sadd.s32 $0xFFFFE003, lr  }
0x1b: {  	s9 =	sadd.s32 $0xFFFFFEF7, lr;
	s5 =	simm.s32 $0xFFFFFFFF;
	p2 =	slt.u32 s8, $0xFFFFF086  }
0x1c: {  	p1 =	slt.u32 s9, $0xF7A;
	s5 =	simm.s32 @!p2 $0x0  }
0x1d: {  	s5 =	simm.s32 @p1 $0x1;
	p0 =	seq.s32 s7, s2  }
0x1e: {  	s7 =	smul.u32 @!p0 $0xF7A, s2;
	p2 =	seq.s32 @!p0 s5, $0x0  }
0x1f: {  	s9 =	smul.u32 $0xF7A, s1;
	s8 =	simm.s32 @!p0 $0x1BF5;
	p2 =	por !p2, p0  }
0x20: {  	[sflag:s8] =	ssyncset.s32 @!p0 $0xFFFFF086;
	s6 =	sadd.s32 @!p0 s3, s7;
	s7 =	simm.s32 @!p0 $0x108  }
0x21: {  	s3 =	sadd.s32 s3, s9;
	s6 =	sadd.s32 @!p0 $0x88, s6;
	s7 =	simm.s32 @p2 $0x1082  }
0x22: {  	[simem:s7], [sflag:s8] =	dma.local @!p0 [hbm:s6], $0xF7A  }
0x23: {  	s9 =	sor.u32 $0xD0000000, s2;
	s6 =	simm.s32 $0x108;
	_ =	swait.ge @!p0 [sflag:s8], $0x0  }
0x24: {  	s3 =	sadd.s32 $0x88, s3;
	s6 =	simm.s32 @!p1 $0x1082;
	[sflag:s4] =	ssyncset.s32 $0xFFFFF086  }
0x25: {  	[simem:s6], [sflag:s4] =	dma.local [hbm:s3], $0xF7A  }
0x26: {  	[smem:$0x3F99] =	sst s1;
	(tag) =	ssettag s2;
	_ =	strace s9  }
0x27: {  	s1 =	sld [smem:$0x3FA9]  }
0x28: {  	s2 =	sld [smem:$0x3FAA]  }
0x29: {  	s4 =	sld [smem:$0x3FAC]  }
0x2a: {  	p0 =	seq.s32 s5, $0x0;
	s5 =	sld [smem:$0x3FAD]  }
0x2b: {  	s6 =	sld [smem:$0x3FAE]  }
0x2c: {  	s7 =	sld [smem:$0x3FAF]  }
0x2d: {  	s3 =	simm.s32 $0x108;
	s8 =	sld [smem:$0x3FB0]  }
0x2e: {  	s3 =	simm.s32 @!p0 $0x1082;
	s9 =	sld [smem:$0x3FB1]  }
0x2f: {  	lr =	sadd.s32 s0, s3;
	s0 =	sld [smem:$0x3FA8]  }
0x30: {  	s3 =	sld [smem:$0x3FAB]  }
0x31: {  	[smem:$0x3FB4] =	sst s10  }
0x32: {  	s10 =	sld [smem:$0x3FB2];
	_ =	sdelay $0x3  }
0x33: {  	p0 =	seq.s32 s10, $0x1;
	s10 =	sld [smem:$0x3FB4];
	_ =	sdelay $0x3  }
0x34: {  	[smem:$0x3FB4] =	sst s10  }
0x35: {  	s10 =	sld [smem:$0x3FB3];
	_ =	sdelay $0x3  }
0x36: {  	p1 =	seq.s32 s10, $0x1;
	s10 =	sld [smem:$0x3FB4];
	_ =	sdelay $0x3  }
0x37: {  	[smem:$0x3FB4] =	sst s10  }
0x38: {  	s10 =	sld [smem:$0x3FB5]  }
0x39: {  	_ = 	snop;
	(pc) =	sbr.ind lr, $3  }
0x3a: {  	_ = 	snop  }
0x3b: {  	_ = 	snop  }
0x3c: {  	p2 =	seq.s32 s10, $0x1;
	s10 =	sld [smem:$0x3FB4]  }
0x3d: {  	_ =	shalt  }
0x3e: {  	_ =	shalt  }
0x3f: {  	_ =	shalt  }
0x40: {  	_ =	shalt  }
0x41: {  	_ =	shalt  }
0x42: {  	_ =	shalt  }
0x43: {  	_ =	shalt  }
0x44: {  	_ =	shalt  }
0x45: {  	_ =	shalt  }
0x46: {  	_ =	shalt  }
0x47: {  	_ =	shalt  }
0x48: {  	_ =	shalt  }
0x49: {  	_ =	shalt  }
0x4a: {  	_ =	shalt  }
0x4b: {  	_ =	shalt  }
0x4c: {  	_ =	shalt  }
0x4d: {  	_ =	shalt  }
0x4e: {  	_ =	shalt  }
0x4f: {  	_ =	shalt  }
0x50: {  	_ =	shalt  }
0x51: {  	_ =	shalt  }
0x52: {  	_ =	shalt  }
0x53: {  	_ =	shalt  }
0x54: {  	_ =	shalt  }
0x55: {  	_ =	shalt  }
0x56: {  	_ =	shalt  }
0x57: {  	_ =	shalt  }
0x58: {  	_ =	shalt  }
0x59: {  	_ =	shalt  }
0x5a: {  	_ =	shalt  }
0x5b: {  	_ =	shalt  }
0x5c: {  	_ =	shalt  }
0x5d: {  	_ =	shalt  }
0x5e: {  	_ =	shalt  }
0x5f: {  	_ =	shalt  }
0x60: {  	_ =	shalt  }
0x61: {  	_ =	shalt  }
0x62: {  	_ =	shalt  }
0x63: {  	_ =	shalt  }
0x64: {  	_ =	shalt  }
0x65: {  	_ =	shalt  }
0x66: {  	_ =	shalt  }
0x67: {  	_ =	shalt  }
0x68: {  	_ =	shalt  }
0x69: {  	_ =	shalt  }
0x6a: {  	_ =	shalt  }
0x6b: {  	_ =	shalt  }
0x6c: {  	_ =	shalt  }
0x6d: {  	_ =	shalt  }
0x6e: {  	_ =	shalt  }
0x6f: {  	_ =	shalt  }
0x70: {  	_ =	shalt  }
0x71: {  	_ =	shalt  }
0x72: {  	_ =	shalt  }
0x73: {  	_ =	shalt  }
0x74: {  	_ =	shalt  }
0x75: {  	_ =	shalt  }
0x76: {  	_ =	shalt  }
0x77: {  	_ =	shalt  }
0x78: {  	_ =	shalt  }
0x79: {  	_ =	shalt  }
0x7a: {  	_ =	shalt  }
0x7b: {  	_ =	shalt  }
0x7c: {  	_ =	shalt  }
0x7d: {  	_ =	shalt  }
0x7e: {  	_ =	shalt  }
0x7f: {  	_ =	shalt  }
0x80: {  	_ =	shalt  }
0x81: {  	_ =	shalt  }
0x82: {  	_ =	shalt  }
0x83: {  	_ =	shalt  }
0x84: {  	_ =	shalt  }
0x85: {  	_ =	shalt  }
0x86: {  	_ =	shalt  }
0x87: {  	_ =	shalt  }
.Lfunc_end0:
.L_simem_size_0:
called_computation_lowered:
.L_overlay_start_0:
0x88: {  	s2 =	sld [smem:$0x3FD9]  }
0x89: {  	s3 =	sld [smem:$0x3FFE];
	_ =	sdelay $0x1  }
0x8a: {  	s1 =	srdreg.scid  }
0x8b: {  	s0 =	sand.u32 $0x1, s1  }
0x8c: {  	s30 =	sshll.u32 s0, $0xA;
	s2 =	sadd.s32 s3, s2  }
0x8d: {  	s2 =	sadd.s32 s2, s30  }
0x8e: {  	[smem:$0x3FC0] =	sst s2  }
0x8f: {  	_ = 	snop  }
0x90: {  	s2 =	sld [smem:$0x3FC9]  }
0x91: {  	s31 =	sld [smem:$0x3FC8]  }
0x92: {  	s4 =	sld [smem:$0x3FC7]  }
0x93: {  	s5 =	sld [smem:$0x3FC6]  }
0x94: {  	s6 =	sld [smem:$0x3FC5]  }
0x95: {  	s7 =	sld [smem:$0x3FD0]  }
0x96: {  	s8 =	sld [smem:$0x3FC4]  }
0x97: {  	s9 =	sld [smem:$0x3FC3]  }
0x98: {  	s11 =	simm.s32 $0xA;
	s12 =	simm.s32 $0x10;
	s10 =	sld [smem:$0x3FC2]  }
0x99: {  	[smem:s12], [sflag:s11] =	dma.local [hbm:s7], $0x1  }
0x9a: {  	_ =	swait.eq [sflag:s11], $0x1  }
0x9b: {  	[sflag:s11] =	ssyncset.done $0x0  }
0x9c: {  	s17 =	sld [smem:$0x10];
	[sflag:s11] =	ssyncadd.s32 $0xFFFFFFFF  }
0x9d: {  	s18 =	sld [smem:$0x11];
	(tm) =	ssettm $0x1  }
0x9e: {  	s19 =	sld [smem:$0x3FFB];
	_ =	sdelay $0x3  }
0x9f: {  	_ =	strace s19  }
0xa0: {  	s12 =	sld [smem:$0x3FFC];
	_ =	sdelay $0x3  }
0xa1: {  	_ =	strace s12  }
0xa2: {  	s12 =	sld [smem:$0x3FFD];
	_ =	sdelay $0x3  }
0xa3: {  	_ =	strace s12  }
0xa4: {  	_ =	strace $0x8FFFFFFF  }
0xa5: {  	s20 =	sld [smem:$0x3FDB];
	_ =	sdelay $0x1  }
0xa6: {  	s13 =	simm.s32 $_scs_section_size  }
0xa7: {  	s14 =	simm.s32 $_size__tile_overlayer_lowered;
	s15 =	simm.s32 $_tile_overlayer_lowered  }
0xa8: {  	s23 =	simm.s32 $0x1BFF;
	s22 =	sshll.u32 s15, $0x1;
	s12 =	sadd.s32 s13, s20  }
0xa9: {  	s16 =	simm.s32 $0x0;
	s21 =	sshll.u32 s14, $0x1;
	s14 =	sadd.s32 s22, s12  }
0xaa: {  	[timem:s16], [sflag:s23] =	dma.local [hbm:s14], s21  }
0xab: {  	_ =	swait.ge [sflag:s23], s21  }
0xac: {  	s13 =	ssub.s32 $0x0, s21;
	[sflag:s23] =	ssyncset.done $0x0  }
0xad: {  	[sflag:s23] =	ssyncadd.s32 s13;
	_ =	sdelay $0x1  }
0xae: {  	s24 =	simm.s32 $0x1B8B  }
0xaf: {  	_ =	swait.ge [sflag:s24], $0x1  }
0xb0: {  	[sflag:s24] =	ssyncset.done $0x0  }
0xb1: {  	s25 =	simm.s32 $0x1B8E;
	[sflag:s24] =	ssyncadd.s32 $0xFFFFFFFF  }
0xb2: {  	s26 =	simm.s32 $execute0_lowered;
	[smem:$0x3FD2] =	sst s25  }
0xb3: {  	s13 =	sshll.u32 s26, $0x1;
	_ =	strace $0x80000046;
	[dreg:$0x1] =	wrdreg $0xFFFFFFFF  }
0xb4: {  	s28 =	simm.s32 $_size_execute0_lowered;
	s12 =	sadd.s32 s12, s13;
	[dreg:$0x0] =	wrdreg $0x0  }
0xb5: {  	s13 =	sshll.u32 s28, $0x1;
	[dreg:$0x2] =	wrdreg s12  }
0xb6: {  	[dreg:$0x3] =	wrdreg s13  }
0xb7: {  	[dreg:$0x4] =	wrdreg $0xC0  }
0xb8: {  	_ =	task [dreg:s16], $0x5FFFF  }
0xb9: {  	[dreg:$0x1] =	wrdreg $0xFFFFFFFF  }
0xba: {  	[dreg:$0x0] =	wrdreg $0x60  }
0xbb: {  	[dreg:$0x2] =	wrdreg s2  }
0xbc: {  	[dreg:$0x3] =	wrdreg s31  }
0xbd: {  	[dreg:$0x4] =	wrdreg s4  }
0xbe: {  	[dreg:$0x5] =	wrdreg s5  }
0xbf: {  	[dreg:$0x6] =	wrdreg s6  }
0xc0: {  	[dreg:$0x7] =	wrdreg s8  }
0xc1: {  	[dreg:$0x8] =	wrdreg s9  }
0xc2: {  	[dreg:$0x9] =	wrdreg s10  }
0xc3: {  	[dreg:$0xa] =	wrdreg s17  }
0xc4: {  	[dreg:$0xb] =	wrdreg s18  }
0xc5: {  	[dreg:$0xc] =	wrdreg $0x190000  }
0xc6: {  	[dreg:$0xd] =	wrdreg $0x9  }
0xc7: {  	_ =	task.clear_ibuf [dreg:s16], $0xEFFFF;
	_ =	strace $0x90000046  }
0xc8: {  	s29 =	simm.s32 $0x9;
	_ =	strace $0x80000048  }
0xc9: {  	_ =	swait.ge [sflag:s29], $0x1  }
0xca: {  	[sflag:s29] =	ssyncadd.s32 $0xFFFFFFFF  }
0xcb: {  	_ =	strace $0x90000048  }
0xcc: {  	_ =	sfence  }
0xcd: {  	s30 =	sld [smem:$0x0];
	_ =	sdelay $0x2  }
0xce: {  	s31 =	sshll.u32 s1, $0xD;
	s1 =	sshrl.u32 s1, $0x2  }
0xcf: {  	s3 =	sand.u32 $0x4000, s31;
	s1 =	sadd.s32 s1, s30  }
0xd0: {  	s0 =	sor.u32 s3, s0;
	s1 =	sshll.u32 s1, $0x11  }
0xd1: {  	s0 =	sor.u32 s1, s0  }
0xd2: {  	s0 =	sadd.s32 $0x8F2B, s0  }
0xd3: {  	[sflag:s0] =	ssyncadd.remote.s32 $0x1  }
0xd4: {  	_ =	sfence.sel $0xFFFF  }
0xd5: {  	[dreg:$0x0] =	wrdreg $0xFFFFFFFF;
	(pc) =	sbr.abs _section_cstart, $3  }
0xd6: {  	[dreg:$0x1] =	wrdreg $0xFFFFFFFF  }
0xd7: {  	_ =	task.clear_ibuf [dreg:s16], $0x2FFFF;
	_ =	strace $0x9FFFFFFF  }
0xd8: {  	(tm) =	ssettm $0x7FFFFFFF  }
0xd9: {  	_ =	shalt  }
tec
execute0_lowered:
.L_overlay_start_1:
0x0: {  	(tag) =	ssettag $0x1  }
0x1: {  	s1 =	rddreg [dreg:$0x0]  }
0x2: {  	s2 =	rddreg [dreg:$0x1]  }
0x3: {  	s5 =	rddreg [dreg:$0x2]  }
0x4: {  	s6 =	rddreg [dreg:$0x3]  }
0x5: {  	s7 =	rddreg [dreg:$0x4]  }
0x6: {  	s10 =	rddreg [dreg:$0x5]  }
0x7: {  	s0 =	rddreg [dreg:$0x6]  }
0x8: {  	s11 =	rddreg [dreg:$0x8]  }
0x9: {  	s12 =	rddreg [dreg:$0x9]  }
0xa: {  	s3 =	rddreg [dreg:$0xa];
	s8 =	srdreg.scid;
	s4 =	simm.s32 $0x0  }
0xb: {  	s14 =	stileid.u32;
	s17 =	simm.s32 $0x800;
	s19 =	simm.s32 $0x1  }
0xc: {  	s20 =	simm.s32 $0x40;
	s21 =	simm.s32 $0xC00;
	s31 =	simm.s32 $0x7  }
0xd: {  	s8 =	sand.u32 $0x1, s8;
	[smem:$0x7FF] =	sst s4;
	s15 =	sshll.u32 s14, $0x7  }
0xe: {  	p0 =	sne.s32 s14, $0x0;
	s9 =	ssub.s32 $0x2, s8;
	s8 =	sshll.u32 s8, $0x6  }
0xf: {  	_ =	strace $0x80000047;
	s13 =	sshrl.u32 s9, $0x1;
	s15 =	sor.u32 s8, s15  }
0x10: {  	s13 =	ssub.s32 s9, s13;
	s1 =	sadd.s32 s1, s15;
	s28 =	sadd.s32 s6, s15  }
0x11: {  	s29 =	sadd.s32 s2, s15;
	s30 =	sadd.s32 s7, s15;
	[dreg:$0xc] =	wrdreg s1  }
0x12: {  	s9 =	sadd.s32 s5, s15;
	s10 =	sadd.s32 s10, s15;
	[dreg:$0xd] =	wrdreg s28  }
0x13: {  	s11 =	sadd.s32 s11, s15;
	s12 =	sadd.s32 s12, s15;
	[dreg:$0xe] =	wrdreg s29  }
0x14: {  	[dreg:$0xf] =	wrdreg s30;
	s13 =	smax.u32 s13, $0x1;
	s1 =	simm.s32 $0x0  }
.LBB2_1:
0x15: {  	s2 =	rddreg [dreg:$0xc]  }
0x16: {  	[tilespmem:s4], [sflag:$0x1] =	stream.linear.gather [hbm4b:s2+s4], $0x200, $0x38;
	[tilespmem:$0x1AF40] =	vst v63  }
0x17: {  	s18 =	rddreg [dreg:$0xd];
	s5 =	simm.s32 $0x200  }
0x18: {  	[tilespmem:s5], [sflag:$0x1] =	stream.linear.gather [hbm4b:s18+s4], $0x200, $0x38;
	[tilespmem:$0x1AF40] =	vst v63  }
0x19: {  	s22 =	rddreg [dreg:$0xe];
	s23 =	simm.s32 $0x400  }
0x1a: {  	[tilespmem:s23], [sflag:$0x1] =	stream.linear.gather [hbm4b:s22+s4], $0x200, $0x38;
	[tilespmem:$0x1AF40] =	vst v63  }
0x1b: {  	s24 =	rddreg [dreg:$0xf];
	s6 =	simm.s32 $0x600  }
0x1c: {  	[tilespmem:s6], [sflag:$0x1] =	stream.linear.gather [hbm4b:s24+s4], $0x200, $0x38;
	[tilespmem:$0x1AF40] =	vst v63  }
0x1d: {  	_ = 	snop  }
0x1e: {  	[tilespmem:s17], [sflag:$0x1] =	stream.linear.gather [hbm4b:s9+s4], $0x200, $0x38;
	[tilespmem:$0x1AF40] =	vst v63  }
0x1f: {  	s25 =	simm.s32 $0xA00  }
0x20: {  	[tilespmem:s25], [sflag:$0x1] =	stream.linear.gather [hbm4b:s10+s4], $0x200, $0x38;
	[tilespmem:$0x1AF40] =	vst v63  }
0x21: {  	_ =	swait.ge [sflag:s19], $0x200  }
0x22: {  	[sflag:s19] =	ssyncset.done $0x0  }
0x23: {  	[sflag:s19] =	ssyncadd.s32 $0xFFFFFE00  }
0x24: {  	_ =	swait.ge [sflag:s19], $0x200  }
0x25: {  	[sflag:s19] =	ssyncset.done $0x0  }
0x26: {  	[sflag:s19] =	ssyncadd.s32 $0xFFFFFE00  }
0x27: {  	_ =	swait.ge [sflag:s19], $0x200  }
0x28: {  	[sflag:s19] =	ssyncset.done $0x0  }
0x29: {  	[sflag:s19] =	ssyncadd.s32 $0xFFFFFE00  }
0x2a: {  	_ =	swait.ge [sflag:s19], $0x200  }
0x2b: {  	[sflag:s19] =	ssyncset.done $0x0  }
0x2c: {  	[sflag:s19] =	ssyncadd.s32 $0xFFFFFE00  }
0x2d: {  	_ =	swait.ge [sflag:s19], $0x200  }
0x2e: {  	[sflag:s19] =	ssyncset.done $0x0  }
0x2f: {  	[sflag:s19] =	ssyncadd.s32 $0xFFFFFE00  }
0x30: {  	_ =	swait.ge [sflag:s19], $0x200  }
0x31: {  	[sflag:s19] =	ssyncset.done $0x0  }
0x32: {  	[sflag:s19] =	ssyncadd.s32 $0xFFFFFE00  }
0x33: {  	[tilespmem:s21], [sflag:$0x1] =	stream.indirect.gather [hbm4b:s0+s20], $0x80, s4, s20, $0xb8;
	[tilespmem:$0x1AF40] =	vst v63  }
0x34: {  	s26 =	simm.s32 $0xCC00  }
0x35: {  	[tilespmem:s26], [sflag:$0x7] =	stream.indirect.gather [hbm4b:s0+s20], $0x80, s23, s20, $0xb8;
	[tilespmem:$0x1AF40] =	vst v63  }
0x36: {  	s28 =	simm.s32 $0x2C00  }
0x37: {  	[tilespmem:s28], [sflag:$0x2] =	stream.indirect.gather [hbm4b:s0+s20], $0x80, s20, s20, $0xb8;
	[tilespmem:$0x1AF40] =	vst v63  }
0x38: {  	s29 =	simm.s32 $0x440;
	s30 =	simm.s32 $0xEC00  }
0x39: {  	[tilespmem:s30], [sflag:$0x8] =	stream.indirect.gather [hbm4b:s0+s20], $0x80, s29, s20, $0xb8;
	[tilespmem:$0x1AF40] =	vst v63  }
0x3a: {  	s5 =	simm.s32 $0x80;
	s6 =	simm.s32 $0x4C00  }
0x3b: {  	[tilespmem:s6], [sflag:$0x3] =	stream.indirect.gather [hbm4b:s0+s20], $0x80, s5, s20, $0xb8;
	[tilespmem:$0x1AF40] =	vst v63  }
0x3c: {  	s7 =	simm.s32 $0x480;
	s8 =	simm.s32 $0x10C00  }
0x3d: {  	[tilespmem:s8], [sflag:$0x9] =	stream.indirect.gather [hbm4b:s0+s20], $0x80, s7, s20, $0xb8;
	[tilespmem:$0x1AF40] =	vst v63  }
0x3e: {  	s14 =	simm.s32 $0xC0;
	s15 =	simm.s32 $0x6C00  }
0x3f: {  	[tilespmem:s15], [sflag:$0x4] =	stream.indirect.gather [hbm4b:s0+s20], $0x80, s14, s20, $0xb8;
	[tilespmem:$0x1AF40] =	vst v63  }
0x40: {  	s16 =	simm.s32 $0x4C0;
	s18 =	simm.s32 $0x12C00  }
0x41: {  	[tilespmem:s18], [sflag:$0xA] =	stream.indirect.gather [hbm4b:s0+s20], $0x80, s16, s20, $0xb8;
	[tilespmem:$0x1AF40] =	vst v63  }
0x42: {  	s22 =	simm.s32 $0x100;
	s23 =	simm.s32 $0x8C00  }
0x43: {  	[tilespmem:s23], [sflag:$0x5] =	stream.indirect.gather [hbm4b:s0+s20], $0x80, s22, s20, $0xb8;
	[tilespmem:$0x1AF40] =	vst v63  }
0x44: {  	s2 =	sshrl.u32 @!p0 s3, $0x3;
	s24 =	simm.s32 $0x500;
	s25 =	simm.s32 $0x14C00  }
0x45: {  	[tilespmem:s25], [sflag:$0xB] =	stream.indirect.gather [hbm4b:s0+s20], $0x80, s24, s20, $0xb8;
	[tilespmem:$0x1AF40] =	vst v63  }
0x46: {  	s26 =	simm.s32 $0x140;
	s28 =	simm.s32 $0xAC00;
	s29 =	simm.s32 $0x540  }
0x47: {  	[tilespmem:s28], [sflag:$0x6] =	stream.indirect.gather [hbm4b:s0+s20], $0x80, s26, s20, $0xb8;
	[tilespmem:$0x1AF40] =	vst v63  }
0x48: {  	s30 =	simm.s32 $0x16C00;
	s5 =	simm.s32 @!p0 $0x1C13;
	s6 =	rddreg [dreg:$0x7]  }
0x49: {  	[tilespmem:s30], [sflag:$0xC] =	stream.indirect.gather [hbm4b:s0+s20], $0x80, s29, s20, $0xb8;
	[tilespmem:$0x1AF40] =	vst v63  }
0x4a: {  	[spmem:s2], [sflag:s5] =	dma.local @!p0 [hbm:s6], $0x3E80  }
0x4b: {  	s2 =	simm.s32 @!p0 $0x13  }
0x4c: {  	_ =	swait.ge @!p0 [sflag:s2], $0x3E80  }
0x4d: {  	[sflag:s2] =	ssyncset.done @!p0 $0x0  }
0x4e: {  	[sflag:s2] =	ssyncadd.s32 @!p0 $0xFFFFC180  }
0x4f: {  	[bflag:$0x0] =	sbarrier.arrive $0xFFFF  }
0x50: {  	_ =	swait.ge [sflag:s19], $0x2000  }
0x51: {  	[sflag:s19] =	ssyncset.done $0x0  }
0x52: {  	s2 =	simm.s32 $0x0;
	[sflag:s19] =	ssyncadd.s32 $0xFFFFE000  }
0x53: {  	[tilespmem:s21], [sflag:$0xD] =	stream.indirect.gather.add.f32 [spmem:s3], $0x80, s17, s20, $0xb8;
	[tilespmem:$0x1AF40] =	vst v63  }
.LBB2_2:
0x54: {  	s14 =	sadd.s32 $0x1, s2;
	p1 =	seq.s32 s2, $0xF  }
0x55: {  	s5 =	smul.u32 @!p1 $0xAB, s14;
	_ =	sdelay $0x1  }
0x56: {  	s5 =	sshrl.u32 @!p1 s5, $0xA  }
0x57: {  	s6 =	smul.u32 $0xAB, s2;
	s5 =	sand.u32 @!p1 $0x3F, s5  }
0x58: {  	s5 =	smul.u32 @!p1 $0x6, s5  }
0x59: {  	s6 =	sshrl.u32 s6, $0xA  }
0x5a: {  	s6 =	sand.u32 $0x3F, s6;
	s5 =	ssub.s32 @!p1 s14, s5  }
0x5b: {  	s6 =	smul.u32 $0x6, s6;
	s5 =	sand.u32 @!p1 $0xFF, s5  }
0x5c: {  	s7 =	sadd.s32 @!p1 $0x1, s5  }
0x5d: {  	s18 =	sshll.u32 @!p1 s14, $0x6;
	s6 =	ssub.s32 s2, s6;
	_ =	swait.ge @!p1 [sflag:s7], $0x2000  }
0x5e: {  	s16 =	sand.u32 $0xFF, s6;
	s6 =	sshll.u32 @!p1 s5, $0xD;
	[sflag:s7] =	ssyncset.done @!p1 $0x0  }
0x5f: {  	s5 =	sadd.s32 @!p1 $0xD, s5;
	[sflag:s7] =	ssyncadd.s32 @!p1 $0xFFFFE000;
	s7 =	sand.u32 @!p1 $0x3FFFFFC0, s18  }
0x60: {  	s6 =	sor.u32 @!p1 $0xC00, s6;
	s18 =	simm.s32 @!p1 $0x40;
	s7 =	sadd.s32 @!p1 $0x800, s7  }
0x61: {  	[tilespmem:s6], [sflag:s5] =	stream.indirect.gather.add.f32 @!p1 [spmem:s3], $0x80, s7, s18, $0xb8;
	[tilespmem:$0x1AF40] =	vst v63  }
0x62: {  	s18 =	sadd.s32 $0x7, s16  }
0x63: {  	_ =	swait.ge [sflag:s18], $0x2000  }
0x64: {  	s30 =	sshll.u32 s2, $0x6;
	s29 =	sadd.s32 $0xD, s16;
	[sflag:s18] =	ssyncset.done $0x0  }
0x65: {  	s22 =	sshll.u32 s16, $0xD;
	s6 =	sand.u32 $0x3FFFFFC0, s30;
	[sflag:s18] =	ssyncadd.s32 $0xFFFFE000  }
0x66: {  	v1 =	vmov s22;
	s6 =	sadd.s32 $0x18C00, s6;
	_ =	swait.ge [sflag:s29], $0x2000  }
0x67: {  	v0 =	vmov s6;
	[sflag:s29] =	ssyncset.done $0x0  }
0x68: {  	s23 =	simm.s32 $0x0;
	[tilespmem:$0x1FFF0] =	vst v0;
	[sflag:s29] =	ssyncadd.s32 $0xFFFFE000  }
.LBB2_3:
0x69: {  	s24 =	sshll.u32 s23, $0x4;
	p1 =	por $0x1, $0x1;
	v2 =	vimm.f32 $0.0e+00;
	s25 =	simm.s32 $0x0  }
.LBB2_4:
0x6a: {  	s5 =	sor.u32 s24, s25  }
0x6b: {  	s5 =	sshll.u32 s5, $0x7  }
0x6c: {  	v4 =	vld.idx.msk [tilespmem:v1+s5+$0xC00 ss:$0x1], $0xffff  }
0x6d: {  	v7 =	vld.idx.msk [tilespmem:v1+s5+$0xCC00 ss:$0x1], $0xffff  }
0x6e: {  	v8 =	vld.idx.msk [tilespmem:v1+s5+$0xC10 ss:$0x1], $0xffff  }
0x6f: {  	v9 =	vld.idx.msk [tilespmem:v1+s5+$0xCC10 ss:$0x1], $0xffff  }
0x70: {  	v10 =	vld.idx.msk [tilespmem:v1+s5+$0xC20 ss:$0x1], $0xffff  }
0x71: {  	v13 =	vld.idx.msk [tilespmem:v1+s5+$0xCC20 ss:$0x1], $0xffff  }
0x72: {  	v14 =	vld.idx.msk [tilespmem:v1+s5+$0xC30 ss:$0x1], $0xffff  }
0x73: {  	v15 =	vld.idx.msk [tilespmem:v1+s5+$0xCC30 ss:$0x1], $0xffff  }
0x74: {  	v16 =	vld.idx.msk [tilespmem:v1+s5+$0xC40 ss:$0x1], $0xffff  }
0x75: {  	v17 =	vld.idx.msk [tilespmem:v1+s5+$0xCC40 ss:$0x1], $0xffff  }
0x76: {  	v18 =	vld.idx.msk [tilespmem:v1+s5+$0xC50 ss:$0x1], $0xffff  }
0x77: {  	v19 =	vld.idx.msk [tilespmem:v1+s5+$0xCC50 ss:$0x1], $0xffff  }
0x78: {  	v20 =	vld.idx.msk [tilespmem:v1+s5+$0xC60 ss:$0x1], $0xffff  }
0x79: {  	s26 =	sor.u32 $0x1, s25;
	v21 =	vld.idx.msk [tilespmem:v1+s5+$0xCC60 ss:$0x1], $0xffff  }
0x7a: {  	s6 =	sor.u32 s24, s26;
	v22 =	vld.idx.msk [tilespmem:v1+s5+$0xC70 ss:$0x1], $0xffff  }
0x7b: {  	v23 =	vld.idx.msk [tilespmem:v1+s5+$0xCC70 ss:$0x1], $0xffff;
	s29 =	sshll.u32 s6, $0x7  }
0x7c: {  	v24 =	vld.idx.msk [tilespmem:v1+s29+$0xC00 ss:$0x1], $0xffff  }
0x7d: {  	v25 =	vld.idx.msk [tilespmem:v1+s29+$0xCC00 ss:$0x1], $0xffff  }
0x7e: {  	v26 =	vld.idx.msk [tilespmem:v1+s29+$0xC10 ss:$0x1], $0xffff  }
0x7f: {  	v27 =	vld.idx.msk [tilespmem:v1+s29+$0xCC10 ss:$0x1], $0xffff  }
0x80: {  	v28 =	vld.idx.msk [tilespmem:v1+s29+$0xC20 ss:$0x1], $0xffff  }
0x81: {  	v29 =	vld.idx.msk [tilespmem:v1+s29+$0xCC20 ss:$0x1], $0xffff  }
0x82: {  	v30 =	vld.idx.msk [tilespmem:v1+s29+$0xC30 ss:$0x1], $0xffff  }
0x83: {  	v31 =	vld.idx.msk [tilespmem:v1+s29+$0xCC30 ss:$0x1], $0xffff  }
0x84: {  	v32 =	vld.idx.msk [tilespmem:v1+s29+$0xC40 ss:$0x1], $0xffff  }
0x85: {  	v33 =	vld.idx.msk [tilespmem:v1+s29+$0xCC40 ss:$0x1], $0xffff  }
0x86: {  	v34 =	vld.idx.msk [tilespmem:v1+s29+$0xC50 ss:$0x1], $0xffff  }
0x87: {  	v35 =	vld.idx.msk [tilespmem:v1+s29+$0xCC50 ss:$0x1], $0xffff  }
0x88: {  	v36 =	vld.idx.msk [tilespmem:v1+s29+$0xC60 ss:$0x1], $0xffff  }
0x89: {  	s28 =	sor.u32 $0x2, s25;
	v37 =	vld.idx.msk [tilespmem:v1+s29+$0xCC60 ss:$0x1], $0xffff  }
0x8a: {  	s30 =	sor.u32 s24, s28;
	v5 =	vld.idx.msk [tilespmem:v1+s29+$0xC70 ss:$0x1], $0xffff  }
0x8b: {  	s6 =	sshll.u32 s30, $0x7;
	v6 =	vld.idx.msk [tilespmem:v1+s29+$0xCC70 ss:$0x1], $0xffff  }
0x8c: {  	v38 =	vld.idx.msk [tilespmem:v1+s6+$0xC00 ss:$0x1], $0xffff  }
0x8d: {  	v39 =	vld.idx.msk [tilespmem:v1+s6+$0xCC00 ss:$0x1], $0xffff  }
0x8e: {  	v40 =	vld.idx.msk [tilespmem:v1+s6+$0xC10 ss:$0x1], $0xffff  }
0x8f: {  	v41 =	vld.idx.msk [tilespmem:v1+s6+$0xCC10 ss:$0x1], $0xffff  }
0x90: {  	v42 =	vld.idx.msk [tilespmem:v1+s6+$0xC20 ss:$0x1], $0xffff  }
0x91: {  	v43 =	vld.idx.msk [tilespmem:v1+s6+$0xCC20 ss:$0x1], $0xffff  }
0x92: {  	v44 =	vld.idx.msk [tilespmem:v1+s6+$0xC30 ss:$0x1], $0xffff  }
0x93: {  	v45 =	vld.idx.msk [tilespmem:v1+s6+$0xCC30 ss:$0x1], $0xffff  }
0x94: {  	v46 =	vld.idx.msk [tilespmem:v1+s6+$0xC40 ss:$0x1], $0xffff  }
0x95: {  	v47 =	vld.idx.msk [tilespmem:v1+s6+$0xCC40 ss:$0x1], $0xffff  }
0x96: {  	v48 =	vld.idx.msk [tilespmem:v1+s6+$0xC50 ss:$0x1], $0xffff  }
0x97: {  	v49 =	vld.idx.msk [tilespmem:v1+s6+$0xCC50 ss:$0x1], $0xffff  }
0x98: {  	v50 =	vld.idx.msk [tilespmem:v1+s6+$0xC60 ss:$0x1], $0xffff  }
0x99: {  	s30 =	sor.u32 $0x4, s25;
	v51 =	vld.idx.msk [tilespmem:v1+s6+$0xCC60 ss:$0x1], $0xffff  }
0x9a: {  	s29 =	sor.u32 $0x3, s25;
	v52 =	vld.idx.msk [tilespmem:v1+s6+$0xC70 ss:$0x1], $0xffff;
	s15 =	sor.u32 s24, s30  }
0x9b: {  	v53 =	vld.idx.msk [tilespmem:v1+s6+$0xCC70 ss:$0x1], $0xffff;
	s7 =	sor.u32 s24, s29;
	s6 =	sshll.u32 s15, $0x7  }
0x9c: {  	s8 =	sshll.u32 s7, $0x7;
	v3 =	vld.idx.msk [tilespmem:v1+s6+$0xC00 ss:$0x1], $0xffff  }
0x9d: {  	v54 =	vld.idx.msk [tilespmem:v1+s8+$0xC00 ss:$0x1], $0xffff  }
0x9e: {  	v55 =	vld.idx.msk [tilespmem:v1+s8+$0xCC00 ss:$0x1], $0xffff  }
0x9f: {  	v56 =	vld.idx.msk [tilespmem:v1+s8+$0xC10 ss:$0x1], $0xffff  }
0xa0: {  	v57 =	vld.idx.msk [tilespmem:v1+s8+$0xCC10 ss:$0x1], $0xffff  }
0xa1: {  	v58 =	vld.idx.msk [tilespmem:v1+s8+$0xC20 ss:$0x1], $0xffff  }
0xa2: {  	v59 =	vld.idx.msk [tilespmem:v1+s8+$0xCC20 ss:$0x1], $0xffff  }
0xa3: {  	v60 =	vld.idx.msk [tilespmem:v1+s8+$0xC30 ss:$0x1], $0xffff  }
0xa4: {  	v61 =	vld.idx.msk [tilespmem:v1+s8+$0xCC30 ss:$0x1], $0xffff  }
0xa5: {  	v62 =	vld.idx.msk [tilespmem:v1+s8+$0xC40 ss:$0x1], $0xffff  }
0xa6: {  	v63 =	vld.idx.msk [tilespmem:v1+s8+$0xCC40 ss:$0x1], $0xffff  }
0xa7: {  	v12 =	vld.idx.msk [tilespmem:v1+s8+$0xC50 ss:$0x1], $0xffff  }
0xa8: {  	[tilespmem:$0x1FFE0] =	vst v2;
	v2 =	vld.idx.msk [tilespmem:v1+s8+$0xCC50 ss:$0x1], $0xffff  }
0xa9: {  	v11 =	vld.idx.msk [tilespmem:v1+s8+$0xC60 ss:$0x1], $0xffff  }
0xaa: {  	v0 =	vld.idx.msk [tilespmem:v1+s8+$0xCC60 ss:$0x1], $0xffff  }
0xab: {  	v4 =	vsub.f32 v4, v7;
	v7 =	vsub.f32 v8, v9;
	v8 =	vld.idx.msk [tilespmem:v1+s8+$0xC70 ss:$0x1], $0xffff  }
0xac: {  	v9 =	vsub.f32 v10, v13;
	v13 =	vld.idx.msk [tilespmem:v1+s8+$0xCC70 ss:$0x1], $0xffff  }
0xad: {  	v10 =	vsub.f32 v26, v27;
	v28 =	vsub.f32 v28, v29;
	v26 =	vld.idx.msk [tilespmem:v1+s6+$0xC50 ss:$0x1], $0xffff  }
0xae: {  	s5 =	sor.u32 $0x5, s25;
	v38 =	vsub.f32 v38, v39;
	v27 =	vld.idx.msk [tilespmem:v1+s6+$0xCC70 ss:$0x1], $0xffff;
	v4 =	vand.u32 $0x7FFFFFFF, v4;
	v7 =	vand.u32 $0x7FFFFFFF, v7  }
0xaf: {  	s7 =	sor.u32 s24, s5;
	v4 =	vadd.f32 v7, v4;
	v7 =	vand.u32 $0x7FFFFFFF, v9;
	v9 =	vsub.f32 v14, v15;
	v14 =	vld.idx.msk [tilespmem:v1+s6+$0xCC00 ss:$0x1], $0xffff  }
0xb0: {  	s7 =	sshll.u32 s7, $0x7;
	v15 =	vld.idx.msk [tilespmem:v1+s6+$0xC10 ss:$0x1], $0xffff;
	v29 =	vand.u32 $0x7FFFFFFF, v28  }
0xb1: {  	v28 =	vand.u32 $0x7FFFFFFF, v38;
	v38 =	vsub.f32 v42, v43;
	v42 =	vsub.f32 v36, v37;
	v36 =	vld.idx.msk [tilespmem:v1+s7+$0xC20 ss:$0x1], $0xffff  }
0xb2: {  	v43 =	vsub.f32 v46, v47;
	v37 =	vld.idx.msk [tilespmem:v1+s7+$0xC30 ss:$0x1], $0xffff  }
0xb3: {  	v46 =	vsub.f32 v48, v49;
	v48 =	vsub.f32 v56, v57;
	v56 =	vld.idx.msk [tilespmem:v1+s7+$0xC60 ss:$0x1], $0xffff  }
0xb4: {  	v49 =	vsub.f32 v50, v51;
	v50 =	vsub.f32 v58, v59;
	v58 =	vld.idx.msk [tilespmem:v1+s7+$0xCC60 ss:$0x1], $0xffff  }
0xb5: {  	v47 =	vsub.f32 v54, v55;
	v55 =	vsub.f32 v60, v61;
	v61 =	vld.idx.msk [tilespmem:v1+s7+$0xCC70 ss:$0x1], $0xffff  }
0xb6: {  	v4 =	vadd.f32 v7, v4;
	v7 =	vand.u32 $0x7FFFFFFF, v9;
	v9 =	vsub.f32 v16, v17;
	v16 =	vld.idx.msk [tilespmem:v1+s6+$0xCC10 ss:$0x1], $0xffff  }
0xb7: {  	v17 =	vld.idx.msk [tilespmem:v1+s6+$0xC20 ss:$0x1], $0xffff  }
0xb8: {  	v4 =	vadd.f32 v7, v4;
	v7 =	vand.u32 $0x7FFFFFFF, v9;
	v9 =	vsub.f32 v18, v19;
	v18 =	vld.idx.msk [tilespmem:v1+s6+$0xCC20 ss:$0x1], $0xffff  }
0xb9: {  	v19 =	vld.idx.msk [tilespmem:v1+s6+$0xC30 ss:$0x1], $0xffff  }
0xba: {  	v4 =	vadd.f32 v7, v4;
	v7 =	vsub.f32 v24, v25;
	v24 =	vld.idx.msk [tilespmem:v1+s6+$0xCC30 ss:$0x1], $0xffff  }
0xbb: {  	v33 =	vsub.f32 v32, v33;
	v10 =	vand.u32 $0x7FFFFFFF, v10;
	v9 =	vand.u32 $0x7FFFFFFF, v9;
	v25 =	vld.idx.msk [tilespmem:v1+s6+$0xCC40 ss:$0x1], $0xffff  }
0xbc: {  	v4 =	vadd.f32 v9, v4;
	v9 =	vsub.f32 v20, v21;
	v20 =	vld.idx.msk [tilespmem:v1+s6+$0xC40 ss:$0x1], $0xffff;
	v7 =	vand.u32 $0x7FFFFFFF, v7  }
0xbd: {  	v40 =	vsub.f32 v40, v41;
	v21 =	vld.idx.msk [tilespmem:v1+s6+$0xCC50 ss:$0x1], $0xffff;
	v7 =	vadd.f32 v10, v7  }
0xbe: {  	v10 =	vsub.f32 v22, v23;
	v23 =	vsub.f32 v30, v31;
	v31 =	vld.idx.msk [tilespmem:v1+s7+$0xC00 ss:$0x1], $0xffff  }
0xbf: {  	v41 =	vand.u32 $0x7FFFFFFF, v33;
	v9 =	vand.u32 $0x7FFFFFFF, v9;
	v22 =	vadd.f32 v29, v7;
	v7 =	vld.idx.msk [tilespmem:v1+s6+$0xC60 ss:$0x1], $0xffff  }
0xc0: {  	v33 =	vand.u32 $0x7FFFFFFF, v40;
	v40 =	vsub.f32 v34, v35;
	v4 =	vadd.f32 v9, v4;
	v9 =	vld.idx.msk [tilespmem:v1+s6+$0xCC60 ss:$0x1], $0xffff  }
0xc1: {  	v39 =	vand.u32 $0x7FFFFFFF, v10;
	v10 =	vld.idx.msk [tilespmem:v1+s6+$0xC70 ss:$0x1], $0xffff  }
0xc2: {  	v29 =	vand.u32 $0x7FFFFFFF, v40;
	v40 =	vld.idx.msk [tilespmem:v1+s7+$0xCC40 ss:$0x1], $0xffff;
	s6 =	sor.u32 $0x6, s25  }
0xc3: {  	s15 =	sor.u32 s24, s6;
	v4 =	vadd.f32 v39, v4;
	v39 =	vadd.f32 v33, v28;
	v28 =	vld.idx.msk [tilespmem:v1+s7+$0xCC00 ss:$0x1], $0xffff  }
0xc4: {  	v33 =	vld.idx.msk [tilespmem:v1+s7+$0xC10 ss:$0x1], $0xffff;
	s15 =	sshll.u32 s15, $0x7  }
0xc5: {  	v2 =	vsub.f32 v12, v2;
	v12 =	vld.idx.msk [tilespmem:v1+s15+$0xC00 ss:$0x1], $0xffff  }
0xc6: {  	v0 =	vsub.f32 v11, v0;
	v11 =	vld.idx.msk [tilespmem:v1+s15+$0xCC00 ss:$0x1], $0xffff  }
0xc7: {  	v59 =	vsub.f32 v62, v63;
	v63 =	vsub.f32 v15, v16;
	v23 =	vand.u32 $0x7FFFFFFF, v23;
	v15 =	vld.idx.msk [tilespmem:v1+s15+$0xC10 ss:$0x1], $0xffff  }
0xc8: {  	v8 =	vsub.f32 v8, v13;
	v22 =	vadd.f32 v23, v22;
	v13 =	vld.idx.msk [tilespmem:v1+s15+$0xCC10 ss:$0x1], $0xffff  }
0xc9: {  	v5 =	vsub.f32 v5, v6;
	v35 =	vand.u32 $0x7FFFFFFF, v46;
	v34 =	vand.u32 $0x7FFFFFFF, v47;
	v46 =	vld.idx.msk [tilespmem:v1+s15+$0xC50 ss:$0x1], $0xffff  }
0xca: {  	v30 =	vand.u32 $0x7FFFFFFF, v38;
	v47 =	vld.idx.msk [tilespmem:v1+s15+$0xCC50 ss:$0x1], $0xffff;
	v22 =	vadd.f32 v41, v22;
	v41 =	vsub.f32 v44, v45  }
0xcb: {  	v21 =	vsub.f32 v26, v21;
	v26 =	vld.idx.msk [tilespmem:v1+s15+$0xC60 ss:$0x1], $0xffff;
	v23 =	vadd.f32 v30, v39  }
0xcc: {  	v57 =	vsub.f32 v52, v53;
	v51 =	vand.u32 $0x7FFFFFFF, v49;
	v49 =	vld.idx.msk [tilespmem:v1+s15+$0xCC60 ss:$0x1], $0xffff;
	v32 =	vand.u32 $0x7FFFFFFF, v41  }
0xcd: {  	v5 =	vand.u32 $0x7FFFFFFF, v5;
	v54 =	vand.u32 $0x7FFFFFFF, v50;
	v30 =	vld.idx.msk [tilespmem:v1+s7+$0xCC10 ss:$0x1], $0xffff;
	v23 =	vadd.f32 v32, v23  }
0xce: {  	v60 =	vand.u32 $0x7FFFFFFF, v57;
	v62 =	vand.u32 $0x7FFFFFFF, v59;
	v45 =	vand.u32 $0x7FFFFFFF, v43;
	v39 =	vld.idx.msk [tilespmem:v1+s7+$0xC40 ss:$0x1], $0xffff  }
0xcf: {  	v3 =	vsub.f32 v3, v14;
	v44 =	vand.u32 $0x7FFFFFFF, v42;
	v42 =	vld.idx.msk [tilespmem:v1+s7+$0xC50 ss:$0x1], $0xffff;
	v23 =	vadd.f32 v45, v23  }
0xd0: {  	v56 =	vsub.f32 v56, v58;
	v38 =	vand.u32 $0x7FFFFFFF, v48;
	v22 =	vadd.f32 v29, v22;
	v29 =	vld.idx.msk [tilespmem:v1+s7+$0xCC20 ss:$0x1], $0xffff  }
0xd1: {  	v2 =	vand.u32 $0x7FFFFFFF, v2;
	v34 =	vadd.f32 v38, v34;
	v32 =	vld.idx.msk [tilespmem:v1+s7+$0xCC30 ss:$0x1], $0xffff;
	v23 =	vadd.f32 v35, v23  }
0xd2: {  	v0 =	vand.u32 $0x7FFFFFFF, v0;
	v24 =	vsub.f32 v19, v24;
	v7 =	vsub.f32 v7, v9;
	v45 =	vld.idx.msk [tilespmem:v1+s7+$0xC70 ss:$0x1], $0xffff  }
0xd3: {  	v8 =	vand.u32 $0x7FFFFFFF, v8;
	v35 =	vld.idx.msk [tilespmem:v1+s7+$0xCC50 ss:$0x1], $0xffff;
	s7 =	sor.u32 $0x7, s25;
	v6 =	vadd.f32 v51, v23;
	v23 =	vadd.f32 v54, v34  }
0xd4: {  	v38 =	vand.u32 $0x7FFFFFFF, v55;
	v43 =	vld.idx.msk [tilespmem:v1+s15+$0xCC40 ss:$0x1], $0xffff;
	v10 =	vsub.f32 v10, v27;
	v22 =	vadd.f32 v44, v22;
	s8 =	sor.u32 s24, s7  }
0xd5: {  	v3 =	vand.u32 $0x7FFFFFFF, v3;
	v44 =	vsub.f32 v36, v29;
	v29 =	vld.idx.msk [tilespmem:v1+s15+$0xCC70 ss:$0x1], $0xffff;
	s8 =	sshll.u32 s8, $0x7;
	v23 =	vadd.f32 v38, v23  }
0xd6: {  	v14 =	vand.u32 $0x7FFFFFFF, v63;
	v28 =	vsub.f32 v31, v28;
	v11 =	vsub.f32 v12, v11;
	v54 =	vld.idx.msk [tilespmem:v1+s8+$0xC00 ss:$0x1], $0xffff  }
0xd7: {  	v16 =	vand.u32 $0x7FFFFFFF, v24;
	v5 =	vadd.f32 v5, v22;
	v55 =	vld.idx.msk [tilespmem:v1+s8+$0xCC00 ss:$0x1], $0xffff;
	v22 =	vadd.f32 v62, v23  }
0xd8: {  	v21 =	vand.u32 $0x7FFFFFFF, v21;
	v13 =	vsub.f32 v15, v13;
	v31 =	vsub.f32 v33, v30;
	v57 =	vld.idx.msk [tilespmem:v1+s8+$0xC10 ss:$0x1], $0xffff  }
0xd9: {  	v7 =	vand.u32 $0x7FFFFFFF, v7;
	v49 =	vsub.f32 v26, v49;
	v59 =	vld.idx.msk [tilespmem:v1+s8+$0xCC10 ss:$0x1], $0xffff;
	v2 =	vadd.f32 v2, v22  }
0xda: {  	v33 =	vsub.f32 v20, v25;
	v19 =	vand.u32 $0x7FFFFFFF, v31;
	v63 =	vld.idx.msk [tilespmem:v1+s8+$0xCC20 ss:$0x1], $0xffff;
	v22 =	vsub.f32 v17, v18  }
0xdb: {  	v31 =	vld.idx.msk [tilespmem:v1+s8+$0xC30 ss:$0x1], $0xffff;
	v0 =	vadd.f32 v0, v2;
	v2 =	vadd.f32 v14, v3;
	v14 =	vand.u32 $0x7FFFFFFF, v28  }
0xdc: {  	v48 =	vsub.f32 v37, v32;
	v34 =	vld.idx.msk [tilespmem:v1+s8+$0xC40 ss:$0x1], $0xffff;
	v23 =	vand.u32 $0x7FFFFFFF, v22;
	v14 =	vadd.f32 v19, v14  }
0xdd: {  	v51 =	vsub.f32 v39, v40;
	v39 =	vld.idx.msk [tilespmem:v1+s8+$0xC60 ss:$0x1], $0xffff;
	v2 =	vadd.f32 v23, v2;
	v23 =	vand.u32 $0x7FFFFFFF, v44  }
0xde: {  	v11 =	vand.u32 $0x7FFFFFFF, v11;
	v13 =	vand.u32 $0x7FFFFFFF, v13;
	v41 =	vld.idx.msk [tilespmem:v1+s8+$0xCC60 ss:$0x1], $0xffff;
	v14 =	vadd.f32 v23, v14  }
0xdf: {  	v11 =	vadd.f32 v13, v11;
	v50 =	vand.u32 $0x7FFFFFFF, v48;
	v62 =	vld.idx.msk [tilespmem:v1+s8+$0xC20 ss:$0x1], $0xffff;
	v2 =	vadd.f32 v16, v2  }
0xe0: {  	v61 =	vsub.f32 v45, v61;
	v17 =	vld.idx.msk [tilespmem:v1+s15+$0xC20 ss:$0x1], $0xffff;
	v16 =	vand.u32 $0x7FFFFFFF, v33;
	v14 =	vadd.f32 v50, v14  }
0xe1: {  	v52 =	vand.u32 $0x7FFFFFFF, v51;
	v53 =	vsub.f32 v42, v35;
	v3 =	vld.idx.msk [tilespmem:v1+s15+$0xCC20 ss:$0x1], $0xffff;
	v2 =	vadd.f32 v16, v2  }
0xe2: {  	v10 =	vand.u32 $0x7FFFFFFF, v10;
	v6 =	vadd.f32 v60, v6;
	v18 =	vld.idx.msk [tilespmem:v1+s15+$0xC30 ss:$0x1], $0xffff;
	v9 =	vadd.f32 v52, v14  }
0xe3: {  	(xrf2) =	vadd.scan.msk.f32 $0xffff, v4;
	v0 =	vadd.f32 v8, v0;
	v8 =	vld.idx.msk [tilespmem:v1+s15+$0xCC30 ss:$0x1], $0xffff;
	v2 =	vadd.f32 v21, v2;
	v21 =	vand.u32 $0x7FFFFFFF, v53  }
0xe4: {  	(xrf2) =	vadd.scan.msk.f32 $0xffff, v5;
	v5 =	vand.u32 $0x7FFFFFFF, v49;
	v32 =	vsub.f32 v54, v55;
	v33 =	vld.idx.msk [tilespmem:v1+s8+$0xCC30 ss:$0x1], $0xffff;
	v58 =	vadd.f32 v21, v9  }
0xe5: {  	v60 =	vand.u32 $0x7FFFFFFF, v56;
	v22 =	vld.idx.msk [tilespmem:v1+s15+$0xC40 ss:$0x1], $0xffff;
	v9 =	vsub.f32 v57, v59;
	v2 =	vadd.f32 v7, v2  }
0xe6: {  	v35 =	vld.idx.msk [tilespmem:v1+s8+$0xCC40 ss:$0x1], $0xffff;
	v51 =	vsub.f32 v39, v41;
	v12 =	vand.u32 $0x7FFFFFFF, v32;
	v3 =	vsub.f32 v17, v3  }
0xe7: {  	v36 =	vld.idx.msk [tilespmem:v1+s8+$0xC50 ss:$0x1], $0xffff;
	v9 =	vand.u32 $0x7FFFFFFF, v9;
	v2 =	vadd.f32 v10, v2;
	v10 =	vsub.f32 v62, v63  }
0xe8: {  	v37 =	vld.idx.msk [tilespmem:v1+s8+$0xCC50 ss:$0x1], $0xffff;
	v8 =	vsub.f32 v18, v8;
	v3 =	vand.u32 $0x7FFFFFFF, v3;
	v9 =	vadd.f32 v9, v12  }
0xe9: {  	v28 =	vld.idx.msk [tilespmem:v1+s15+$0xC70 ss:$0x1], $0xffff;
	v3 =	vadd.f32 v3, v11;
	v38 =	vsub.f32 v31, v33;
	v10 =	vand.u32 $0x7FFFFFFF, v10  }
0xea: {  	v45 =	vld.idx.msk [tilespmem:v1+s8+$0xCC70 ss:$0x1], $0xffff;
	v40 =	vsub.f32 v22, v43;
	v8 =	vand.u32 $0x7FFFFFFF, v8;
	v9 =	vadd.f32 v10, v9  }
0xeb: {  	v44 =	vld.idx.msk [tilespmem:v1+s8+$0xC70 ss:$0x1], $0xffff;
	v43 =	vsub.f32 v34, v35;
	v3 =	vadd.f32 v8, v3;
	v42 =	vand.u32 $0x7FFFFFFF, v38  }
0xec: {  	v19 =	vsub.f32 v46, v47;
	v46 =	vand.u32 $0x7FFFFFFF, v40;
	v8 =	vadd.f32 v42, v9  }
0xed: {  	(xrf2) =	vadd.scan.msk.f32 $0xffff, v6;
	v47 =	vsub.f32 v36, v37;
	v48 =	vand.u32 $0x7FFFFFFF, v43;
	v3 =	vadd.f32 v46, v3  }
0xee: {  	(xrf2) =	vadd.scan.msk.f32 $0xffff, v0;
	v50 =	vand.u32 $0x7FFFFFFF, v19;
	v0 =	vsub.f32 v28, v29;
	v8 =	vadd.f32 v48, v8  }
0xef: {  	v4 =	vand.u32 $0x7FFFFFFF, v47;
	v7 =	vadd.f32 v60, v58;
	v3 =	vadd.f32 v50, v3  }
0xf0: {  	v25 =	vand.u32 $0x7FFFFFFF, v61;
	v53 =	vsub.f32 v44, v45;
	v4 =	vadd.f32 v4, v8  }
0xf1: {  	v6 =	vand.u32 $0x7FFFFFFF, v51;
	v7 =	vadd.f32 v25, v7;
	v3 =	vadd.f32 v5, v3  }
0xf2: {  	v0 =	vand.u32 $0x7FFFFFFF, v0;
	(xrf2) =	vadd.scan.msk.f32 $0xffff, v2;
	v2 =	vadd.f32 v6, v4  }
0xf3: {  	(xrf2) =	vadd.scan.msk.f32 $0xffff, v7;
	v0 =	vadd.f32 v0, v3;
	v3 =	vand.u32 $0x7FFFFFFF, v53  }
0xf4: {  	v2 =	vadd.f32 v3, v2  }
0xf5: {  	v58 =	vld [tilespmem:$0x1FFE0];
	(xrf2) =	vadd.scan.msk.f32 $0xffff, v0  }
0xf6: {  	(xrf2) =	vadd.scan.msk.f32 $0xffff, v2  }
0xf7: {  	v54 =	vmov s26;
	v55 =	vmov s28;
	v0, _, _ =	vpop (xrf2)  }
0xf8: {  	v52 =	vlaneseq.u32;
	v0 =	vbroadcast v0, $0xF;
	v3, _, _ =	vpop (xrf2);
	v2 =	vmov s25  }
0xf9: {  	vm9 =	veq.s32 v54, v52;
	v56, _, _ =	vpop (xrf2);
	vm0 =	veq.s32 v2, v52;
	v2 =	vbroadcast v3, $0xF  }
0xfa: {  	vm10 =	veq.s32 v55, v52;
	v59 =	vbroadcast v56, $0xF;
	v3, _, _ =	vpop (xrf2);
	v0 =	vsel vm0, v0, v58  }
0xfb: {  	v57 =	vmov s29;
	v0 =	vsel vm9, v2, v0;
	v2 =	vbroadcast v3, $0xF  }
0xfc: {  	vm11 =	veq.s32 v57, v52;
	v3, _, _ =	vpop (xrf2);
	v0 =	vsel vm10, v59, v0  }
0xfd: {  	v61 =	vmov s30;
	v60, _, _ =	vpop (xrf2);
	v0 =	vsel vm11, v2, v0;
	v2 =	vbroadcast v3, $0xF  }
0xfe: {  	p2 =	por p1, p1;
	vm12 =	veq.s32 v61, v52;
	v3 =	vmov s5;
	v4 =	vbroadcast v60, $0xF  }
.Ltmp0:
0xff: {  	v62, _, _ =	vpop (xrf2);
	vm13 =	veq.s32 v3, v52;
	v0 =	vsel vm12, v2, v0;
	(pc) =	sbr.rel @p2 .LBB2_4-.Ltmp0, $4  }
0x100: {  	v3 =	vbroadcast v62, $0xF;
	v2 =	vmov s6;
	v0 =	vsel vm13, v4, v0;
	v63, _, _ =	vpop (xrf2)  }
0x101: {  	vm14 =	veq.s32 v2, v52;
	v2 =	vmov s7;
	v4 =	vbroadcast v63, $0xF  }
0x102: {  	v0 =	vsel vm14, v3, v0;
	vm15 =	veq.s32 v2, v52  }
0x103: {  	p1 =	por $0x0, $0x0;
	s25 =	simm.s32 $0x8;
	v2 =	vsel vm15, v4, v0  }
0x104: {  	v0 =	vld [tilespmem:$0x1FFF0];
	_ =	sdelay $0x1  }
0x105: {  	s23 =	sadd.s32 $0x1, s23  }
0x106: {  	p1 =	sne.s32 s23, $0x4  }
.Ltmp1:
0x107: {  	_ = 	snop;
	(pc) =	sbr.rel @p1 .LBB2_3-.Ltmp1, $3  }
0x108: {  	_ =	sdelay $0x1  }
0x109: {  	s5 =	sand.u32 $0x3FFFFFF0, s24  }
0x10a: {  	[tilespmem:v0+s5+$0x0 ss:$0x1] =	vst.idx.msk $0xffff, v2  }
0x10b: {  	p1 =	sgt.u32 s2, $0x9  }
0x10c: {  	s5 =	sadd.s32 @!p1 $0xC00, s22;
	s2 =	sshll.u32 @!p1 s2, $0x6  }
0x10d: {  	s7 =	sadd.s32 @!p1 $0x1, s16;
	s8 =	simm.s32 @!p1 $0x40;
	s6 =	sadd.s32 @!p1 $0x180, s2  }
0x10e: {  	[tilespmem:s5], [sflag:s7] =	stream.indirect.gather @!p1 [hbm4b:s0+s8], $0x80, s6, s8, $0xb8;
	[tilespmem:$0x1AF40] =	vst v63  }
0x10f: {  	s2 =	sadd.s32 @!p1 $0x580, s2;
	s5 =	sadd.s32 @!p1 $0xCC00, s22  }
0x110: {  	[tilespmem:s5], [sflag:s18] =	stream.indirect.gather @!p1 [hbm4b:s0+s8], $0x80, s2, s8, $0xb8;
	[tilespmem:$0x1AF40] =	vst v63  }
0x111: {  	p1 =	sne.s32 s14, $0x10  }
.Ltmp2:
0x112: {  	_ = 	snop;
	(pc) =	sbr.rel @p1 .LBB2_2-.Ltmp2, $2  }
0x113: {  	_ =	sdelay $0x2  }
0x114: {  	s2 =	smov.u32 s14  }
0x115: {  	s2 =	simm.s32 $0x18C00  }
0x116: {  	[hbm4b:s11+s4] =	stream.linear.scatter [tilespmem:s2], [sflag:$0x1], $0x200, $0x38;
	[tilespmem:$0x1AF40] =	vst v63  }
0x117: {  	s30 =	simm.s32 $0x18E00;
	s1 =	sadd.s32 $0x1, s1  }
0x118: {  	[hbm4b:s12+s4] =	stream.linear.scatter [tilespmem:s30], [sflag:$0x7], $0x200, $0x38;
	[tilespmem:$0x1AF40] =	vst v63  }
0x119: {  	p1 =	sne.s32 s1, s13;
	_ =	swait.ge [sflag:s19], $0x200  }
.Ltmp3:
0x11a: {  	[sflag:s19] =	ssyncset.done $0x0;
	(pc) =	sbr.rel @p1 .LBB2_1-.Ltmp3, $4  }
0x11b: {  	[sflag:s19] =	ssyncadd.s32 $0xFFFFFE00  }
0x11c: {  	_ =	swait.ge [sflag:s31], $0x200  }
0x11d: {  	[sflag:s31] =	ssyncset.done $0x0  }
0x11e: {  	[sflag:s31] =	ssyncadd.s32 $0xFFFFFE00  }
0x11f: {  	_ =	sfence.sel $0x180000  }
0x120: {  	[bflag:$0x0] =	sbarrier.arrive $0xFFFF  }
0x121: {  	_ =	strace $0x90000047  }
0x122: {  	[bflag:$0x2] =	sbarrier.arrive $0xFFFF  }
0x123: {  	s0 =	rddreg [dreg:$0xb]  }
0x124: {  	s0 =	sadd.s32 @!p0 $0x100000, s0  }
0x125: {  	[sflag:s0] =	ssyncadd.tile.s32 @!p0 $0x1;
	_ =	shalt  }
.Lfunc_end2:
_tile_overlayer_lowered:
.L_overlay_start_2:
0x126: {  	(tag) =	ssettag $0x2  }
0x127: {  	s0 =	rddreg [dreg:$0x0];
	s2 =	stileid.u32  }
0x128: {  	s1 =	rddreg [dreg:$0x1];
	p0 =	sne.s32 s2, $0x0  }
0x129: {  	s3 =	rddreg [dreg:$0x2];
	[bflag:$0x3] =	sbarrier.arrive $0xFFFF;
	s2 =	simm.s32 @!p0 $0x1C13  }
0x12a: {  	[timem:s3], [sflag:s2] =	dma.local @!p0 [hbm:s0], s1  }
0x12b: {  	s0 =	simm.s32 @!p0 $0x13  }
0x12c: {  	_ =	swait.ge @!p0 [sflag:s0], s1  }
0x12d: {  	s1 =	ssub.s32 @!p0 $0x0, s1;
	[sflag:s0] =	ssyncset.done @!p0 $0x0  }
0x12e: {  	[sflag:s0] =	ssyncadd.s32 @!p0 s1  }
0x12f: {  	[bflag:$0x3] =	sbarrier.arrive $0xFFFF  }
0x130: {  	_ =	shalt  }

</sc_bundles>
